<compile_context>
chip_gen: v7x
topology: tpu7x:2x2x1
jax: 0.10.2.dev20260603
libtpu: 0.0.44.dev20260713+nightly
codegen_flags: <defaults>
</compile_context>

<pallas_src>
import functools

import jax
import jax.numpy as jnp
from jax import lax
from jax.experimental import pallas as pl
from jax.experimental.pallas import tpu as pltpu
from jax.experimental.pallas import tpu_sc as plsc

N = 10000
E = 320000
D = 128
B = 64
NC = 2
NS = 16
NW = NC * NS
N1 = 10240
STRIPE = N1 // NS
CHUNK = 80
EPT = E // NW
NCH = EPT // CHUNK
GRPC = 48
NTRI = NCH // 3
RB = 1024
NRB = N1 // RB

_mesh = plsc.VectorSubcoreMesh(core_axis_name="c", subcore_axis_name="s")


@functools.partial(
    pl.kernel,
    out_type=jax.ShapeDtypeStruct((NC, N1), jnp.float32),
    mesh=_mesh,
    scratch_types=[
        pltpu.VMEM((EPT,), jnp.int32),
        pltpu.VMEM((CHUNK,), jnp.float32),
        pltpu.VMEM((STRIPE,), jnp.float32),
        pltpu.VMEM_SHARED((N1,), jnp.float32),
        pltpu.SemaphoreType.DMA,
        pltpu.SemaphoreType.DMA,
        pltpu.SemaphoreType.DMA,
    ],
)
def _deg_kernel(edge_hbm, deg_hbm, idxb, ones_v, zb, acc, dsm0, dsm1, dsm2):
    c = lax.axis_index("c")
    sid = lax.axis_index("s")
    g = c * NS + sid
    base = sid * STRIPE

    def fill(k, _):
        zb[pl.ds(k * 16, 16)] = jnp.zeros((16,), jnp.float32)
        return 0

    lax.fori_loop(0, STRIPE // 16, fill, 0)

    def fill1(k, _):
        ones_v[pl.ds(k * 16, 16)] = jnp.ones((16,), jnp.float32)
        return 0

    lax.fori_loop(0, CHUNK // 16, fill1, 0)
    pltpu.sync_copy(zb, acc.at[pl.ds(base, STRIPE)])
    plsc.subcore_barrier()

    pltpu.sync_copy(edge_hbm.at[1, g], idxb)

    dsems = (dsm0, dsm1, dsm2)

    def body(t, _):
        for k in range(3):
            ch = 3 * t + k
            dref = acc.at[idxb.at[pl.ds(ch * CHUNK, CHUNK)]]

            @pl.when(ch >= 3)
            def _():
                pltpu.make_async_copy(ones_v, dref, dsems[k]).wait()

            pltpu.async_copy(ones_v, dref, dsems[k], add=True)
        return 0

    lax.fori_loop(0, NCH // 3, body, 0)
    for ch in range(3 * (NCH // 3), NCH):
        k = ch % 3
        dref = acc.at[idxb.at[pl.ds(ch * CHUNK, CHUNK)]]
        pltpu.make_async_copy(ones_v, dref, dsems[k]).wait()
        pltpu.async_copy(ones_v, dref, dsems[k], add=True)
    for ch in range(NCH - 3, NCH):
        k = ch % 3
        dref = acc.at[idxb.at[pl.ds(ch * CHUNK, CHUNK)]]
        pltpu.make_async_copy(ones_v, dref, dsems[k]).wait()
    plsc.subcore_barrier()
    pltpu.sync_copy(acc.at[pl.ds(base, STRIPE)], deg_hbm.at[c, pl.ds(base, STRIPE)])


@functools.partial(
    pl.kernel,
    out_type=jax.ShapeDtypeStruct((NC, N1, D), jnp.float32),
    mesh=_mesh,
    scratch_types=[
        pltpu.VMEM((EPT,), jnp.int32),
        pltpu.VMEM((GRPC * CHUNK,), jnp.int32),
        pltpu.VMEM((CHUNK, D), jnp.float32),
        pltpu.VMEM((CHUNK, D), jnp.float32),
        pltpu.VMEM((CHUNK, D), jnp.float32),
        pltpu.VMEM_SHARED((N1, D), jnp.float32),
        pltpu.SemaphoreType.DMA,
        pltpu.SemaphoreType.DMA,
        pltpu.SemaphoreType.DMA,
        pltpu.SemaphoreType.DMA,
        pltpu.SemaphoreType.DMA,
        pltpu.SemaphoreType.DMA,
    ],
)
def _agg_kernel(edge_hbm, dstg_hbm, tbl_hbm, out_hbm, idx_s, idx_d, rows0,
                rows1, rows2, acc, sem0, sem1, sem2, ssm0, ssm1, ssm2):
    c = lax.axis_index("c")
    sid = lax.axis_index("s")
    g = c * NS + sid
    base = sid * STRIPE

    def zr(r, _):
        def zc(k, _):
            rows0[r, pl.ds(k * 16, 16)] = jnp.zeros((16,), jnp.float32)
            return 0

        return lax.fori_loop(0, D // 16, zc, 0)

    lax.fori_loop(0, CHUNK, zr, 0)

    def zs(k, _):
        pltpu.sync_copy(rows0, acc.at[pl.ds(base + k * CHUNK, CHUNK)])
        return 0

    lax.fori_loop(0, STRIPE // CHUNK, zs, 0)
    plsc.subcore_barrier()

    pltpu.sync_copy(edge_hbm.at[0, g], idx_s)

    def sidx(ch):
        return idx_s.at[pl.ds(ch * CHUNK, CHUNK)]

    rows = (rows0, rows1, rows2)
    sems = (sem0, sem1, sem2)
    ssems = (ssm0, ssm1, ssm2)
    for k in range(3):
        pltpu.async_copy(tbl_hbm.at[sidx(k)], rows[k], sems[k])

    def make_triple(grp):
        def triple(t, _):
            for k in range(3):
                ch = 3 * t + k
                rel = ch - grp * GRPC
                dref = acc.at[idx_d.at[pl.ds(rel * CHUNK, CHUNK)]]
                pltpu.make_async_copy(tbl_hbm.at[sidx(ch)], rows[k], sems[k]).wait()
                pltpu.async_copy(rows[k], dref, ssems[k], add=True)

                @pl.when(ch + 3 < NCH)
                def _():
                    pltpu.make_async_copy(rows[k], dref, ssems[k]).wait()
                    pltpu.async_copy(tbl_hbm.at[sidx(ch + 3)], rows[k], sems[k])

            return 0

        return triple

    for grp in range(3):
        t0 = grp * GRPC // 3
        t1 = t0 + min(GRPC, 3 * (NTRI - t0)) // 3
        pltpu.sync_copy(dstg_hbm.at[g, pl.ds(grp * GRPC * CHUNK, GRPC * CHUNK)],
                        idx_d)
        lax.fori_loop(t0, t1, make_triple(grp), 0)

    for ch in range(3 * NTRI, NCH):
        k = ch % 3
        rel = ch - 2 * GRPC
        pltpu.make_async_copy(tbl_hbm.at[sidx(ch)], rows[k], sems[k]).wait()
        pltpu.async_copy(rows[k], acc.at[idx_d.at[pl.ds(rel * CHUNK, CHUNK)]],
                         ssems[k], add=True)
    for ch in range(NCH - 3, NCH):
        k = ch % 3
        rel = ch - 2 * GRPC
        pltpu.make_async_copy(rows[k], acc.at[idx_d.at[pl.ds(rel * CHUNK, CHUNK)]],
                              ssems[k]).wait()
    plsc.subcore_barrier()

    def wo(k, _):
        r0 = base + k * 128
        pltpu.sync_copy(acc.at[pl.ds(r0, 128)], out_hbm.at[c, pl.ds(r0, 128)])
        return 0

    lax.fori_loop(0, STRIPE // 128, wo, 0)


def _dis_of(deg_ref):
    deg = deg_ref[0] + deg_ref[1]
    return jnp.where(deg > 0, lax.rsqrt(jnp.maximum(deg, 1e-12)), 0.0)


def _scale_body(x_ref, deg_ref, w_ref, o_ref):
    dis = _dis_of(deg_ref)
    xw = jnp.dot(x_ref[...], w_ref[...], preferred_element_type=jnp.float32)
    o_ref[...] = xw * dis[:, None]


def _mid_body(acc_ref, s_ref, deg_ref, b1_ref, w2_ref, o_ref):
    dis = _dis_of(deg_ref)
    hp = acc_ref[0] + acc_ref[1] + s_ref[...]
    h = jnp.maximum(hp * dis[:, None] + b1_ref[...], 0.0)
    o_ref[...] = jnp.dot(h, w2_ref[...], preferred_element_type=jnp.float32) * dis[:, None]


def _head_body(acc_ref, s_ref, deg_ref, b2_ref, bt_ref, wl1_ref, bl1_ref,
               wl2_ref, bl2_ref, o_ref, pooled, cnt):
    i = pl.program_id(0)

    @pl.when(i == 0)
    def _():
        pooled[...] = jnp.zeros_like(pooled)
        cnt[...] = jnp.zeros_like(cnt)

    dis = _dis_of(deg_ref)
    h2 = (acc_ref[0] + acc_ref[1] + s_ref[...]) * dis[:, None] + b2_ref[...]
    bt = bt_ref[0, 0]
    ohT = (lax.broadcasted_iota(jnp.int32, (B, RB), 0) == bt[None, :]).astype(jnp.float32)
    pooled[...] += jnp.dot(ohT, h2, preferred_element_type=jnp.float32)
    cnt[...] += jnp.sum(ohT, axis=1, keepdims=True)

    @pl.when(i == NRB - 1)
    def _():
        pm = pooled[...] / jnp.maximum(cnt[...], 1.0)
        z = jnp.maximum(
            jnp.dot(pm, wl1_ref[...], preferred_element_type=jnp.float32)
            + bl1_ref[...], 0.0)
        logit = jnp.sum(z * wl2_ref[...], axis=1, keepdims=True) + bl2_ref[...]
        o_ref[...] = 1.0 / (1.0 + jnp.exp(-logit))


def kernel(x, edge_index, batch, W1, b1, W2, b2, Wl1, bl1, Wl2, bl2):
    f32 = jnp.float32
    edge3 = edge_index.reshape(2, NW, EPT)
    dstg = jnp.pad(edge_index[1].reshape(NW, EPT),
                   ((0, 0), (0, 3 * GRPC * CHUNK - EPT)),
                   constant_values=N1 - 1)
    xp = jnp.pad(x, ((0, N1 - N), (0, 0)))
    btp = jnp.pad(batch, (0, N1 - N), constant_values=B).reshape(NRB, 1, RB)
    b1r = b1.reshape(1, D)
    b2r = b2.reshape(1, D)
    bl1r = bl1.reshape(1, 64)
    wl2r = Wl2.reshape(1, 64)
    bl2r = bl2.reshape(1, 1)

    degp = _deg_kernel(edge3)

    s1 = pl.pallas_call(
        _scale_body,
        grid=(NRB,),
        in_specs=[
            pl.BlockSpec((RB, D), lambda i: (i, 0)),
            pl.BlockSpec((NC, RB), lambda i: (0, i)),
            pl.BlockSpec((D, D), lambda i: (0, 0)),
        ],
        out_specs=pl.BlockSpec((RB, D), lambda i: (i, 0)),
        out_shape=jax.ShapeDtypeStruct((N1, D), f32),
    )(xp, degp, W1)

    acc1 = _agg_kernel(edge3, dstg, s1)

    s2 = pl.pallas_call(
        _mid_body,
        grid=(NRB,),
        in_specs=[
            pl.BlockSpec((NC, RB, D), lambda i: (0, i, 0)),
            pl.BlockSpec((RB, D), lambda i: (i, 0)),
            pl.BlockSpec((NC, RB), lambda i: (0, i)),
            pl.BlockSpec((1, D), lambda i: (0, 0)),
            pl.BlockSpec((D, D), lambda i: (0, 0)),
        ],
        out_specs=pl.BlockSpec((RB, D), lambda i: (i, 0)),
        out_shape=jax.ShapeDtypeStruct((N1, D), f32),
    )(acc1, s1, degp, b1r, W2)

    acc2 = _agg_kernel(edge3, dstg, s2)

    out = pl.pallas_call(
        _head_body,
        grid=(NRB,),
        in_specs=[
            pl.BlockSpec((NC, RB, D), lambda i: (0, i, 0)),
            pl.BlockSpec((RB, D), lambda i: (i, 0)),
            pl.BlockSpec((NC, RB), lambda i: (0, i)),
            pl.BlockSpec((1, D), lambda i: (0, 0)),
            pl.BlockSpec((1, 1, RB), lambda i: (i, 0, 0)),
            pl.BlockSpec((D, 64), lambda i: (0, 0)),
            pl.BlockSpec((1, 64), lambda i: (0, 0)),
            pl.BlockSpec((1, 64), lambda i: (0, 0)),
            pl.BlockSpec((1, 1), lambda i: (0, 0)),
        ],
        out_specs=pl.BlockSpec((B, 1), lambda i: (0, 0)),
        out_shape=jax.ShapeDtypeStruct((B, 1), f32),
        scratch_shapes=[
            pltpu.VMEM((B, D), f32),
            pltpu.VMEM((B, 1), f32),
        ],
    )(acc2, s2, degp, b2r, btp, Wl1, bl1r, wl2r, bl2r)

    return out

# --- scband reference (transcript-rebuilt; emitter-appended) ---
"""Pipeline reference for scband-gcn-61229053772176 (READ-ONLY COPY).

The authoritative reference and input builder live on the scoring server;
editing this copy changes nothing except your own understanding.
"""

import jax, jax.numpy as jnp
import numpy as np

N = 10000
E = 320000
D_IN = 128
D_HID = 128
D_OUT = 64
B = 64


def setup_inputs(seed: int = 0) -> dict:
    key = jax.random.key(seed)
    ks = jax.random.split(key, 12)
    x = jax.random.normal(ks[0], (N, D_IN), dtype=jnp.float32)
    edge_index = jax.random.randint(ks[1], (2, E), 0, N, dtype=jnp.int32)
    batch = jnp.sort(jax.random.randint(ks[2], (N,), 0, B, dtype=jnp.int32))
    W1 = jax.random.normal(ks[3], (D_IN, D_HID), dtype=jnp.float32) * (1.0 / np.sqrt(D_IN))
    b1 = jnp.zeros((D_HID,), dtype=jnp.float32)
    W2 = jax.random.normal(ks[4], (D_HID, D_HID), dtype=jnp.float32) * (1.0 / np.sqrt(D_HID))
    b2 = jnp.zeros((D_HID,), dtype=jnp.float32)
    Wl1 = jax.random.normal(ks[5], (D_HID, D_OUT), dtype=jnp.float32) * (1.0 / np.sqrt(D_HID))
    bl1 = jnp.zeros((D_OUT,), dtype=jnp.float32)
    Wl2 = jax.random.normal(ks[6], (D_OUT, 1), dtype=jnp.float32) * (1.0 / np.sqrt(D_OUT))
    bl2 = jnp.zeros((1,), dtype=jnp.float32)
    return {"x": x, "edge_index": edge_index, "batch": batch,
            "W1": W1, "b1": b1, "W2": W2, "b2": b2,
            "Wl1": Wl1, "bl1": bl1, "Wl2": Wl2, "bl2": bl2}


def _gcn_conv(x, src, dst, W, b):
    # PyG GCNConv: add self-loops, symmetric normalization D^-1/2 (A+I) D^-1/2
    xw = x @ W
    loop = jnp.arange(N, dtype=src.dtype)
    s = jnp.concatenate([src, loop])
    d = jnp.concatenate([dst, loop])
    deg = jax.ops.segment_sum(jnp.ones_like(d, dtype=xw.dtype), d, num_segments=N)
    dis = jnp.where(deg > 0, jax.lax.rsqrt(jnp.maximum(deg, 1e-12)), 0.0)
    norm = dis[s] * dis[d]
    msg = jnp.take(xw, s, axis=0) * norm[:, None]
    out = jax.ops.segment_sum(msg, d, num_segments=N)
    return out + b


def reference(x, edge_index, batch, W1, b1, W2, b2, Wl1, bl1, Wl2, bl2):
    src = edge_index[0]
    dst = edge_index[1]
    h = jax.nn.relu(_gcn_conv(x, src, dst, W1, b1))
    h = _gcn_conv(h, src, dst, W2, b2)
    # global_mean_pool over graph ids
    sums = jax.ops.segment_sum(h, batch, num_segments=B)
    cnt = jax.ops.segment_sum(jnp.ones((N,), dtype=h.dtype), batch, num_segments=B)
    pooled = sums / jnp.maximum(cnt, 1.0)[:, None]
    z = jax.nn.relu(pooled @ Wl1 + bl1)
    out = jax.nn.sigmoid(z @ Wl2 + bl2)
    return out

if __name__ == "__main__":
    import jax
    _d = setup_inputs()
    print(jax.jit(kernel)(*tuple(_d.values())))

</pallas_src>

<mosaic_0001>
#map = affine_map<(d0, d1) -> (0, 0, 0)>
#map1 = affine_map<(d0, d1) -> (0, 0)>
module attributes {stable_mosaic.version = 14 : i64} {
  func.func @_deg_kernel(%arg0: i32, %arg1: i32, %arg2: memref<2x32x10000xi32, #tpu.memory_space<hbm>>, %arg3: memref<2x10240xf32, #tpu.memory_space<hbm>>, %arg4: memref<10000xi32, #tpu.memory_space<vmem>>, %arg5: memref<80xf32, #tpu.memory_space<vmem>>, %arg6: memref<640xf32, #tpu.memory_space<vmem>>, %arg7: memref<10240xf32, #tpu.memory_space<vmem_shared>>, %arg8: memref<!tpu.dma_semaphore, #tpu.memory_space<semaphore_mem>>, %arg9: memref<!tpu.dma_semaphore, #tpu.memory_space<semaphore_mem>>, %arg10: memref<!tpu.dma_semaphore, #tpu.memory_space<semaphore_mem>>) attributes {dimension_semantics = [#tpu.dimension_semantics<core_parallel>, #tpu.dimension_semantics<subcore_parallel>], iteration_bounds = array<i64: 2, 16>, scalar_prefetch = 0 : i64, scratch_operands = 7 : i64, tpu.core_type = #tpu.core_type<sc_vector_subcore>, window_params = [{transform_indices = #map}, {transform_indices = #map1}]} {
    %mul3A = arith.constant 16 : i32
    %mul3A_0 = arith.muli %arg0, %mul3A : i32
    %add3A = arith.addi %mul3A_0, %arg1 : i32
    %mul3A_1 = arith.constant 640 : i32
    %mul3A_2 = arith.muli %arg1, %mul3A_1 : i32
    %scan3A = arith.constant 0 : i32
    %scan3A_3 = arith.constant 0 : i32
    %scan3A_4 = arith.constant 40 : i32
    %scan3A_5 = arith.addi %scan3A_3, %scan3A_4 : i32
    %scan3A_6 = arith.constant 1 : i32
    %scan3A_7 = scf.for %scan3A_50 = %scan3A_3 to %scan3A_5 step %scan3A_6 iter_args(%scan3A_51 = %scan3A) -> (i32)  : i32 {
      %broadcast_in_dim3A = arith.constant 0.000000e+00 : f32
      %broadcast_in_dim3A_52 = vector.broadcast %broadcast_in_dim3A : f32 to vector<16xf32>
      %mul3A_53 = arith.constant 16 : i32
      %mul3A_54 = arith.muli %scan3A_50, %mul3A_53 : i32
      %swap3A = arith.index_cast %mul3A_54 : i32 to index
      %swap3A_55 = tpu.vector_load %arg6[%swap3A] {strides = array<i32>} : memref<640xf32, #tpu.memory_space<vmem>>, vector<16xf32>,
      %swap3A_56 = vector.shape_cast %swap3A_55 : vector<16xf32> to vector<16xf32>
      %swap3A_57 = vector.shape_cast %broadcast_in_dim3A_52 : vector<16xf32> to vector<16xf32>
      tpu.vector_store %arg6[%swap3A], %swap3A_57 {strides = array<i32>} : memref<640xf32, #tpu.memory_space<vmem>>, vector<16xf32>,
      %scan3A_58 = arith.constant 0 : i32
      scf.yield %scan3A_58 : i32
    }
    %scan3A_8 = arith.constant 40 : i32
    %scan3A_9 = arith.constant 0 : i32
    %scan3A_10 = arith.constant 0 : i32
    %scan3A_11 = arith.constant 5 : i32
    %scan3A_12 = arith.addi %scan3A_10, %scan3A_11 : i32
    %scan3A_13 = arith.constant 1 : i32
    %scan3A_14 = scf.for %scan3A_50 = %scan3A_10 to %scan3A_12 step %scan3A_13 iter_args(%scan3A_51 = %scan3A_9) -> (i32)  : i32 {
      %broadcast_in_dim3A = arith.constant 1.000000e+00 : f32
      %broadcast_in_dim3A_52 = vector.broadcast %broadcast_in_dim3A : f32 to vector<16xf32>
      %mul3A_53 = arith.constant 16 : i32
      %mul3A_54 = arith.muli %scan3A_50, %mul3A_53 : i32
      %swap3A = arith.index_cast %mul3A_54 : i32 to index
      %swap3A_55 = tpu.vector_load %arg5[%swap3A] {strides = array<i32>} : memref<80xf32, #tpu.memory_space<vmem>>, vector<16xf32>,
      %swap3A_56 = vector.shape_cast %swap3A_55 : vector<16xf32> to vector<16xf32>
      %swap3A_57 = vector.shape_cast %broadcast_in_dim3A_52 : vector<16xf32> to vector<16xf32>
      tpu.vector_store %arg5[%swap3A], %swap3A_57 {strides = array<i32>} : memref<80xf32, #tpu.memory_space<vmem>>, vector<16xf32>,
      %scan3A_58 = arith.constant 0 : i32
      scf.yield %scan3A_58 : i32
    }
    %scan3A_15 = arith.constant 5 : i32
    "tpu.region"() ({
      %run_scoped3A_50 = tpu.sem_alloc : memref<!tpu.dma_semaphore, #tpu.memory_space<semaphore_mem>>
      %dma_start3A_51 = tpu.memref_slice %arg7[%mul3A_2] : memref<10240xf32, #tpu.memory_space<vmem_shared>> -> memref<640xf32, #tpu.memory_space<vmem_shared>>
      %dma_start3A_52 = tpu.memref_slice %arg7[%mul3A_2] : memref<10240xf32, #tpu.memory_space<vmem_shared>> -> memref<640xf32, #tpu.memory_space<vmem_shared>>
      tpu.enqueue_dma source(%arg6 : memref<640xf32, #tpu.memory_space<vmem>>) target(%dma_start3A_52 : memref<640xf32, #tpu.memory_space<vmem_shared>>) target_semaphore(%run_scoped3A_50 : memref<!tpu.dma_semaphore, #tpu.memory_space<semaphore_mem>>)
      %dma_wait3A_53 = tpu.memref_slice %arg7[%mul3A_2] : memref<10240xf32, #tpu.memory_space<vmem_shared>> -> memref<640xf32, #tpu.memory_space<vmem_shared>>
      %dma_wait3A_54 = tpu.memref_slice %arg7[%mul3A_2] : memref<10240xf32, #tpu.memory_space<vmem_shared>> -> memref<640xf32, #tpu.memory_space<vmem_shared>>
      tpu.wait_dma2 semaphore(%run_scoped3A_50 : memref<!tpu.dma_semaphore, #tpu.memory_space<semaphore_mem>>) src(%arg6 : memref<640xf32, #tpu.memory_space<vmem>>) dst(%dma_wait3A_54 : memref<640xf32, #tpu.memory_space<vmem_shared>>)
      tpu.yield
    }) : () -> ()
    %barrier3A = arith.constant 0 : index
    tpu.barrier barrier_id(%barrier3A)
    %run_scoped3A = arith.constant 1 : i32
    "tpu.region"() ({
      %run_scoped3A_50 = tpu.sem_alloc : memref<!tpu.dma_semaphore, #tpu.memory_space<semaphore_mem>>
      %dma_start3A_51 = arith.constant 0 : i32
      %dma_start3A_52 = tpu.memref_slice %arg2[%run_scoped3A, %add3A, %dma_start3A_51] : memref<2x32x10000xi32, #tpu.memory_space<hbm>> -> memref<1x1x10000xi32, #tpu.memory_space<hbm>>
      %dma_start3A_53 = tpu.memref_squeeze %dma_start3A_52 : memref<1x1x10000xi32, #tpu.memory_space<hbm>> -> memref<10000xi32, #tpu.memory_space<hbm>>
      %dma_start3A_54 = arith.constant 0 : i32
      %dma_start3A_55 = tpu.memref_slice %arg2[%run_scoped3A, %add3A, %dma_start3A_54] : memref<2x32x10000xi32, #tpu.memory_space<hbm>> -> memref<1x1x10000xi32, #tpu.memory_space<hbm>>
      %dma_start3A_56 = tpu.memref_squeeze %dma_start3A_55 : memref<1x1x10000xi32, #tpu.memory_space<hbm>> -> memref<10000xi32, #tpu.memory_space<hbm>>
      tpu.enqueue_dma source(%dma_start3A_56 : memref<10000xi32, #tpu.memory_space<hbm>>) target(%arg4 : memref<10000xi32, #tpu.memory_space<vmem>>) target_semaphore(%run_scoped3A_50 : memref<!tpu.dma_semaphore, #tpu.memory_space<semaphore_mem>>)
      %dma_wait3A_57 = arith.constant 0 : i32
      %dma_wait3A_58 = tpu.memref_slice %arg2[%run_scoped3A, %add3A, %dma_wait3A_57] : memref<2x32x10000xi32, #tpu.memory_space<hbm>> -> memref<1x1x10000xi32, #tpu.memory_space<hbm>>
      %dma_wait3A_59 = tpu.memref_squeeze %dma_wait3A_58 : memref<1x1x10000xi32, #tpu.memory_space<hbm>> -> memref<10000xi32, #tpu.memory_space<hbm>>
      %dma_wait3A_60 = arith.constant 0 : i32
      %dma_wait3A_61 = tpu.memref_slice %arg2[%run_scoped3A, %add3A, %dma_wait3A_60] : memref<2x32x10000xi32, #tpu.memory_space<hbm>> -> memref<1x1x10000xi32, #tpu.memory_space<hbm>>
      %dma_wait3A_62 = tpu.memref_squeeze %dma_wait3A_61 : memref<1x1x10000xi32, #tpu.memory_space<hbm>> -> memref<10000xi32, #tpu.memory_space<hbm>>
      tpu.wait_dma2 semaphore(%run_scoped3A_50 : memref<!tpu.dma_semaphore, #tpu.memory_space<semaphore_mem>>) src(%dma_wait3A_62 : memref<10000xi32, #tpu.memory_space<hbm>>) dst(%arg4 : memref<10000xi32, #tpu.memory_space<vmem>>)
      tpu.yield
    }) : () -> ()
    %scan3A_16 = arith.constant 0 : i32
    %scan3A_17 = arith.constant 0 : i32
    %scan3A_18 = arith.constant 41 : i32
    %scan3A_19 = arith.addi %scan3A_17, %scan3A_18 : i32
    %scan3A_20 = arith.constant 1 : i32
    %scan3A_21 = scf.for %scan3A_50 = %scan3A_17 to %scan3A_19 step %scan3A_20 iter_args(%scan3A_51 = %scan3A_16) -> (i32)  : i32 {
      %mul3A_52 = arith.constant 3 : i32
      %mul3A_53 = arith.muli %mul3A_52, %scan3A_50 : i32
      %add3A_54 = arith.constant 0 : i32
      %add3A_55 = arith.addi %mul3A_53, %add3A_54 : i32
      %mul3A_56 = arith.constant 80 : i32
      %mul3A_57 = arith.muli %add3A_55, %mul3A_56 : i32
      %ge3A = arith.constant 3 : i32
      %ge3A_58 = arith.cmpi sge, %add3A_55, %ge3A : i32
      %convert_element_type3A = arith.extui %ge3A_58 : i1 to i32
      %cond3A = arith.constant 0 : i32
      %cond3A_59 = arith.cmpi ne, %convert_element_type3A, %cond3A : i32
      scf.if %cond3A_59 {
        %dma_wait3A_92 = tpu.memref_slice %arg4[%mul3A_57] : memref<10000xi32, #tpu.memory_space<vmem>> -> memref<80xi32, #tpu.memory_space<vmem>>
        %dma_wait3A_93 = arith.constant 0 : i32
        %dma_wait3A_94 = tpu.memref_slice %arg7[%dma_wait3A_93] : memref<10240xf32, #tpu.memory_space<vmem_shared>> -> memref<10240xf32, #tpu.memory_space<vmem_shared>>
        tpu.wait_indirect_dma semaphore(%arg8 : memref<!tpu.dma_semaphore, #tpu.memory_space<semaphore_mem>>) src(%arg5 : memref<80xf32, #tpu.memory_space<vmem>>) dst(%dma_wait3A_94 : memref<10240xf32, #tpu.memory_space<vmem_shared>>)
      } else {
      }
      %dma_start3A_60 = tpu.memref_slice %arg4[%mul3A_57] : memref<10000xi32, #tpu.memory_space<vmem>> -> memref<80xi32, #tpu.memory_space<vmem>>
      %dma_start3A_61 = arith.constant 0 : i32
      %dma_start3A_62 = tpu.memref_slice %arg7[%dma_start3A_61] : memref<10240xf32, #tpu.memory_space<vmem_shared>> -> memref<10240xf32, #tpu.memory_space<vmem_shared>>
      tpu.enqueue_indirect_dma source(%arg5 : memref<80xf32, #tpu.memory_space<vmem>>) target(%dma_start3A_62 : memref<10240xf32, #tpu.memory_space<vmem_shared>>) offsets(%dma_start3A_60 : memref<80xi32, #tpu.memory_space<vmem>>) semaphore(%arg8 : memref<!tpu.dma_semaphore, #tpu.memory_space<semaphore_mem>>) {add = true}
      %mul3A_63 = arith.constant 3 : i32
      %mul3A_64 = arith.muli %mul3A_63, %scan3A_50 : i32
      %add3A_65 = arith.constant 1 : i32
      %add3A_66 = arith.addi %mul3A_64, %add3A_65 : i32
      %mul3A_67 = arith.constant 80 : i32
      %mul3A_68 = arith.muli %add3A_66, %mul3A_67 : i32
      %ge3A_69 = arith.constant 3 : i32
      %ge3A_70 = arith.cmpi sge, %add3A_66, %ge3A_69 : i32
      %convert_element_type3A_71 = arith.extui %ge3A_70 : i1 to i32
      %cond3A_72 = arith.constant 0 : i32
      %cond3A_73 = arith.cmpi ne, %convert_element_type3A_71, %cond3A_72 : i32
      scf.if %cond3A_73 {
        %dma_wait3A_92 = tpu.memref_slice %arg4[%mul3A_68] : memref<10000xi32, #tpu.memory_space<vmem>> -> memref<80xi32, #tpu.memory_space<vmem>>
        %dma_wait3A_93 = arith.constant 0 : i32
        %dma_wait3A_94 = tpu.memref_slice %arg7[%dma_wait3A_93] : memref<10240xf32, #tpu.memory_space<vmem_shared>> -> memref<10240xf32, #tpu.memory_space<vmem_shared>>
        tpu.wait_indirect_dma semaphore(%arg9 : memref<!tpu.dma_semaphore, #tpu.memory_space<semaphore_mem>>) src(%arg5 : memref<80xf32, #tpu.memory_space<vmem>>) dst(%dma_wait3A_94 : memref<10240xf32, #tpu.memory_space<vmem_shared>>)
      } else {
      }
      %dma_start3A_74 = tpu.memref_slice %arg4[%mul3A_68] : memref<10000xi32, #tpu.memory_space<vmem>> -> memref<80xi32, #tpu.memory_space<vmem>>
      %dma_start3A_75 = arith.constant 0 : i32
      %dma_start3A_76 = tpu.memref_slice %arg7[%dma_start3A_75] : memref<10240xf32, #tpu.memory_space<vmem_shared>> -> memref<10240xf32, #tpu.memory_space<vmem_shared>>
      tpu.enqueue_indirect_dma source(%arg5 : memref<80xf32, #tpu.memory_space<vmem>>) target(%dma_start3A_76 : memref<10240xf32, #tpu.memory_space<vmem_shared>>) offsets(%dma_start3A_74 : memref<80xi32, #tpu.memory_space<vmem>>) semaphore(%arg9 : memref<!tpu.dma_semaphore, #tpu.memory_space<semaphore_mem>>) {add = true}
      %mul3A_77 = arith.constant 3 : i32
      %mul3A_78 = arith.muli %mul3A_77, %scan3A_50 : i32
      %add3A_79 = arith.constant 2 : i32
      %add3A_80 = arith.addi %mul3A_78, %add3A_79 : i32
      %mul3A_81 = arith.constant 80 : i32
      %mul3A_82 = arith.muli %add3A_80, %mul3A_81 : i32
      %ge3A_83 = arith.constant 3 : i32
      %ge3A_84 = arith.cmpi sge, %add3A_80, %ge3A_83 : i32
      %convert_element_type3A_85 = arith.extui %ge3A_84 : i1 to i32
      %cond3A_86 = arith.constant 0 : i32
      %cond3A_87 = arith.cmpi ne, %convert_element_type3A_85, %cond3A_86 : i32
      scf.if %cond3A_87 {
        %dma_wait3A_92 = tpu.memref_slice %arg4[%mul3A_82] : memref<10000xi32, #tpu.memory_space<vmem>> -> memref<80xi32, #tpu.memory_space<vmem>>
        %dma_wait3A_93 = arith.constant 0 : i32
        %dma_wait3A_94 = tpu.memref_slice %arg7[%dma_wait3A_93] : memref<10240xf32, #tpu.memory_space<vmem_shared>> -> memref<10240xf32, #tpu.memory_space<vmem_shared>>
        tpu.wait_indirect_dma semaphore(%arg10 : memref<!tpu.dma_semaphore, #tpu.memory_space<semaphore_mem>>) src(%arg5 : memref<80xf32, #tpu.memory_space<vmem>>) dst(%dma_wait3A_94 : memref<10240xf32, #tpu.memory_space<vmem_shared>>)
      } else {
      }
      %dma_start3A_88 = tpu.memref_slice %arg4[%mul3A_82] : memref<10000xi32, #tpu.memory_space<vmem>> -> memref<80xi32, #tpu.memory_space<vmem>>
      %dma_start3A_89 = arith.constant 0 : i32
      %dma_start3A_90 = tpu.memref_slice %arg7[%dma_start3A_89] : memref<10240xf32, #tpu.memory_space<vmem_shared>> -> memref<10240xf32, #tpu.memory_space<vmem_shared>>
      tpu.enqueue_indirect_dma source(%arg5 : memref<80xf32, #tpu.memory_space<vmem>>) target(%dma_start3A_90 : memref<10240xf32, #tpu.memory_space<vmem_shared>>) offsets(%dma_start3A_88 : memref<80xi32, #tpu.memory_space<vmem>>) semaphore(%arg10 : memref<!tpu.dma_semaphore, #tpu.memory_space<semaphore_mem>>) {add = true}
      %scan3A_91 = arith.constant 0 : i32
      scf.yield %scan3A_91 : i32
    }
    %scan3A_22 = arith.constant 41 : i32
    %dma_wait3A = arith.constant 9840 : i32
    %dma_wait3A_23 = tpu.memref_slice %arg4[%dma_wait3A] : memref<10000xi32, #tpu.memory_space<vmem>> -> memref<80xi32, #tpu.memory_space<vmem>>
    %dma_wait3A_24 = arith.constant 0 : i32
    %dma_wait3A_25 = tpu.memref_slice %arg7[%dma_wait3A_24] : memref<10240xf32, #tpu.memory_space<vmem_shared>> -> memref<10240xf32, #tpu.memory_space<vmem_shared>>
    tpu.wait_indirect_dma semaphore(%arg8 : memref<!tpu.dma_semaphore, #tpu.memory_space<semaphore_mem>>) src(%arg5 : memref<80xf32, #tpu.memory_space<vmem>>) dst(%dma_wait3A_25 : memref<10240xf32, #tpu.memory_space<vmem_shared>>)
    %dma_start3A = arith.constant 9840 : i32
    %dma_start3A_26 = tpu.memref_slice %arg4[%dma_start3A] : memref<10000xi32, #tpu.memory_space<vmem>> -> memref<80xi32, #tpu.memory_space<vmem>>
    %dma_start3A_27 = arith.constant 0 : i32
    %dma_start3A_28 = tpu.memref_slice %arg7[%dma_start3A_27] : memref<10240xf32, #tpu.memory_space<vmem_shared>> -> memref<10240xf32, #tpu.memory_space<vmem_shared>>
    tpu.enqueue_indirect_dma source(%arg5 : memref<80xf32, #tpu.memory_space<vmem>>) target(%dma_start3A_28 : memref<10240xf32, #tpu.memory_space<vmem_shared>>) offsets(%dma_start3A_26 : memref<80xi32, #tpu.memory_space<vmem>>) semaphore(%arg8 : memref<!tpu.dma_semaphore, #tpu.memory_space<semaphore_mem>>) {add = true}
    %dma_wait3A_29 = arith.constant 9920 : i32
    %dma_wait3A_30 = tpu.memref_slice %arg4[%dma_wait3A_29] : memref<10000xi32, #tpu.memory_space<vmem>> -> memref<80xi32, #tpu.memory_space<vmem>>
    %dma_wait3A_31 = arith.constant 0 : i32
    %dma_wait3A_32 = tpu.memref_slice %arg7[%dma_wait3A_31] : memref<10240xf32, #tpu.memory_space<vmem_shared>> -> memref<10240xf32, #tpu.memory_space<vmem_shared>>
    tpu.wait_indirect_dma semaphore(%arg9 : memref<!tpu.dma_semaphore, #tpu.memory_space<semaphore_mem>>) src(%arg5 : memref<80xf32, #tpu.memory_space<vmem>>) dst(%dma_wait3A_32 : memref<10240xf32, #tpu.memory_space<vmem_shared>>)
    %dma_start3A_33 = arith.constant 9920 : i32
    %dma_start3A_34 = tpu.memref_slice %arg4[%dma_start3A_33] : memref<10000xi32, #tpu.memory_space<vmem>> -> memref<80xi32, #tpu.memory_space<vmem>>
    %dma_start3A_35 = arith.constant 0 : i32
    %dma_start3A_36 = tpu.memref_slice %arg7[%dma_start3A_35] : memref<10240xf32, #tpu.memory_space<vmem_shared>> -> memref<10240xf32, #tpu.memory_space<vmem_shared>>
    tpu.enqueue_indirect_dma source(%arg5 : memref<80xf32, #tpu.memory_space<vmem>>) target(%dma_start3A_36 : memref<10240xf32, #tpu.memory_space<vmem_shared>>) offsets(%dma_start3A_34 : memref<80xi32, #tpu.memory_space<vmem>>) semaphore(%arg9 : memref<!tpu.dma_semaphore, #tpu.memory_space<semaphore_mem>>) {add = true}
    %dma_wait3A_37 = arith.constant 9760 : i32
    %dma_wait3A_38 = tpu.memref_slice %arg4[%dma_wait3A_37] : memref<10000xi32, #tpu.memory_space<vmem>> -> memref<80xi32, #tpu.memory_space<vmem>>
    %dma_wait3A_39 = arith.constant 0 : i32
    %dma_wait3A_40 = tpu.memref_slice %arg7[%dma_wait3A_39] : memref<10240xf32, #tpu.memory_space<vmem_shared>> -> memref<10240xf32, #tpu.memory_space<vmem_shared>>
    tpu.wait_indirect_dma semaphore(%arg10 : memref<!tpu.dma_semaphore, #tpu.memory_space<semaphore_mem>>) src(%arg5 : memref<80xf32, #tpu.memory_space<vmem>>) dst(%dma_wait3A_40 : memref<10240xf32, #tpu.memory_space<vmem_shared>>)
    %dma_wait3A_41 = arith.constant 9840 : i32
    %dma_wait3A_42 = tpu.memref_slice %arg4[%dma_wait3A_41] : memref<10000xi32, #tpu.memory_space<vmem>> -> memref<80xi32, #tpu.memory_space<vmem>>
    %dma_wait3A_43 = arith.constant 0 : i32
    %dma_wait3A_44 = tpu.memref_slice %arg7[%dma_wait3A_43] : memref<10240xf32, #tpu.memory_space<vmem_shared>> -> memref<10240xf32, #tpu.memory_space<vmem_shared>>
    tpu.wait_indirect_dma semaphore(%arg8 : memref<!tpu.dma_semaphore, #tpu.memory_space<semaphore_mem>>) src(%arg5 : memref<80xf32, #tpu.memory_space<vmem>>) dst(%dma_wait3A_44 : memref<10240xf32, #tpu.memory_space<vmem_shared>>)
    %dma_wait3A_45 = arith.constant 9920 : i32
    %dma_wait3A_46 = tpu.memref_slice %arg4[%dma_wait3A_45] : memref<10000xi32, #tpu.memory_space<vmem>> -> memref<80xi32, #tpu.memory_space<vmem>>
    %dma_wait3A_47 = arith.constant 0 : i32
    %dma_wait3A_48 = tpu.memref_slice %arg7[%dma_wait3A_47] : memref<10240xf32, #tpu.memory_space<vmem_shared>> -> memref<10240xf32, #tpu.memory_space<vmem_shared>>
    tpu.wait_indirect_dma semaphore(%arg9 : memref<!tpu.dma_semaphore, #tpu.memory_space<semaphore_mem>>) src(%arg5 : memref<80xf32, #tpu.memory_space<vmem>>) dst(%dma_wait3A_48 : memref<10240xf32, #tpu.memory_space<vmem_shared>>)
    %barrier3A_49 = arith.constant 0 : index
    tpu.barrier barrier_id(%barrier3A_49)
    "tpu.region"() ({
      %run_scoped3A_50 = tpu.sem_alloc : memref<!tpu.dma_semaphore, #tpu.memory_space<semaphore_mem>>
      %dma_start3A_51 = tpu.memref_slice %arg3[%arg0, %mul3A_2] : memref<2x10240xf32, #tpu.memory_space<hbm>> -> memref<1x640xf32, #tpu.memory_space<hbm>>
      %dma_start3A_52 = tpu.memref_squeeze %dma_start3A_51 : memref<1x640xf32, #tpu.memory_space<hbm>> -> memref<640xf32, #tpu.memory_space<hbm>>
      %dma_start3A_53 = tpu.memref_slice %arg7[%mul3A_2] : memref<10240xf32, #tpu.memory_space<vmem_shared>> -> memref<640xf32, #tpu.memory_space<vmem_shared>>
      tpu.enqueue_dma source(%dma_start3A_53 : memref<640xf32, #tpu.memory_space<vmem_shared>>) target(%dma_start3A_52 : memref<640xf32, #tpu.memory_space<hbm>>) target_semaphore(%run_scoped3A_50 : memref<!tpu.dma_semaphore, #tpu.memory_space<semaphore_mem>>)
      %dma_wait3A_54 = tpu.memref_slice %arg3[%arg0, %mul3A_2] : memref<2x10240xf32, #tpu.memory_space<hbm>> -> memref<1x640xf32, #tpu.memory_space<hbm>>
      %dma_wait3A_55 = tpu.memref_squeeze %dma_wait3A_54 : memref<1x640xf32, #tpu.memory_space<hbm>> -> memref<640xf32, #tpu.memory_space<hbm>>
      %dma_wait3A_56 = tpu.memref_slice %arg7[%mul3A_2] : memref<10240xf32, #tpu.memory_space<vmem_shared>> -> memref<640xf32, #tpu.memory_space<vmem_shared>>
      tpu.wait_dma2 semaphore(%run_scoped3A_50 : memref<!tpu.dma_semaphore, #tpu.memory_space<semaphore_mem>>) src(%dma_wait3A_56 : memref<640xf32, #tpu.memory_space<vmem_shared>>) dst(%dma_wait3A_55 : memref<640xf32, #tpu.memory_space<hbm>>)
      tpu.yield
    }) : () -> ()
    return
  }
}

#map = affine_map<(d0, d1) -> (0, 0, 0)>
#map1 = affine_map<(d0, d1) -> (0, 0)>
module attributes {stable_mosaic.version = 14 : i64} {
  func.func @_agg_kernel(%arg0: i32, %arg1: i32, %arg2: memref<2x32x10000xi32, #tpu.memory_space<hbm>>, %arg3: memref<32x11520xi32, #tpu.memory_space<hbm>>, %arg4: memref<10240x128xf32, #tpu.memory_space<hbm>>, %arg5: memref<2x10240x128xf32, #tpu.memory_space<hbm>>, %arg6: memref<10000xi32, #tpu.memory_space<vmem>>, %arg7: memref<3840xi32, #tpu.memory_space<vmem>>, %arg8: memref<80x128xf32, #tpu.memory_space<vmem>>, %arg9: memref<80x128xf32, #tpu.memory_space<vmem>>, %arg10: memref<80x128xf32, #tpu.memory_space<vmem>>, %arg11: memref<10240x128xf32, #tpu.memory_space<vmem_shared>>, %arg12: memref<!tpu.dma_semaphore, #tpu.memory_space<semaphore_mem>>, %arg13: memref<!tpu.dma_semaphore, #tpu.memory_space<semaphore_mem>>, %arg14: memref<!tpu.dma_semaphore, #tpu.memory_space<semaphore_mem>>, %arg15: memref<!tpu.dma_semaphore, #tpu.memory_space<semaphore_mem>>, %arg16: memref<!tpu.dma_semaphore, #tpu.memory_space<semaphore_mem>>, %arg17: memref<!tpu.dma_semaphore, #tpu.memory_space<semaphore_mem>>) attributes {dimension_semantics = [#tpu.dimension_semantics<core_parallel>, #tpu.dimension_semantics<subcore_parallel>], iteration_bounds = array<i64: 2, 16>, scalar_prefetch = 0 : i64, scratch_operands = 12 : i64, tpu.core_type = #tpu.core_type<sc_vector_subcore>, window_params = [{transform_indices = #map}, {transform_indices = #map1}, {transform_indices = #map1}, {transform_indices = #map}]} {
    %mul3A = arith.constant 16 : i32
    %mul3A_0 = arith.muli %arg0, %mul3A : i32
    %add3A = arith.addi %mul3A_0, %arg1 : i32
    %mul3A_1 = arith.constant 640 : i32
    %mul3A_2 = arith.muli %arg1, %mul3A_1 : i32
    %scan3A = arith.constant 0 : i32
    %scan3A_3 = arith.constant 0 : i32
    %scan3A_4 = arith.constant 80 : i32
    %scan3A_5 = arith.addi %scan3A_3, %scan3A_4 : i32
    %scan3A_6 = arith.constant 1 : i32
    %scan3A_7 = scf.for %scan3A_93 = %scan3A_3 to %scan3A_5 step %scan3A_6 iter_args(%scan3A_94 = %scan3A) -> (i32)  : i32 {
      %scan3A_95 = arith.constant 0 : i32
      %scan3A_96 = arith.constant 0 : i32
      %scan3A_97 = arith.constant 8 : i32
      %scan3A_98 = arith.addi %scan3A_96, %scan3A_97 : i32
      %scan3A_99 = arith.constant 1 : i32
      %scan3A_100 = scf.for %scan3A_102 = %scan3A_96 to %scan3A_98 step %scan3A_99 iter_args(%scan3A_103 = %scan3A_95) -> (i32)  : i32 {
        %broadcast_in_dim3A = arith.constant 0.000000e+00 : f32
        %broadcast_in_dim3A_104 = vector.broadcast %broadcast_in_dim3A : f32 to vector<16xf32>
        %mul3A_105 = arith.constant 16 : i32
        %mul3A_106 = arith.muli %scan3A_102, %mul3A_105 : i32
        %swap3A = arith.index_cast %scan3A_93 : i32 to index
        %swap3A_107 = arith.index_cast %mul3A_106 : i32 to index
        %swap3A_108 = tpu.vector_load %arg8[%swap3A, %swap3A_107] {strides = array<i32>} : memref<80x128xf32, #tpu.memory_space<vmem>>, vector<1x16xf32>,
        %swap3A_109 = vector.shape_cast %swap3A_108 : vector<1x16xf32> to vector<16xf32>
        %swap3A_110 = vector.shape_cast %broadcast_in_dim3A_104 : vector<16xf32> to vector<1x16xf32>
        tpu.vector_store %arg8[%swap3A, %swap3A_107], %swap3A_110 {strides = array<i32>} : memref<80x128xf32, #tpu.memory_space<vmem>>, vector<1x16xf32>,
        %scan3A_111 = arith.constant 0 : i32
        scf.yield %scan3A_111 : i32
      }
      %scan3A_101 = arith.constant 8 : i32
      scf.yield %scan3A_100 : i32
    }
    %scan3A_8 = arith.constant 80 : i32
    %scan3A_9 = arith.constant 0 : i32
    %scan3A_10 = arith.constant 0 : i32
    %scan3A_11 = arith.constant 8 : i32
    %scan3A_12 = arith.addi %scan3A_10, %scan3A_11 : i32
    %scan3A_13 = arith.constant 1 : i32
    %scan3A_14 = scf.for %scan3A_93 = %scan3A_10 to %scan3A_12 step %scan3A_13 iter_args(%scan3A_94 = %scan3A_9) -> (i32)  : i32 {
      %mul3A_95 = arith.constant 80 : i32
      %mul3A_96 = arith.muli %scan3A_93, %mul3A_95 : i32
      %add3A_97 = arith.addi %mul3A_2, %mul3A_96 : i32
      "tpu.region"() ({
        %run_scoped3A_99 = tpu.sem_alloc : memref<!tpu.dma_semaphore, #tpu.memory_space<semaphore_mem>>
        %dma_start3A_100 = arith.constant 0 : i32
        %dma_start3A_101 = tpu.memref_slice %arg11[%add3A_97, %dma_start3A_100] : memref<10240x128xf32, #tpu.memory_space<vmem_shared>> -> memref<80x128xf32, #tpu.memory_space<vmem_shared>>
        %dma_start3A_102 = arith.constant 0 : i32
        %dma_start3A_103 = tpu.memref_slice %arg11[%add3A_97, %dma_start3A_102] : memref<10240x128xf32, #tpu.memory_space<vmem_shared>> -> memref<80x128xf32, #tpu.memory_space<vmem_shared>>
        tpu.enqueue_dma source(%arg8 : memref<80x128xf32, #tpu.memory_space<vmem>>) target(%dma_start3A_103 : memref<80x128xf32, #tpu.memory_space<vmem_shared>>) target_semaphore(%run_scoped3A_99 : memref<!tpu.dma_semaphore, #tpu.memory_space<semaphore_mem>>)
        %dma_wait3A_104 = arith.constant 0 : i32
        %dma_wait3A_105 = tpu.memref_slice %arg11[%add3A_97, %dma_wait3A_104] : memref<10240x128xf32, #tpu.memory_space<vmem_shared>> -> memref<80x128xf32, #tpu.memory_space<vmem_shared>>
        %dma_wait3A_106 = arith.constant 0 : i32
        %dma_wait3A_107 = tpu.memref_slice %arg11[%add3A_97, %dma_wait3A_106] : memref<10240x128xf32, #tpu.memory_space<vmem_shared>> -> memref<80x128xf32, #tpu.memory_space<vmem_shared>>
        tpu.wait_dma2 semaphore(%run_scoped3A_99 : memref<!tpu.dma_semaphore, #tpu.memory_space<semaphore_mem>>) src(%arg8 : memref<80x128xf32, #tpu.memory_space<vmem>>) dst(%dma_wait3A_107 : memref<80x128xf32, #tpu.memory_space<vmem_shared>>)
        tpu.yield
      }) : () -> ()
      %scan3A_98 = arith.constant 0 : i32
      scf.yield %scan3A_98 : i32
    }
    %scan3A_15 = arith.constant 8 : i32
    %barrier3A = arith.constant 0 : index
    tpu.barrier barrier_id(%barrier3A)
    %run_scoped3A = arith.constant 0 : i32
    "tpu.region"() ({
      %run_scoped3A_93 = tpu.sem_alloc : memref<!tpu.dma_semaphore, #tpu.memory_space<semaphore_mem>>
      %dma_start3A_94 = arith.constant 0 : i32
      %dma_start3A_95 = tpu.memref_slice %arg2[%run_scoped3A, %add3A, %dma_start3A_94] : memref<2x32x10000xi32, #tpu.memory_space<hbm>> -> memref<1x1x10000xi32, #tpu.memory_space<hbm>>
      %dma_start3A_96 = tpu.memref_squeeze %dma_start3A_95 : memref<1x1x10000xi32, #tpu.memory_space<hbm>> -> memref<10000xi32, #tpu.memory_space<hbm>>
      %dma_start3A_97 = arith.constant 0 : i32
      %dma_start3A_98 = tpu.memref_slice %arg2[%run_scoped3A, %add3A, %dma_start3A_97] : memref<2x32x10000xi32, #tpu.memory_space<hbm>> -> memref<1x1x10000xi32, #tpu.memory_space<hbm>>
      %dma_start3A_99 = tpu.memref_squeeze %dma_start3A_98 : memref<1x1x10000xi32, #tpu.memory_space<hbm>> -> memref<10000xi32, #tpu.memory_space<hbm>>
      tpu.enqueue_dma source(%dma_start3A_99 : memref<10000xi32, #tpu.memory_space<hbm>>) target(%arg6 : memref<10000xi32, #tpu.memory_space<vmem>>) target_semaphore(%run_scoped3A_93 : memref<!tpu.dma_semaphore, #tpu.memory_space<semaphore_mem>>)
      %dma_wait3A_100 = arith.constant 0 : i32
      %dma_wait3A_101 = tpu.memref_slice %arg2[%run_scoped3A, %add3A, %dma_wait3A_100] : memref<2x32x10000xi32, #tpu.memory_space<hbm>> -> memref<1x1x10000xi32, #tpu.memory_space<hbm>>
      %dma_wait3A_102 = tpu.memref_squeeze %dma_wait3A_101 : memref<1x1x10000xi32, #tpu.memory_space<hbm>> -> memref<10000xi32, #tpu.memory_space<hbm>>
      %dma_wait3A_103 = arith.constant 0 : i32
      %dma_wait3A_104 = tpu.memref_slice %arg2[%run_scoped3A, %add3A, %dma_wait3A_103] : memref<2x32x10000xi32, #tpu.memory_space<hbm>> -> memref<1x1x10000xi32, #tpu.memory_space<hbm>>
      %dma_wait3A_105 = tpu.memref_squeeze %dma_wait3A_104 : memref<1x1x10000xi32, #tpu.memory_space<hbm>> -> memref<10000xi32, #tpu.memory_space<hbm>>
      tpu.wait_dma2 semaphore(%run_scoped3A_93 : memref<!tpu.dma_semaphore, #tpu.memory_space<semaphore_mem>>) src(%dma_wait3A_105 : memref<10000xi32, #tpu.memory_space<hbm>>) dst(%arg6 : memref<10000xi32, #tpu.memory_space<vmem>>)
      tpu.yield
    }) : () -> ()
    %dma_start3A = arith.constant 0 : i32
    %dma_start3A_16 = tpu.memref_slice %arg6[%dma_start3A] : memref<10000xi32, #tpu.memory_space<vmem>> -> memref<80xi32, #tpu.memory_space<vmem>>
    %dma_start3A_17 = arith.constant 0 : i32
    %dma_start3A_18 = arith.constant 0 : i32
    %dma_start3A_19 = tpu.memref_slice %arg4[%dma_start3A_17, %dma_start3A_18] : memref<10240x128xf32, #tpu.memory_space<hbm>> -> memref<10240x128xf32, #tpu.memory_space<hbm>>
    tpu.enqueue_indirect_dma source(%dma_start3A_19 : memref<10240x128xf32, #tpu.memory_space<hbm>>) target(%arg8 : memref<80x128xf32, #tpu.memory_space<vmem>>) offsets(%dma_start3A_16 : memref<80xi32, #tpu.memory_space<vmem>>) semaphore(%arg12 : memref<!tpu.dma_semaphore, #tpu.memory_space<semaphore_mem>>)
    %dma_start3A_20 = arith.constant 80 : i32
    %dma_start3A_21 = tpu.memref_slice %arg6[%dma_start3A_20] : memref<10000xi32, #tpu.memory_space<vmem>> -> memref<80xi32, #tpu.memory_space<vmem>>
    %dma_start3A_22 = arith.constant 0 : i32
    %dma_start3A_23 = arith.constant 0 : i32
    %dma_start3A_24 = tpu.memref_slice %arg4[%dma_start3A_22, %dma_start3A_23] : memref<10240x128xf32, #tpu.memory_space<hbm>> -> memref<10240x128xf32, #tpu.memory_space<hbm>>
    tpu.enqueue_indirect_dma source(%dma_start3A_24 : memref<10240x128xf32, #tpu.memory_space<hbm>>) target(%arg9 : memref<80x128xf32, #tpu.memory_space<vmem>>) offsets(%dma_start3A_21 : memref<80xi32, #tpu.memory_space<vmem>>) semaphore(%arg13 : memref<!tpu.dma_semaphore, #tpu.memory_space<semaphore_mem>>)
    %dma_start3A_25 = arith.constant 160 : i32
    %dma_start3A_26 = tpu.memref_slice %arg6[%dma_start3A_25] : memref<10000xi32, #tpu.memory_space<vmem>> -> memref<80xi32, #tpu.memory_space<vmem>>
    %dma_start3A_27 = arith.constant 0 : i32
    %dma_start3A_28 = arith.constant 0 : i32
    %dma_start3A_29 = tpu.memref_slice %arg4[%dma_start3A_27, %dma_start3A_28] : memref<10240x128xf32, #tpu.memory_space<hbm>> -> memref<10240x128xf32, #tpu.memory_space<hbm>>
    tpu.enqueue_indirect_dma source(%dma_start3A_29 : memref<10240x128xf32, #tpu.memory_space<hbm>>) target(%arg10 : memref<80x128xf32, #tpu.memory_space<vmem>>) offsets(%dma_start3A_26 : memref<80xi32, #tpu.memory_space<vmem>>) semaphore(%arg14 : memref<!tpu.dma_semaphore, #tpu.memory_space<semaphore_mem>>)
    "tpu.region"() ({
      %run_scoped3A_93 = tpu.sem_alloc : memref<!tpu.dma_semaphore, #tpu.memory_space<semaphore_mem>>
      %dma_start3A_94 = arith.constant 0 : i32
      %dma_start3A_95 = tpu.memref_slice %arg3[%add3A, %dma_start3A_94] : memref<32x11520xi32, #tpu.memory_space<hbm>> -> memref<1x3840xi32, #tpu.memory_space<hbm>>
      %dma_start3A_96 = tpu.memref_squeeze %dma_start3A_95 : memref<1x3840xi32, #tpu.memory_space<hbm>> -> memref<3840xi32, #tpu.memory_space<hbm>>
      %dma_start3A_97 = arith.constant 0 : i32
      %dma_start3A_98 = tpu.memref_slice %arg3[%add3A, %dma_start3A_97] : memref<32x11520xi32, #tpu.memory_space<hbm>> -> memref<1x3840xi32, #tpu.memory_space<hbm>>
      %dma_start3A_99 = tpu.memref_squeeze %dma_start3A_98 : memref<1x3840xi32, #tpu.memory_space<hbm>> -> memref<3840xi32, #tpu.memory_space<hbm>>
      tpu.enqueue_dma source(%dma_start3A_99 : memref<3840xi32, #tpu.memory_space<hbm>>) target(%arg7 : memref<3840xi32, #tpu.memory_space<vmem>>) target_semaphore(%run_scoped3A_93 : memref<!tpu.dma_semaphore, #tpu.memory_space<semaphore_mem>>)
      %dma_wait3A_100 = arith.constant 0 : i32
      %dma_wait3A_101 = tpu.memref_slice %arg3[%add3A, %dma_wait3A_100] : memref<32x11520xi32, #tpu.memory_space<hbm>> -> memref<1x3840xi32, #tpu.memory_space<hbm>>
      %dma_wait3A_102 = tpu.memref_squeeze %dma_wait3A_101 : memref<1x3840xi32, #tpu.memory_space<hbm>> -> memref<3840xi32, #tpu.memory_space<hbm>>
      %dma_wait3A_103 = arith.constant 0 : i32
      %dma_wait3A_104 = tpu.memref_slice %arg3[%add3A, %dma_wait3A_103] : memref<32x11520xi32, #tpu.memory_space<hbm>> -> memref<1x3840xi32, #tpu.memory_space<hbm>>
      %dma_wait3A_105 = tpu.memref_squeeze %dma_wait3A_104 : memref<1x3840xi32, #tpu.memory_space<hbm>> -> memref<3840xi32, #tpu.memory_space<hbm>>
      tpu.wait_dma2 semaphore(%run_scoped3A_93 : memref<!tpu.dma_semaphore, #tpu.memory_space<semaphore_mem>>) src(%dma_wait3A_105 : memref<3840xi32, #tpu.memory_space<hbm>>) dst(%arg7 : memref<3840xi32, #tpu.memory_space<vmem>>)
      tpu.yield
    }) : () -> ()
    %scan3A_30 = arith.constant 0 : i32
    %scan3A_31 = arith.constant 0 : i32
    %scan3A_32 = arith.constant 16 : i32
    %scan3A_33 = arith.addi %scan3A_31, %scan3A_32 : i32
    %scan3A_34 = arith.constant 1 : i32
    %scan3A_35 = scf.for %scan3A_93 = %scan3A_31 to %scan3A_33 step %scan3A_34 iter_args(%scan3A_94 = %scan3A_30) -> (i32)  : i32 {
      %mul3A_95 = arith.constant 3 : i32
      %mul3A_96 = arith.muli %mul3A_95, %scan3A_93 : i32
      %add3A_97 = arith.constant 0 : i32
      %add3A_98 = arith.addi %mul3A_96, %add3A_97 : i32
      %sub3A = arith.constant 0 : i32
      %sub3A_99 = arith.subi %add3A_98, %sub3A : i32
      %mul3A_100 = arith.constant 80 : i32
      %mul3A_101 = arith.muli %sub3A_99, %mul3A_100 : i32
      %mul3A_102 = arith.constant 80 : i32
      %mul3A_103 = arith.muli %add3A_98, %mul3A_102 : i32
      %dma_wait3A_104 = tpu.memref_slice %arg6[%mul3A_103] : memref<10000xi32, #tpu.memory_space<vmem>> -> memref<80xi32, #tpu.memory_space<vmem>>
      %dma_wait3A_105 = arith.constant 0 : i32
      %dma_wait3A_106 = arith.constant 0 : i32
      %dma_wait3A_107 = tpu.memref_slice %arg4[%dma_wait3A_105, %dma_wait3A_106] : memref<10240x128xf32, #tpu.memory_space<hbm>> -> memref<10240x128xf32, #tpu.memory_space<hbm>>
      tpu.wait_indirect_dma semaphore(%arg12 : memref<!tpu.dma_semaphore, #tpu.memory_space<semaphore_mem>>) src(%dma_wait3A_107 : memref<10240x128xf32, #tpu.memory_space<hbm>>) dst(%arg8 : memref<80x128xf32, #tpu.memory_space<vmem>>)
      %dma_start3A_108 = tpu.memref_slice %arg7[%mul3A_101] : memref<3840xi32, #tpu.memory_space<vmem>> -> memref<80xi32, #tpu.memory_space<vmem>>
      %dma_start3A_109 = arith.constant 0 : i32
      %dma_start3A_110 = arith.constant 0 : i32
      %dma_start3A_111 = tpu.memref_slice %arg11[%dma_start3A_109, %dma_start3A_110] : memref<10240x128xf32, #tpu.memory_space<vmem_shared>> -> memref<10240x128xf32, #tpu.memory_space<vmem_shared>>
      tpu.enqueue_indirect_dma source(%arg8 : memref<80x128xf32, #tpu.memory_space<vmem>>) target(%dma_start3A_111 : memref<10240x128xf32, #tpu.memory_space<vmem_shared>>) offsets(%dma_start3A_108 : memref<80xi32, #tpu.memory_space<vmem>>) semaphore(%arg15 : memref<!tpu.dma_semaphore, #tpu.memory_space<semaphore_mem>>) {add = true}
      %add3A_112 = arith.constant 3 : i32
      %add3A_113 = arith.addi %add3A_98, %add3A_112 : i32
      %lt3A = arith.constant 125 : i32
      %lt3A_114 = arith.cmpi slt, %add3A_113, %lt3A : i32
      %convert_element_type3A = arith.extui %lt3A_114 : i1 to i32
      %cond3A = arith.constant 0 : i32
      %cond3A_115 = arith.cmpi ne, %convert_element_type3A, %cond3A : i32
      scf.if %cond3A_115 {
        %dma_wait3A_167 = tpu.memref_slice %arg7[%mul3A_101] : memref<3840xi32, #tpu.memory_space<vmem>> -> memref<80xi32, #tpu.memory_space<vmem>>
        %dma_wait3A_168 = arith.constant 0 : i32
        %dma_wait3A_169 = arith.constant 0 : i32
        %dma_wait3A_170 = tpu.memref_slice %arg11[%dma_wait3A_168, %dma_wait3A_169] : memref<10240x128xf32, #tpu.memory_space<vmem_shared>> -> memref<10240x128xf32, #tpu.memory_space<vmem_shared>>
        tpu.wait_indirect_dma semaphore(%arg15 : memref<!tpu.dma_semaphore, #tpu.memory_space<semaphore_mem>>) src(%arg8 : memref<80x128xf32, #tpu.memory_space<vmem>>) dst(%dma_wait3A_170 : memref<10240x128xf32, #tpu.memory_space<vmem_shared>>)
        %add3A_171 = arith.constant 3 : i32
        %add3A_172 = arith.addi %add3A_98, %add3A_171 : i32
        %mul3A_173 = arith.constant 80 : i32
        %mul3A_174 = arith.muli %add3A_172, %mul3A_173 : i32
        %dma_start3A_175 = tpu.memref_slice %arg6[%mul3A_174] : memref<10000xi32, #tpu.memory_space<vmem>> -> memref<80xi32, #tpu.memory_space<vmem>>
        %dma_start3A_176 = arith.constant 0 : i32
        %dma_start3A_177 = arith.constant 0 : i32
        %dma_start3A_178 = tpu.memref_slice %arg4[%dma_start3A_176, %dma_start3A_177] : memref<10240x128xf32, #tpu.memory_space<hbm>> -> memref<10240x128xf32, #tpu.memory_space<hbm>>
        tpu.enqueue_indirect_dma source(%dma_start3A_178 : memref<10240x128xf32, #tpu.memory_space<hbm>>) target(%arg8 : memref<80x128xf32, #tpu.memory_space<vmem>>) offsets(%dma_start3A_175 : memref<80xi32, #tpu.memory_space<vmem>>) semaphore(%arg12 : memref<!tpu.dma_semaphore, #tpu.memory_space<semaphore_mem>>)
      } else {
      }
      %mul3A_116 = arith.constant 3 : i32
      %mul3A_117 = arith.muli %mul3A_116, %scan3A_93 : i32
      %add3A_118 = arith.constant 1 : i32
      %add3A_119 = arith.addi %mul3A_117, %add3A_118 : i32
      %sub3A_120 = arith.constant 0 : i32
      %sub3A_121 = arith.subi %add3A_119, %sub3A_120 : i32
      %mul3A_122 = arith.constant 80 : i32
      %mul3A_123 = arith.muli %sub3A_121, %mul3A_122 : i32
      %mul3A_124 = arith.constant 80 : i32
      %mul3A_125 = arith.muli %add3A_119, %mul3A_124 : i32
      %dma_wait3A_126 = tpu.memref_slice %arg6[%mul3A_125] : memref<10000xi32, #tpu.memory_space<vmem>> -> memref<80xi32, #tpu.memory_space<vmem>>
      %dma_wait3A_127 = arith.constant 0 : i32
      %dma_wait3A_128 = arith.constant 0 : i32
      %dma_wait3A_129 = tpu.memref_slice %arg4[%dma_wait3A_127, %dma_wait3A_128] : memref<10240x128xf32, #tpu.memory_space<hbm>> -> memref<10240x128xf32, #tpu.memory_space<hbm>>
      tpu.wait_indirect_dma semaphore(%arg13 : memref<!tpu.dma_semaphore, #tpu.memory_space<semaphore_mem>>) src(%dma_wait3A_129 : memref<10240x128xf32, #tpu.memory_space<hbm>>) dst(%arg9 : memref<80x128xf32, #tpu.memory_space<vmem>>)
      %dma_start3A_130 = tpu.memref_slice %arg7[%mul3A_123] : memref<3840xi32, #tpu.memory_space<vmem>> -> memref<80xi32, #tpu.memory_space<vmem>>
      %dma_start3A_131 = arith.constant 0 : i32
      %dma_start3A_132 = arith.constant 0 : i32
      %dma_start3A_133 = tpu.memref_slice %arg11[%dma_start3A_131, %dma_start3A_132] : memref<10240x128xf32, #tpu.memory_space<vmem_shared>> -> memref<10240x128xf32, #tpu.memory_space<vmem_shared>>
      tpu.enqueue_indirect_dma source(%arg9 : memref<80x128xf32, #tpu.memory_space<vmem>>) target(%dma_start3A_133 : memref<10240x128xf32, #tpu.memory_space<vmem_shared>>) offsets(%dma_start3A_130 : memref<80xi32, #tpu.memory_space<vmem>>) semaphore(%arg16 : memref<!tpu.dma_semaphore, #tpu.memory_space<semaphore_mem>>) {add = true}
      %add3A_134 = arith.constant 3 : i32
      %add3A_135 = arith.addi %add3A_119, %add3A_134 : i32
      %lt3A_136 = arith.constant 125 : i32
      %lt3A_137 = arith.cmpi slt, %add3A_135, %lt3A_136 : i32
      %convert_element_type3A_138 = arith.extui %lt3A_137 : i1 to i32
      %cond3A_139 = arith.constant 0 : i32
      %cond3A_140 = arith.cmpi ne, %convert_element_type3A_138, %cond3A_139 : i32
      scf.if %cond3A_140 {
        %dma_wait3A_167 = tpu.memref_slice %arg7[%mul3A_123] : memref<3840xi32, #tpu.memory_space<vmem>> -> memref<80xi32, #tpu.memory_space<vmem>>
        %dma_wait3A_168 = arith.constant 0 : i32
        %dma_wait3A_169 = arith.constant 0 : i32
        %dma_wait3A_170 = tpu.memref_slice %arg11[%dma_wait3A_168, %dma_wait3A_169] : memref<10240x128xf32, #tpu.memory_space<vmem_shared>> -> memref<10240x128xf32, #tpu.memory_space<vmem_shared>>
        tpu.wait_indirect_dma semaphore(%arg16 : memref<!tpu.dma_semaphore, #tpu.memory_space<semaphore_mem>>) src(%arg9 : memref<80x128xf32, #tpu.memory_space<vmem>>) dst(%dma_wait3A_170 : memref<10240x128xf32, #tpu.memory_space<vmem_shared>>)
        %add3A_171 = arith.constant 3 : i32
        %add3A_172 = arith.addi %add3A_119, %add3A_171 : i32
        %mul3A_173 = arith.constant 80 : i32
        %mul3A_174 = arith.muli %add3A_172, %mul3A_173 : i32
        %dma_start3A_175 = tpu.memref_slice %arg6[%mul3A_174] : memref<10000xi32, #tpu.memory_space<vmem>> -> memref<80xi32, #tpu.memory_space<vmem>>
        %dma_start3A_176 = arith.constant 0 : i32
        %dma_start3A_177 = arith.constant 0 : i32
        %dma_start3A_178 = tpu.memref_slice %arg4[%dma_start3A_176, %dma_start3A_177] : memref<10240x128xf32, #tpu.memory_space<hbm>> -> memref<10240x128xf32, #tpu.memory_space<hbm>>
        tpu.enqueue_indirect_dma source(%dma_start3A_178 : memref<10240x128xf32, #tpu.memory_space<hbm>>) target(%arg9 : memref<80x128xf32, #tpu.memory_space<vmem>>) offsets(%dma_start3A_175 : memref<80xi32, #tpu.memory_space<vmem>>) semaphore(%arg13 : memref<!tpu.dma_semaphore, #tpu.memory_space<semaphore_mem>>)
      } else {
      }
      %mul3A_141 = arith.constant 3 : i32
      %mul3A_142 = arith.muli %mul3A_141, %scan3A_93 : i32
      %add3A_143 = arith.constant 2 : i32
      %add3A_144 = arith.addi %mul3A_142, %add3A_143 : i32
      %sub3A_145 = arith.constant 0 : i32
      %sub3A_146 = arith.subi %add3A_144, %sub3A_145 : i32
      %mul3A_147 = arith.constant 80 : i32
      %mul3A_148 = arith.muli %sub3A_146, %mul3A_147 : i32
      %mul3A_149 = arith.constant 80 : i32
      %mul3A_150 = arith.muli %add3A_144, %mul3A_149 : i32
      %dma_wait3A_151 = tpu.memref_slice %arg6[%mul3A_150] : memref<10000xi32, #tpu.memory_space<vmem>> -> memref<80xi32, #tpu.memory_space<vmem>>
      %dma_wait3A_152 = arith.constant 0 : i32
      %dma_wait3A_153 = arith.constant 0 : i32
      %dma_wait3A_154 = tpu.memref_slice %arg4[%dma_wait3A_152, %dma_wait3A_153] : memref<10240x128xf32, #tpu.memory_space<hbm>> -> memref<10240x128xf32, #tpu.memory_space<hbm>>
      tpu.wait_indirect_dma semaphore(%arg14 : memref<!tpu.dma_semaphore, #tpu.memory_space<semaphore_mem>>) src(%dma_wait3A_154 : memref<10240x128xf32, #tpu.memory_space<hbm>>) dst(%arg10 : memref<80x128xf32, #tpu.memory_space<vmem>>)
      %dma_start3A_155 = tpu.memref_slice %arg7[%mul3A_148] : memref<3840xi32, #tpu.memory_space<vmem>> -> memref<80xi32, #tpu.memory_space<vmem>>
      %dma_start3A_156 = arith.constant 0 : i32
      %dma_start3A_157 = arith.constant 0 : i32
      %dma_start3A_158 = tpu.memref_slice %arg11[%dma_start3A_156, %dma_start3A_157] : memref<10240x128xf32, #tpu.memory_space<vmem_shared>> -> memref<10240x128xf32, #tpu.memory_space<vmem_shared>>
      tpu.enqueue_indirect_dma source(%arg10 : memref<80x128xf32, #tpu.memory_space<vmem>>) target(%dma_start3A_158 : memref<10240x128xf32, #tpu.memory_space<vmem_shared>>) offsets(%dma_start3A_155 : memref<80xi32, #tpu.memory_space<vmem>>) semaphore(%arg17 : memref<!tpu.dma_semaphore, #tpu.memory_space<semaphore_mem>>) {add = true}
      %add3A_159 = arith.constant 3 : i32
      %add3A_160 = arith.addi %add3A_144, %add3A_159 : i32
      %lt3A_161 = arith.constant 125 : i32
      %lt3A_162 = arith.cmpi slt, %add3A_160, %lt3A_161 : i32
      %convert_element_type3A_163 = arith.extui %lt3A_162 : i1 to i32
      %cond3A_164 = arith.constant 0 : i32
      %cond3A_165 = arith.cmpi ne, %convert_element_type3A_163, %cond3A_164 : i32
      scf.if %cond3A_165 {
        %dma_wait3A_167 = tpu.memref_slice %arg7[%mul3A_148] : memref<3840xi32, #tpu.memory_space<vmem>> -> memref<80xi32, #tpu.memory_space<vmem>>
        %dma_wait3A_168 = arith.constant 0 : i32
        %dma_wait3A_169 = arith.constant 0 : i32
        %dma_wait3A_170 = tpu.memref_slice %arg11[%dma_wait3A_168, %dma_wait3A_169] : memref<10240x128xf32, #tpu.memory_space<vmem_shared>> -> memref<10240x128xf32, #tpu.memory_space<vmem_shared>>
        tpu.wait_indirect_dma semaphore(%arg17 : memref<!tpu.dma_semaphore, #tpu.memory_space<semaphore_mem>>) src(%arg10 : memref<80x128xf32, #tpu.memory_space<vmem>>) dst(%dma_wait3A_170 : memref<10240x128xf32, #tpu.memory_space<vmem_shared>>)
        %add3A_171 = arith.constant 3 : i32
        %add3A_172 = arith.addi %add3A_144, %add3A_171 : i32
        %mul3A_173 = arith.constant 80 : i32
        %mul3A_174 = arith.muli %add3A_172, %mul3A_173 : i32
        %dma_start3A_175 = tpu.memref_slice %arg6[%mul3A_174] : memref<10000xi32, #tpu.memory_space<vmem>> -> memref<80xi32, #tpu.memory_space<vmem>>
        %dma_start3A_176 = arith.constant 0 : i32
        %dma_start3A_177 = arith.constant 0 : i32
        %dma_start3A_178 = tpu.memref_slice %arg4[%dma_start3A_176, %dma_start3A_177] : memref<10240x128xf32, #tpu.memory_space<hbm>> -> memref<10240x128xf32, #tpu.memory_space<hbm>>
        tpu.enqueue_indirect_dma source(%dma_start3A_178 : memref<10240x128xf32, #tpu.memory_space<hbm>>) target(%arg10 : memref<80x128xf32, #tpu.memory_space<vmem>>) offsets(%dma_start3A_175 : memref<80xi32, #tpu.memory_space<vmem>>) semaphore(%arg14 : memref<!tpu.dma_semaphore, #tpu.memory_space<semaphore_mem>>)
      } else {
      }
      %scan3A_166 = arith.constant 0 : i32
      scf.yield %scan3A_166 : i32
    }
    %scan3A_36 = arith.constant 16 : i32
    "tpu.region"() ({
      %run_scoped3A_93 = tpu.sem_alloc : memref<!tpu.dma_semaphore, #tpu.memory_space<semaphore_mem>>
      %dma_start3A_94 = arith.constant 3840 : i32
      %dma_start3A_95 = tpu.memref_slice %arg3[%add3A, %dma_start3A_94] : memref<32x11520xi32, #tpu.memory_space<hbm>> -> memref<1x3840xi32, #tpu.memory_space<hbm>>
      %dma_start3A_96 = tpu.memref_squeeze %dma_start3A_95 : memref<1x3840xi32, #tpu.memory_space<hbm>> -> memref<3840xi32, #tpu.memory_space<hbm>>
      %dma_start3A_97 = arith.constant 3840 : i32
      %dma_start3A_98 = tpu.memref_slice %arg3[%add3A, %dma_start3A_97] : memref<32x11520xi32, #tpu.memory_space<hbm>> -> memref<1x3840xi32, #tpu.memory_space<hbm>>
      %dma_start3A_99 = tpu.memref_squeeze %dma_start3A_98 : memref<1x3840xi32, #tpu.memory_space<hbm>> -> memref<3840xi32, #tpu.memory_space<hbm>>
      tpu.enqueue_dma source(%dma_start3A_99 : memref<3840xi32, #tpu.memory_space<hbm>>) target(%arg7 : memref<3840xi32, #tpu.memory_space<vmem>>) target_semaphore(%run_scoped3A_93 : memref<!tpu.dma_semaphore, #tpu.memory_space<semaphore_mem>>)
      %dma_wait3A_100 = arith.constant 3840 : i32
      %dma_wait3A_101 = tpu.memref_slice %arg3[%add3A, %dma_wait3A_100] : memref<32x11520xi32, #tpu.memory_space<hbm>> -> memref<1x3840xi32, #tpu.memory_space<hbm>>
      %dma_wait3A_102 = tpu.memref_squeeze %dma_wait3A_101 : memref<1x3840xi32, #tpu.memory_space<hbm>> -> memref<3840xi32, #tpu.memory_space<hbm>>
      %dma_wait3A_103 = arith.constant 3840 : i32
      %dma_wait3A_104 = tpu.memref_slice %arg3[%add3A, %dma_wait3A_103] : memref<32x11520xi32, #tpu.memory_space<hbm>> -> memref<1x3840xi32, #tpu.memory_space<hbm>>
      %dma_wait3A_105 = tpu.memref_squeeze %dma_wait3A_104 : memref<1x3840xi32, #tpu.memory_space<hbm>> -> memref<3840xi32, #tpu.memory_space<hbm>>
      tpu.wait_dma2 semaphore(%run_scoped3A_93 : memref<!tpu.dma_semaphore, #tpu.memory_space<semaphore_mem>>) src(%dma_wait3A_105 : memref<3840xi32, #tpu.memory_space<hbm>>) dst(%arg7 : memref<3840xi32, #tpu.memory_space<vmem>>)
      tpu.yield
    }) : () -> ()
    %scan3A_37 = arith.constant 0 : i32
    %scan3A_38 = arith.constant 16 : i32
    %scan3A_39 = arith.constant 16 : i32
    %scan3A_40 = arith.addi %scan3A_38, %scan3A_39 : i32
    %scan3A_41 = arith.constant 1 : i32
    %scan3A_42 = scf.for %scan3A_93 = %scan3A_38 to %scan3A_40 step %scan3A_41 iter_args(%scan3A_94 = %scan3A_37) -> (i32)  : i32 {
      %mul3A_95 = arith.constant 3 : i32
      %mul3A_96 = arith.muli %mul3A_95, %scan3A_93 : i32
      %add3A_97 = arith.constant 0 : i32
      %add3A_98 = arith.addi %mul3A_96, %add3A_97 : i32
      %sub3A = arith.constant 48 : i32
      %sub3A_99 = arith.subi %add3A_98, %sub3A : i32
      %mul3A_100 = arith.constant 80 : i32
      %mul3A_101 = arith.muli %sub3A_99, %mul3A_100 : i32
      %mul3A_102 = arith.constant 80 : i32
      %mul3A_103 = arith.muli %add3A_98, %mul3A_102 : i32
      %dma_wait3A_104 = tpu.memref_slice %arg6[%mul3A_103] : memref<10000xi32, #tpu.memory_space<vmem>> -> memref<80xi32, #tpu.memory_space<vmem>>
      %dma_wait3A_105 = arith.constant 0 : i32
      %dma_wait3A_106 = arith.constant 0 : i32
      %dma_wait3A_107 = tpu.memref_slice %arg4[%dma_wait3A_105, %dma_wait3A_106] : memref<10240x128xf32, #tpu.memory_space<hbm>> -> memref<10240x128xf32, #tpu.memory_space<hbm>>
      tpu.wait_indirect_dma semaphore(%arg12 : memref<!tpu.dma_semaphore, #tpu.memory_space<semaphore_mem>>) src(%dma_wait3A_107 : memref<10240x128xf32, #tpu.memory_space<hbm>>) dst(%arg8 : memref<80x128xf32, #tpu.memory_space<vmem>>)
      %dma_start3A_108 = tpu.memref_slice %arg7[%mul3A_101] : memref<3840xi32, #tpu.memory_space<vmem>> -> memref<80xi32, #tpu.memory_space<vmem>>
      %dma_start3A_109 = arith.constant 0 : i32
      %dma_start3A_110 = arith.constant 0 : i32
      %dma_start3A_111 = tpu.memref_slice %arg11[%dma_start3A_109, %dma_start3A_110] : memref<10240x128xf32, #tpu.memory_space<vmem_shared>> -> memref<10240x128xf32, #tpu.memory_space<vmem_shared>>
      tpu.enqueue_indirect_dma source(%arg8 : memref<80x128xf32, #tpu.memory_space<vmem>>) target(%dma_start3A_111 : memref<10240x128xf32, #tpu.memory_space<vmem_shared>>) offsets(%dma_start3A_108 : memref<80xi32, #tpu.memory_space<vmem>>) semaphore(%arg15 : memref<!tpu.dma_semaphore, #tpu.memory_space<semaphore_mem>>) {add = true}
      %add3A_112 = arith.constant 3 : i32
      %add3A_113 = arith.addi %add3A_98, %add3A_112 : i32
      %lt3A = arith.constant 125 : i32
      %lt3A_114 = arith.cmpi slt, %add3A_113, %lt3A : i32
      %convert_element_type3A = arith.extui %lt3A_114 : i1 to i32
      %cond3A = arith.constant 0 : i32
      %cond3A_115 = arith.cmpi ne, %convert_element_type3A, %cond3A : i32
      scf.if %cond3A_115 {
        %dma_wait3A_167 = tpu.memref_slice %arg7[%mul3A_101] : memref<3840xi32, #tpu.memory_space<vmem>> -> memref<80xi32, #tpu.memory_space<vmem>>
        %dma_wait3A_168 = arith.constant 0 : i32
        %dma_wait3A_169 = arith.constant 0 : i32
        %dma_wait3A_170 = tpu.memref_slice %arg11[%dma_wait3A_168, %dma_wait3A_169] : memref<10240x128xf32, #tpu.memory_space<vmem_shared>> -> memref<10240x128xf32, #tpu.memory_space<vmem_shared>>
        tpu.wait_indirect_dma semaphore(%arg15 : memref<!tpu.dma_semaphore, #tpu.memory_space<semaphore_mem>>) src(%arg8 : memref<80x128xf32, #tpu.memory_space<vmem>>) dst(%dma_wait3A_170 : memref<10240x128xf32, #tpu.memory_space<vmem_shared>>)
        %add3A_171 = arith.constant 3 : i32
        %add3A_172 = arith.addi %add3A_98, %add3A_171 : i32
        %mul3A_173 = arith.constant 80 : i32
        %mul3A_174 = arith.muli %add3A_172, %mul3A_173 : i32
        %dma_start3A_175 = tpu.memref_slice %arg6[%mul3A_174] : memref<10000xi32, #tpu.memory_space<vmem>> -> memref<80xi32, #tpu.memory_space<vmem>>
        %dma_start3A_176 = arith.constant 0 : i32
        %dma_start3A_177 = arith.constant 0 : i32
        %dma_start3A_178 = tpu.memref_slice %arg4[%dma_start3A_176, %dma_start3A_177] : memref<10240x128xf32, #tpu.memory_space<hbm>> -> memref<10240x128xf32, #tpu.memory_space<hbm>>
        tpu.enqueue_indirect_dma source(%dma_start3A_178 : memref<10240x128xf32, #tpu.memory_space<hbm>>) target(%arg8 : memref<80x128xf32, #tpu.memory_space<vmem>>) offsets(%dma_start3A_175 : memref<80xi32, #tpu.memory_space<vmem>>) semaphore(%arg12 : memref<!tpu.dma_semaphore, #tpu.memory_space<semaphore_mem>>)
      } else {
      }
      %mul3A_116 = arith.constant 3 : i32
      %mul3A_117 = arith.muli %mul3A_116, %scan3A_93 : i32
      %add3A_118 = arith.constant 1 : i32
      %add3A_119 = arith.addi %mul3A_117, %add3A_118 : i32
      %sub3A_120 = arith.constant 48 : i32
      %sub3A_121 = arith.subi %add3A_119, %sub3A_120 : i32
      %mul3A_122 = arith.constant 80 : i32
      %mul3A_123 = arith.muli %sub3A_121, %mul3A_122 : i32
      %mul3A_124 = arith.constant 80 : i32
      %mul3A_125 = arith.muli %add3A_119, %mul3A_124 : i32
      %dma_wait3A_126 = tpu.memref_slice %arg6[%mul3A_125] : memref<10000xi32, #tpu.memory_space<vmem>> -> memref<80xi32, #tpu.memory_space<vmem>>
      %dma_wait3A_127 = arith.constant 0 : i32
      %dma_wait3A_128 = arith.constant 0 : i32
      %dma_wait3A_129 = tpu.memref_slice %arg4[%dma_wait3A_127, %dma_wait3A_128] : memref<10240x128xf32, #tpu.memory_space<hbm>> -> memref<10240x128xf32, #tpu.memory_space<hbm>>
      tpu.wait_indirect_dma semaphore(%arg13 : memref<!tpu.dma_semaphore, #tpu.memory_space<semaphore_mem>>) src(%dma_wait3A_129 : memref<10240x128xf32, #tpu.memory_space<hbm>>) dst(%arg9 : memref<80x128xf32, #tpu.memory_space<vmem>>)
      %dma_start3A_130 = tpu.memref_slice %arg7[%mul3A_123] : memref<3840xi32, #tpu.memory_space<vmem>> -> memref<80xi32, #tpu.memory_space<vmem>>
      %dma_start3A_131 = arith.constant 0 : i32
      %dma_start3A_132 = arith.constant 0 : i32
      %dma_start3A_133 = tpu.memref_slice %arg11[%dma_start3A_131, %dma_start3A_132] : memref<10240x128xf32, #tpu.memory_space<vmem_shared>> -> memref<10240x128xf32, #tpu.memory_space<vmem_shared>>
      tpu.enqueue_indirect_dma source(%arg9 : memref<80x128xf32, #tpu.memory_space<vmem>>) target(%dma_start3A_133 : memref<10240x128xf32, #tpu.memory_space<vmem_shared>>) offsets(%dma_start3A_130 : memref<80xi32, #tpu.memory_space<vmem>>) semaphore(%arg16 : memref<!tpu.dma_semaphore, #tpu.memory_space<semaphore_mem>>) {add = true}
      %add3A_134 = arith.constant 3 : i32
      %add3A_135 = arith.addi %add3A_119, %add3A_134 : i32
      %lt3A_136 = arith.constant 125 : i32
      %lt3A_137 = arith.cmpi slt, %add3A_135, %lt3A_136 : i32
      %convert_element_type3A_138 = arith.extui %lt3A_137 : i1 to i32
      %cond3A_139 = arith.constant 0 : i32
      %cond3A_140 = arith.cmpi ne, %convert_element_type3A_138, %cond3A_139 : i32
      scf.if %cond3A_140 {
        %dma_wait3A_167 = tpu.memref_slice %arg7[%mul3A_123] : memref<3840xi32, #tpu.memory_space<vmem>> -> memref<80xi32, #tpu.memory_space<vmem>>
        %dma_wait3A_168 = arith.constant 0 : i32
        %dma_wait3A_169 = arith.constant 0 : i32
        %dma_wait3A_170 = tpu.memref_slice %arg11[%dma_wait3A_168, %dma_wait3A_169] : memref<10240x128xf32, #tpu.memory_space<vmem_shared>> -> memref<10240x128xf32, #tpu.memory_space<vmem_shared>>
        tpu.wait_indirect_dma semaphore(%arg16 : memref<!tpu.dma_semaphore, #tpu.memory_space<semaphore_mem>>) src(%arg9 : memref<80x128xf32, #tpu.memory_space<vmem>>) dst(%dma_wait3A_170 : memref<10240x128xf32, #tpu.memory_space<vmem_shared>>)
        %add3A_171 = arith.constant 3 : i32
        %add3A_172 = arith.addi %add3A_119, %add3A_171 : i32
        %mul3A_173 = arith.constant 80 : i32
        %mul3A_174 = arith.muli %add3A_172, %mul3A_173 : i32
        %dma_start3A_175 = tpu.memref_slice %arg6[%mul3A_174] : memref<10000xi32, #tpu.memory_space<vmem>> -> memref<80xi32, #tpu.memory_space<vmem>>
        %dma_start3A_176 = arith.constant 0 : i32
        %dma_start3A_177 = arith.constant 0 : i32
        %dma_start3A_178 = tpu.memref_slice %arg4[%dma_start3A_176, %dma_start3A_177] : memref<10240x128xf32, #tpu.memory_space<hbm>> -> memref<10240x128xf32, #tpu.memory_space<hbm>>
        tpu.enqueue_indirect_dma source(%dma_start3A_178 : memref<10240x128xf32, #tpu.memory_space<hbm>>) target(%arg9 : memref<80x128xf32, #tpu.memory_space<vmem>>) offsets(%dma_start3A_175 : memref<80xi32, #tpu.memory_space<vmem>>) semaphore(%arg13 : memref<!tpu.dma_semaphore, #tpu.memory_space<semaphore_mem>>)
      } else {
      }
      %mul3A_141 = arith.constant 3 : i32
      %mul3A_142 = arith.muli %mul3A_141, %scan3A_93 : i32
      %add3A_143 = arith.constant 2 : i32
      %add3A_144 = arith.addi %mul3A_142, %add3A_143 : i32
      %sub3A_145 = arith.constant 48 : i32
      %sub3A_146 = arith.subi %add3A_144, %sub3A_145 : i32
      %mul3A_147 = arith.constant 80 : i32
      %mul3A_148 = arith.muli %sub3A_146, %mul3A_147 : i32
      %mul3A_149 = arith.constant 80 : i32
      %mul3A_150 = arith.muli %add3A_144, %mul3A_149 : i32
      %dma_wait3A_151 = tpu.memref_slice %arg6[%mul3A_150] : memref<10000xi32, #tpu.memory_space<vmem>> -> memref<80xi32, #tpu.memory_space<vmem>>
      %dma_wait3A_152 = arith.constant 0 : i32
      %dma_wait3A_153 = arith.constant 0 : i32
      %dma_wait3A_154 = tpu.memref_slice %arg4[%dma_wait3A_152, %dma_wait3A_153] : memref<10240x128xf32, #tpu.memory_space<hbm>> -> memref<10240x128xf32, #tpu.memory_space<hbm>>
      tpu.wait_indirect_dma semaphore(%arg14 : memref<!tpu.dma_semaphore, #tpu.memory_space<semaphore_mem>>) src(%dma_wait3A_154 : memref<10240x128xf32, #tpu.memory_space<hbm>>) dst(%arg10 : memref<80x128xf32, #tpu.memory_space<vmem>>)
      %dma_start3A_155 = tpu.memref_slice %arg7[%mul3A_148] : memref<3840xi32, #tpu.memory_space<vmem>> -> memref<80xi32, #tpu.memory_space<vmem>>
      %dma_start3A_156 = arith.constant 0 : i32
      %dma_start3A_157 = arith.constant 0 : i32
      %dma_start3A_158 = tpu.memref_slice %arg11[%dma_start3A_156, %dma_start3A_157] : memref<10240x128xf32, #tpu.memory_space<vmem_shared>> -> memref<10240x128xf32, #tpu.memory_space<vmem_shared>>
      tpu.enqueue_indirect_dma source(%arg10 : memref<80x128xf32, #tpu.memory_space<vmem>>) target(%dma_start3A_158 : memref<10240x128xf32, #tpu.memory_space<vmem_shared>>) offsets(%dma_start3A_155 : memref<80xi32, #tpu.memory_space<vmem>>) semaphore(%arg17 : memref<!tpu.dma_semaphore, #tpu.memory_space<semaphore_mem>>) {add = true}
      %add3A_159 = arith.constant 3 : i32
      %add3A_160 = arith.addi %add3A_144, %add3A_159 : i32
      %lt3A_161 = arith.constant 125 : i32
      %lt3A_162 = arith.cmpi slt, %add3A_160, %lt3A_161 : i32
      %convert_element_type3A_163 = arith.extui %lt3A_162 : i1 to i32
      %cond3A_164 = arith.constant 0 : i32
      %cond3A_165 = arith.cmpi ne, %convert_element_type3A_163, %cond3A_164 : i32
      scf.if %cond3A_165 {
        %dma_wait3A_167 = tpu.memref_slice %arg7[%mul3A_148] : memref<3840xi32, #tpu.memory_space<vmem>> -> memref<80xi32, #tpu.memory_space<vmem>>
        %dma_wait3A_168 = arith.constant 0 : i32
        %dma_wait3A_169 = arith.constant 0 : i32
        %dma_wait3A_170 = tpu.memref_slice %arg11[%dma_wait3A_168, %dma_wait3A_169] : memref<10240x128xf32, #tpu.memory_space<vmem_shared>> -> memref<10240x128xf32, #tpu.memory_space<vmem_shared>>
        tpu.wait_indirect_dma semaphore(%arg17 : memref<!tpu.dma_semaphore, #tpu.memory_space<semaphore_mem>>) src(%arg10 : memref<80x128xf32, #tpu.memory_space<vmem>>) dst(%dma_wait3A_170 : memref<10240x128xf32, #tpu.memory_space<vmem_shared>>)
        %add3A_171 = arith.constant 3 : i32
        %add3A_172 = arith.addi %add3A_144, %add3A_171 : i32
        %mul3A_173 = arith.constant 80 : i32
        %mul3A_174 = arith.muli %add3A_172, %mul3A_173 : i32
        %dma_start3A_175 = tpu.memref_slice %arg6[%mul3A_174] : memref<10000xi32, #tpu.memory_space<vmem>> -> memref<80xi32, #tpu.memory_space<vmem>>
        %dma_start3A_176 = arith.constant 0 : i32
        %dma_start3A_177 = arith.constant 0 : i32
        %dma_start3A_178 = tpu.memref_slice %arg4[%dma_start3A_176, %dma_start3A_177] : memref<10240x128xf32, #tpu.memory_space<hbm>> -> memref<10240x128xf32, #tpu.memory_space<hbm>>
        tpu.enqueue_indirect_dma source(%dma_start3A_178 : memref<10240x128xf32, #tpu.memory_space<hbm>>) target(%arg10 : memref<80x128xf32, #tpu.memory_space<vmem>>) offsets(%dma_start3A_175 : memref<80xi32, #tpu.memory_space<vmem>>) semaphore(%arg14 : memref<!tpu.dma_semaphore, #tpu.memory_space<semaphore_mem>>)
      } else {
      }
      %scan3A_166 = arith.constant 0 : i32
      scf.yield %scan3A_166 : i32
    }
    %scan3A_43 = arith.constant 16 : i32
    "tpu.region"() ({
      %run_scoped3A_93 = tpu.sem_alloc : memref<!tpu.dma_semaphore, #tpu.memory_space<semaphore_mem>>
      %dma_start3A_94 = arith.constant 7680 : i32
      %dma_start3A_95 = tpu.memref_slice %arg3[%add3A, %dma_start3A_94] : memref<32x11520xi32, #tpu.memory_space<hbm>> -> memref<1x3840xi32, #tpu.memory_space<hbm>>
      %dma_start3A_96 = tpu.memref_squeeze %dma_start3A_95 : memref<1x3840xi32, #tpu.memory_space<hbm>> -> memref<3840xi32, #tpu.memory_space<hbm>>
      %dma_start3A_97 = arith.constant 7680 : i32
      %dma_start3A_98 = tpu.memref_slice %arg3[%add3A, %dma_start3A_97] : memref<32x11520xi32, #tpu.memory_space<hbm>> -> memref<1x3840xi32, #tpu.memory_space<hbm>>
      %dma_start3A_99 = tpu.memref_squeeze %dma_start3A_98 : memref<1x3840xi32, #tpu.memory_space<hbm>> -> memref<3840xi32, #tpu.memory_space<hbm>>
      tpu.enqueue_dma source(%dma_start3A_99 : memref<3840xi32, #tpu.memory_space<hbm>>) target(%arg7 : memref<3840xi32, #tpu.memory_space<vmem>>) target_semaphore(%run_scoped3A_93 : memref<!tpu.dma_semaphore, #tpu.memory_space<semaphore_mem>>)
      %dma_wait3A_100 = arith.constant 7680 : i32
      %dma_wait3A_101 = tpu.memref_slice %arg3[%add3A, %dma_wait3A_100] : memref<32x11520xi32, #tpu.memory_space<hbm>> -> memref<1x3840xi32, #tpu.memory_space<hbm>>
      %dma_wait3A_102 = tpu.memref_squeeze %dma_wait3A_101 : memref<1x3840xi32, #tpu.memory_space<hbm>> -> memref<3840xi32, #tpu.memory_space<hbm>>
      %dma_wait3A_103 = arith.constant 7680 : i32
      %dma_wait3A_104 = tpu.memref_slice %arg3[%add3A, %dma_wait3A_103] : memref<32x11520xi32, #tpu.memory_space<hbm>> -> memref<1x3840xi32, #tpu.memory_space<hbm>>
      %dma_wait3A_105 = tpu.memref_squeeze %dma_wait3A_104 : memref<1x3840xi32, #tpu.memory_space<hbm>> -> memref<3840xi32, #tpu.memory_space<hbm>>
      tpu.wait_dma2 semaphore(%run_scoped3A_93 : memref<!tpu.dma_semaphore, #tpu.memory_space<semaphore_mem>>) src(%dma_wait3A_105 : memref<3840xi32, #tpu.memory_space<hbm>>) dst(%arg7 : memref<3840xi32, #tpu.memory_space<vmem>>)
      tpu.yield
    }) : () -> ()
    %scan3A_44 = arith.constant 0 : i32
    %scan3A_45 = arith.constant 32 : i32
    %scan3A_46 = arith.constant 9 : i32
    %scan3A_47 = arith.addi %scan3A_45, %scan3A_46 : i32
    %scan3A_48 = arith.constant 1 : i32
    %scan3A_49 = scf.for %scan3A_93 = %scan3A_45 to %scan3A_47 step %scan3A_48 iter_args(%scan3A_94 = %scan3A_44) -> (i32)  : i32 {
      %mul3A_95 = arith.constant 3 : i32
      %mul3A_96 = arith.muli %mul3A_95, %scan3A_93 : i32
      %add3A_97 = arith.constant 0 : i32
      %add3A_98 = arith.addi %mul3A_96, %add3A_97 : i32
      %sub3A = arith.constant 96 : i32
      %sub3A_99 = arith.subi %add3A_98, %sub3A : i32
      %mul3A_100 = arith.constant 80 : i32
      %mul3A_101 = arith.muli %sub3A_99, %mul3A_100 : i32
      %mul3A_102 = arith.constant 80 : i32
      %mul3A_103 = arith.muli %add3A_98, %mul3A_102 : i32
      %dma_wait3A_104 = tpu.memref_slice %arg6[%mul3A_103] : memref<10000xi32, #tpu.memory_space<vmem>> -> memref<80xi32, #tpu.memory_space<vmem>>
      %dma_wait3A_105 = arith.constant 0 : i32
      %dma_wait3A_106 = arith.constant 0 : i32
      %dma_wait3A_107 = tpu.memref_slice %arg4[%dma_wait3A_105, %dma_wait3A_106] : memref<10240x128xf32, #tpu.memory_space<hbm>> -> memref<10240x128xf32, #tpu.memory_space<hbm>>
      tpu.wait_indirect_dma semaphore(%arg12 : memref<!tpu.dma_semaphore, #tpu.memory_space<semaphore_mem>>) src(%dma_wait3A_107 : memref<10240x128xf32, #tpu.memory_space<hbm>>) dst(%arg8 : memref<80x128xf32, #tpu.memory_space<vmem>>)
      %dma_start3A_108 = tpu.memref_slice %arg7[%mul3A_101] : memref<3840xi32, #tpu.memory_space<vmem>> -> memref<80xi32, #tpu.memory_space<vmem>>
      %dma_start3A_109 = arith.constant 0 : i32
      %dma_start3A_110 = arith.constant 0 : i32
      %dma_start3A_111 = tpu.memref_slice %arg11[%dma_start3A_109, %dma_start3A_110] : memref<10240x128xf32, #tpu.memory_space<vmem_shared>> -> memref<10240x128xf32, #tpu.memory_space<vmem_shared>>
      tpu.enqueue_indirect_dma source(%arg8 : memref<80x128xf32, #tpu.memory_space<vmem>>) target(%dma_start3A_111 : memref<10240x128xf32, #tpu.memory_space<vmem_shared>>) offsets(%dma_start3A_108 : memref<80xi32, #tpu.memory_space<vmem>>) semaphore(%arg15 : memref<!tpu.dma_semaphore, #tpu.memory_space<semaphore_mem>>) {add = true}
      %add3A_112 = arith.constant 3 : i32
      %add3A_113 = arith.addi %add3A_98, %add3A_112 : i32
      %lt3A = arith.constant 125 : i32
      %lt3A_114 = arith.cmpi slt, %add3A_113, %lt3A : i32
      %convert_element_type3A = arith.extui %lt3A_114 : i1 to i32
      %cond3A = arith.constant 0 : i32
      %cond3A_115 = arith.cmpi ne, %convert_element_type3A, %cond3A : i32
      scf.if %cond3A_115 {
        %dma_wait3A_167 = tpu.memref_slice %arg7[%mul3A_101] : memref<3840xi32, #tpu.memory_space<vmem>> -> memref<80xi32, #tpu.memory_space<vmem>>
        %dma_wait3A_168 = arith.constant 0 : i32
        %dma_wait3A_169 = arith.constant 0 : i32
        %dma_wait3A_170 = tpu.memref_slice %arg11[%dma_wait3A_168, %dma_wait3A_169] : memref<10240x128xf32, #tpu.memory_space<vmem_shared>> -> memref<10240x128xf32, #tpu.memory_space<vmem_shared>>
        tpu.wait_indirect_dma semaphore(%arg15 : memref<!tpu.dma_semaphore, #tpu.memory_space<semaphore_mem>>) src(%arg8 : memref<80x128xf32, #tpu.memory_space<vmem>>) dst(%dma_wait3A_170 : memref<10240x128xf32, #tpu.memory_space<vmem_shared>>)
        %add3A_171 = arith.constant 3 : i32
        %add3A_172 = arith.addi %add3A_98, %add3A_171 : i32
        %mul3A_173 = arith.constant 80 : i32
        %mul3A_174 = arith.muli %add3A_172, %mul3A_173 : i32
        %dma_start3A_175 = tpu.memref_slice %arg6[%mul3A_174] : memref<10000xi32, #tpu.memory_space<vmem>> -> memref<80xi32, #tpu.memory_space<vmem>>
        %dma_start3A_176 = arith.constant 0 : i32
        %dma_start3A_177 = arith.constant 0 : i32
        %dma_start3A_178 = tpu.memref_slice %arg4[%dma_start3A_176, %dma_start3A_177] : memref<10240x128xf32, #tpu.memory_space<hbm>> -> memref<10240x128xf32, #tpu.memory_space<hbm>>
        tpu.enqueue_indirect_dma source(%dma_start3A_178 : memref<10240x128xf32, #tpu.memory_space<hbm>>) target(%arg8 : memref<80x128xf32, #tpu.memory_space<vmem>>) offsets(%dma_start3A_175 : memref<80xi32, #tpu.memory_space<vmem>>) semaphore(%arg12 : memref<!tpu.dma_semaphore, #tpu.memory_space<semaphore_mem>>)
      } else {
      }
      %mul3A_116 = arith.constant 3 : i32
      %mul3A_117 = arith.muli %mul3A_116, %scan3A_93 : i32
      %add3A_118 = arith.constant 1 : i32
      %add3A_119 = arith.addi %mul3A_117, %add3A_118 : i32
      %sub3A_120 = arith.constant 96 : i32
      %sub3A_121 = arith.subi %add3A_119, %sub3A_120 : i32
      %mul3A_122 = arith.constant 80 : i32
      %mul3A_123 = arith.muli %sub3A_121, %mul3A_122 : i32
      %mul3A_124 = arith.constant 80 : i32
      %mul3A_125 = arith.muli %add3A_119, %mul3A_124 : i32
      %dma_wait3A_126 = tpu.memref_slice %arg6[%mul3A_125] : memref<10000xi32, #tpu.memory_space<vmem>> -> memref<80xi32, #tpu.memory_space<vmem>>
      %dma_wait3A_127 = arith.constant 0 : i32
      %dma_wait3A_128 = arith.constant 0 : i32
      %dma_wait3A_129 = tpu.memref_slice %arg4[%dma_wait3A_127, %dma_wait3A_128] : memref<10240x128xf32, #tpu.memory_space<hbm>> -> memref<10240x128xf32, #tpu.memory_space<hbm>>
      tpu.wait_indirect_dma semaphore(%arg13 : memref<!tpu.dma_semaphore, #tpu.memory_space<semaphore_mem>>) src(%dma_wait3A_129 : memref<10240x128xf32, #tpu.memory_space<hbm>>) dst(%arg9 : memref<80x128xf32, #tpu.memory_space<vmem>>)
      %dma_start3A_130 = tpu.memref_slice %arg7[%mul3A_123] : memref<3840xi32, #tpu.memory_space<vmem>> -> memref<80xi32, #tpu.memory_space<vmem>>
      %dma_start3A_131 = arith.constant 0 : i32
      %dma_start3A_132 = arith.constant 0 : i32
      %dma_start3A_133 = tpu.memref_slice %arg11[%dma_start3A_131, %dma_start3A_132] : memref<10240x128xf32, #tpu.memory_space<vmem_shared>> -> memref<10240x128xf32, #tpu.memory_space<vmem_shared>>
      tpu.enqueue_indirect_dma source(%arg9 : memref<80x128xf32, #tpu.memory_space<vmem>>) target(%dma_start3A_133 : memref<10240x128xf32, #tpu.memory_space<vmem_shared>>) offsets(%dma_start3A_130 : memref<80xi32, #tpu.memory_space<vmem>>) semaphore(%arg16 : memref<!tpu.dma_semaphore, #tpu.memory_space<semaphore_mem>>) {add = true}
      %add3A_134 = arith.constant 3 : i32
      %add3A_135 = arith.addi %add3A_119, %add3A_134 : i32
      %lt3A_136 = arith.constant 125 : i32
      %lt3A_137 = arith.cmpi slt, %add3A_135, %lt3A_136 : i32
      %convert_element_type3A_138 = arith.extui %lt3A_137 : i1 to i32
      %cond3A_139 = arith.constant 0 : i32
      %cond3A_140 = arith.cmpi ne, %convert_element_type3A_138, %cond3A_139 : i32
      scf.if %cond3A_140 {
        %dma_wait3A_167 = tpu.memref_slice %arg7[%mul3A_123] : memref<3840xi32, #tpu.memory_space<vmem>> -> memref<80xi32, #tpu.memory_space<vmem>>
        %dma_wait3A_168 = arith.constant 0 : i32
        %dma_wait3A_169 = arith.constant 0 : i32
        %dma_wait3A_170 = tpu.memref_slice %arg11[%dma_wait3A_168, %dma_wait3A_169] : memref<10240x128xf32, #tpu.memory_space<vmem_shared>> -> memref<10240x128xf32, #tpu.memory_space<vmem_shared>>
        tpu.wait_indirect_dma semaphore(%arg16 : memref<!tpu.dma_semaphore, #tpu.memory_space<semaphore_mem>>) src(%arg9 : memref<80x128xf32, #tpu.memory_space<vmem>>) dst(%dma_wait3A_170 : memref<10240x128xf32, #tpu.memory_space<vmem_shared>>)
        %add3A_171 = arith.constant 3 : i32
        %add3A_172 = arith.addi %add3A_119, %add3A_171 : i32
        %mul3A_173 = arith.constant 80 : i32
        %mul3A_174 = arith.muli %add3A_172, %mul3A_173 : i32
        %dma_start3A_175 = tpu.memref_slice %arg6[%mul3A_174] : memref<10000xi32, #tpu.memory_space<vmem>> -> memref<80xi32, #tpu.memory_space<vmem>>
        %dma_start3A_176 = arith.constant 0 : i32
        %dma_start3A_177 = arith.constant 0 : i32
        %dma_start3A_178 = tpu.memref_slice %arg4[%dma_start3A_176, %dma_start3A_177] : memref<10240x128xf32, #tpu.memory_space<hbm>> -> memref<10240x128xf32, #tpu.memory_space<hbm>>
        tpu.enqueue_indirect_dma source(%dma_start3A_178 : memref<10240x128xf32, #tpu.memory_space<hbm>>) target(%arg9 : memref<80x128xf32, #tpu.memory_space<vmem>>) offsets(%dma_start3A_175 : memref<80xi32, #tpu.memory_space<vmem>>) semaphore(%arg13 : memref<!tpu.dma_semaphore, #tpu.memory_space<semaphore_mem>>)
      } else {
      }
      %mul3A_141 = arith.constant 3 : i32
      %mul3A_142 = arith.muli %mul3A_141, %scan3A_93 : i32
      %add3A_143 = arith.constant 2 : i32
      %add3A_144 = arith.addi %mul3A_142, %add3A_143 : i32
      %sub3A_145 = arith.constant 96 : i32
      %sub3A_146 = arith.subi %add3A_144, %sub3A_145 : i32
      %mul3A_147 = arith.constant 80 : i32
      %mul3A_148 = arith.muli %sub3A_146, %mul3A_147 : i32
      %mul3A_149 = arith.constant 80 : i32
      %mul3A_150 = arith.muli %add3A_144, %mul3A_149 : i32
      %dma_wait3A_151 = tpu.memref_slice %arg6[%mul3A_150] : memref<10000xi32, #tpu.memory_space<vmem>> -> memref<80xi32, #tpu.memory_space<vmem>>
      %dma_wait3A_152 = arith.constant 0 : i32
      %dma_wait3A_153 = arith.constant 0 : i32
      %dma_wait3A_154 = tpu.memref_slice %arg4[%dma_wait3A_152, %dma_wait3A_153] : memref<10240x128xf32, #tpu.memory_space<hbm>> -> memref<10240x128xf32, #tpu.memory_space<hbm>>
      tpu.wait_indirect_dma semaphore(%arg14 : memref<!tpu.dma_semaphore, #tpu.memory_space<semaphore_mem>>) src(%dma_wait3A_154 : memref<10240x128xf32, #tpu.memory_space<hbm>>) dst(%arg10 : memref<80x128xf32, #tpu.memory_space<vmem>>)
      %dma_start3A_155 = tpu.memref_slice %arg7[%mul3A_148] : memref<3840xi32, #tpu.memory_space<vmem>> -> memref<80xi32, #tpu.memory_space<vmem>>
      %dma_start3A_156 = arith.constant 0 : i32
      %dma_start3A_157 = arith.constant 0 : i32
      %dma_start3A_158 = tpu.memref_slice %arg11[%dma_start3A_156, %dma_start3A_157] : memref<10240x128xf32, #tpu.memory_space<vmem_shared>> -> memref<10240x128xf32, #tpu.memory_space<vmem_shared>>
      tpu.enqueue_indirect_dma source(%arg10 : memref<80x128xf32, #tpu.memory_space<vmem>>) target(%dma_start3A_158 : memref<10240x128xf32, #tpu.memory_space<vmem_shared>>) offsets(%dma_start3A_155 : memref<80xi32, #tpu.memory_space<vmem>>) semaphore(%arg17 : memref<!tpu.dma_semaphore, #tpu.memory_space<semaphore_mem>>) {add = true}
      %add3A_159 = arith.constant 3 : i32
      %add3A_160 = arith.addi %add3A_144, %add3A_159 : i32
      %lt3A_161 = arith.constant 125 : i32
      %lt3A_162 = arith.cmpi slt, %add3A_160, %lt3A_161 : i32
      %convert_element_type3A_163 = arith.extui %lt3A_162 : i1 to i32
      %cond3A_164 = arith.constant 0 : i32
      %cond3A_165 = arith.cmpi ne, %convert_element_type3A_163, %cond3A_164 : i32
      scf.if %cond3A_165 {
        %dma_wait3A_167 = tpu.memref_slice %arg7[%mul3A_148] : memref<3840xi32, #tpu.memory_space<vmem>> -> memref<80xi32, #tpu.memory_space<vmem>>
        %dma_wait3A_168 = arith.constant 0 : i32
        %dma_wait3A_169 = arith.constant 0 : i32
        %dma_wait3A_170 = tpu.memref_slice %arg11[%dma_wait3A_168, %dma_wait3A_169] : memref<10240x128xf32, #tpu.memory_space<vmem_shared>> -> memref<10240x128xf32, #tpu.memory_space<vmem_shared>>
        tpu.wait_indirect_dma semaphore(%arg17 : memref<!tpu.dma_semaphore, #tpu.memory_space<semaphore_mem>>) src(%arg10 : memref<80x128xf32, #tpu.memory_space<vmem>>) dst(%dma_wait3A_170 : memref<10240x128xf32, #tpu.memory_space<vmem_shared>>)
        %add3A_171 = arith.constant 3 : i32
        %add3A_172 = arith.addi %add3A_144, %add3A_171 : i32
        %mul3A_173 = arith.constant 80 : i32
        %mul3A_174 = arith.muli %add3A_172, %mul3A_173 : i32
        %dma_start3A_175 = tpu.memref_slice %arg6[%mul3A_174] : memref<10000xi32, #tpu.memory_space<vmem>> -> memref<80xi32, #tpu.memory_space<vmem>>
        %dma_start3A_176 = arith.constant 0 : i32
        %dma_start3A_177 = arith.constant 0 : i32
        %dma_start3A_178 = tpu.memref_slice %arg4[%dma_start3A_176, %dma_start3A_177] : memref<10240x128xf32, #tpu.memory_space<hbm>> -> memref<10240x128xf32, #tpu.memory_space<hbm>>
        tpu.enqueue_indirect_dma source(%dma_start3A_178 : memref<10240x128xf32, #tpu.memory_space<hbm>>) target(%arg10 : memref<80x128xf32, #tpu.memory_space<vmem>>) offsets(%dma_start3A_175 : memref<80xi32, #tpu.memory_space<vmem>>) semaphore(%arg14 : memref<!tpu.dma_semaphore, #tpu.memory_space<semaphore_mem>>)
      } else {
      }
      %scan3A_166 = arith.constant 0 : i32
      scf.yield %scan3A_166 : i32
    }
    %scan3A_50 = arith.constant 9 : i32
    %dma_wait3A = arith.constant 9840 : i32
    %dma_wait3A_51 = tpu.memref_slice %arg6[%dma_wait3A] : memref<10000xi32, #tpu.memory_space<vmem>> -> memref<80xi32, #tpu.memory_space<vmem>>
    %dma_wait3A_52 = arith.constant 0 : i32
    %dma_wait3A_53 = arith.constant 0 : i32
    %dma_wait3A_54 = tpu.memref_slice %arg4[%dma_wait3A_52, %dma_wait3A_53] : memref<10240x128xf32, #tpu.memory_space<hbm>> -> memref<10240x128xf32, #tpu.memory_space<hbm>>
    tpu.wait_indirect_dma semaphore(%arg12 : memref<!tpu.dma_semaphore, #tpu.memory_space<semaphore_mem>>) src(%dma_wait3A_54 : memref<10240x128xf32, #tpu.memory_space<hbm>>) dst(%arg8 : memref<80x128xf32, #tpu.memory_space<vmem>>)
    %dma_start3A_55 = arith.constant 2160 : i32
    %dma_start3A_56 = tpu.memref_slice %arg7[%dma_start3A_55] : memref<3840xi32, #tpu.memory_space<vmem>> -> memref<80xi32, #tpu.memory_space<vmem>>
    %dma_start3A_57 = arith.constant 0 : i32
    %dma_start3A_58 = arith.constant 0 : i32
    %dma_start3A_59 = tpu.memref_slice %arg11[%dma_start3A_57, %dma_start3A_58] : memref<10240x128xf32, #tpu.memory_space<vmem_shared>> -> memref<10240x128xf32, #tpu.memory_space<vmem_shared>>
    tpu.enqueue_indirect_dma source(%arg8 : memref<80x128xf32, #tpu.memory_space<vmem>>) target(%dma_start3A_59 : memref<10240x128xf32, #tpu.memory_space<vmem_shared>>) offsets(%dma_start3A_56 : memref<80xi32, #tpu.memory_space<vmem>>) semaphore(%arg15 : memref<!tpu.dma_semaphore, #tpu.memory_space<semaphore_mem>>) {add = true}
    %dma_wait3A_60 = arith.constant 9920 : i32
    %dma_wait3A_61 = tpu.memref_slice %arg6[%dma_wait3A_60] : memref<10000xi32, #tpu.memory_space<vmem>> -> memref<80xi32, #tpu.memory_space<vmem>>
    %dma_wait3A_62 = arith.constant 0 : i32
    %dma_wait3A_63 = arith.constant 0 : i32
    %dma_wait3A_64 = tpu.memref_slice %arg4[%dma_wait3A_62, %dma_wait3A_63] : memref<10240x128xf32, #tpu.memory_space<hbm>> -> memref<10240x128xf32, #tpu.memory_space<hbm>>
    tpu.wait_indirect_dma semaphore(%arg13 : memref<!tpu.dma_semaphore, #tpu.memory_space<semaphore_mem>>) src(%dma_wait3A_64 : memref<10240x128xf32, #tpu.memory_space<hbm>>) dst(%arg9 : memref<80x128xf32, #tpu.memory_space<vmem>>)
    %dma_start3A_65 = arith.constant 2240 : i32
    %dma_start3A_66 = tpu.memref_slice %arg7[%dma_start3A_65] : memref<3840xi32, #tpu.memory_space<vmem>> -> memref<80xi32, #tpu.memory_space<vmem>>
    %dma_start3A_67 = arith.constant 0 : i32
    %dma_start3A_68 = arith.constant 0 : i32
    %dma_start3A_69 = tpu.memref_slice %arg11[%dma_start3A_67, %dma_start3A_68] : memref<10240x128xf32, #tpu.memory_space<vmem_shared>> -> memref<10240x128xf32, #tpu.memory_space<vmem_shared>>
    tpu.enqueue_indirect_dma source(%arg9 : memref<80x128xf32, #tpu.memory_space<vmem>>) target(%dma_start3A_69 : memref<10240x128xf32, #tpu.memory_space<vmem_shared>>) offsets(%dma_start3A_66 : memref<80xi32, #tpu.memory_space<vmem>>) semaphore(%arg16 : memref<!tpu.dma_semaphore, #tpu.memory_space<semaphore_mem>>) {add = true}
    %dma_wait3A_70 = arith.constant 2080 : i32
    %dma_wait3A_71 = tpu.memref_slice %arg7[%dma_wait3A_70] : memref<3840xi32, #tpu.memory_space<vmem>> -> memref<80xi32, #tpu.memory_space<vmem>>
    %dma_wait3A_72 = arith.constant 0 : i32
    %dma_wait3A_73 = arith.constant 0 : i32
    %dma_wait3A_74 = tpu.memref_slice %arg11[%dma_wait3A_72, %dma_wait3A_73] : memref<10240x128xf32, #tpu.memory_space<vmem_shared>> -> memref<10240x128xf32, #tpu.memory_space<vmem_shared>>
    tpu.wait_indirect_dma semaphore(%arg17 : memref<!tpu.dma_semaphore, #tpu.memory_space<semaphore_mem>>) src(%arg10 : memref<80x128xf32, #tpu.memory_space<vmem>>) dst(%dma_wait3A_74 : memref<10240x128xf32, #tpu.memory_space<vmem_shared>>)
    %dma_wait3A_75 = arith.constant 2160 : i32
    %dma_wait3A_76 = tpu.memref_slice %arg7[%dma_wait3A_75] : memref<3840xi32, #tpu.memory_space<vmem>> -> memref<80xi32, #tpu.memory_space<vmem>>
    %dma_wait3A_77 = arith.constant 0 : i32
    %dma_wait3A_78 = arith.constant 0 : i32
    %dma_wait3A_79 = tpu.memref_slice %arg11[%dma_wait3A_77, %dma_wait3A_78] : memref<10240x128xf32, #tpu.memory_space<vmem_shared>> -> memref<10240x128xf32, #tpu.memory_space<vmem_shared>>
    tpu.wait_indirect_dma semaphore(%arg15 : memref<!tpu.dma_semaphore, #tpu.memory_space<semaphore_mem>>) src(%arg8 : memref<80x128xf32, #tpu.memory_space<vmem>>) dst(%dma_wait3A_79 : memref<10240x128xf32, #tpu.memory_space<vmem_shared>>)
    %dma_wait3A_80 = arith.constant 2240 : i32
    %dma_wait3A_81 = tpu.memref_slice %arg7[%dma_wait3A_80] : memref<3840xi32, #tpu.memory_space<vmem>> -> memref<80xi32, #tpu.memory_space<vmem>>
    %dma_wait3A_82 = arith.constant 0 : i32
    %dma_wait3A_83 = arith.constant 0 : i32
    %dma_wait3A_84 = tpu.memref_slice %arg11[%dma_wait3A_82, %dma_wait3A_83] : memref<10240x128xf32, #tpu.memory_space<vmem_shared>> -> memref<10240x128xf32, #tpu.memory_space<vmem_shared>>
    tpu.wait_indirect_dma semaphore(%arg16 : memref<!tpu.dma_semaphore, #tpu.memory_space<semaphore_mem>>) src(%arg9 : memref<80x128xf32, #tpu.memory_space<vmem>>) dst(%dma_wait3A_84 : memref<10240x128xf32, #tpu.memory_space<vmem_shared>>)
    %barrier3A_85 = arith.constant 0 : index
    tpu.barrier barrier_id(%barrier3A_85)
    %scan3A_86 = arith.constant 0 : i32
    %scan3A_87 = arith.constant 0 : i32
    %scan3A_88 = arith.constant 5 : i32
    %scan3A_89 = arith.addi %scan3A_87, %scan3A_88 : i32
    %scan3A_90 = arith.constant 1 : i32
    %scan3A_91 = scf.for %scan3A_93 = %scan3A_87 to %scan3A_89 step %scan3A_90 iter_args(%scan3A_94 = %scan3A_86) -> (i32)  : i32 {
      %mul3A_95 = arith.constant 128 : i32
      %mul3A_96 = arith.muli %scan3A_93, %mul3A_95 : i32
      %add3A_97 = arith.addi %mul3A_2, %mul3A_96 : i32
      "tpu.region"() ({
        %run_scoped3A_99 = tpu.sem_alloc : memref<!tpu.dma_semaphore, #tpu.memory_space<semaphore_mem>>
        %dma_start3A_100 = arith.constant 0 : i32
        %dma_start3A_101 = tpu.memref_slice %arg5[%arg0, %add3A_97, %dma_start3A_100] : memref<2x10240x128xf32, #tpu.memory_space<hbm>> -> memref<1x128x128xf32, #tpu.memory_space<hbm>>
        %dma_start3A_102 = tpu.memref_squeeze %dma_start3A_101 : memref<1x128x128xf32, #tpu.memory_space<hbm>> -> memref<128x128xf32, #tpu.memory_space<hbm>>
        %dma_start3A_103 = arith.constant 0 : i32
        %dma_start3A_104 = tpu.memref_slice %arg11[%add3A_97, %dma_start3A_103] : memref<10240x128xf32, #tpu.memory_space<vmem_shared>> -> memref<128x128xf32, #tpu.memory_space<vmem_shared>>
        tpu.enqueue_dma source(%dma_start3A_104 : memref<128x128xf32, #tpu.memory_space<vmem_shared>>) target(%dma_start3A_102 : memref<128x128xf32, #tpu.memory_space<hbm>>) target_semaphore(%run_scoped3A_99 : memref<!tpu.dma_semaphore, #tpu.memory_space<semaphore_mem>>)
        %dma_wait3A_105 = arith.constant 0 : i32
        %dma_wait3A_106 = tpu.memref_slice %arg5[%arg0, %add3A_97, %dma_wait3A_105] : memref<2x10240x128xf32, #tpu.memory_space<hbm>> -> memref<1x128x128xf32, #tpu.memory_space<hbm>>
        %dma_wait3A_107 = tpu.memref_squeeze %dma_wait3A_106 : memref<1x128x128xf32, #tpu.memory_space<hbm>> -> memref<128x128xf32, #tpu.memory_space<hbm>>
        %dma_wait3A_108 = arith.constant 0 : i32
        %dma_wait3A_109 = tpu.memref_slice %arg11[%add3A_97, %dma_wait3A_108] : memref<10240x128xf32, #tpu.memory_space<vmem_shared>> -> memref<128x128xf32, #tpu.memory_space<vmem_shared>>
        tpu.wait_dma2 semaphore(%run_scoped3A_99 : memref<!tpu.dma_semaphore, #tpu.memory_space<semaphore_mem>>) src(%dma_wait3A_109 : memref<128x128xf32, #tpu.memory_space<vmem_shared>>) dst(%dma_wait3A_107 : memref<128x128xf32, #tpu.memory_space<hbm>>)
        tpu.yield
      }) : () -> ()
      %scan3A_98 = arith.constant 0 : i32
      scf.yield %scan3A_98 : i32
    }
    %scan3A_92 = arith.constant 5 : i32
    return
  }
}

#map = affine_map<(d0, d1) -> (0, 0, 0)>
#map1 = affine_map<(d0, d1) -> (0, 0)>
module attributes {stable_mosaic.version = 14 : i64} {
  func.func @_agg_kernel(%arg0: i32, %arg1: i32, %arg2: memref<2x32x10000xi32, #tpu.memory_space<hbm>>, %arg3: memref<32x11520xi32, #tpu.memory_space<hbm>>, %arg4: memref<10240x128xf32, #tpu.memory_space<hbm>>, %arg5: memref<2x10240x128xf32, #tpu.memory_space<hbm>>, %arg6: memref<10000xi32, #tpu.memory_space<vmem>>, %arg7: memref<3840xi32, #tpu.memory_space<vmem>>, %arg8: memref<80x128xf32, #tpu.memory_space<vmem>>, %arg9: memref<80x128xf32, #tpu.memory_space<vmem>>, %arg10: memref<80x128xf32, #tpu.memory_space<vmem>>, %arg11: memref<10240x128xf32, #tpu.memory_space<vmem_shared>>, %arg12: memref<!tpu.dma_semaphore, #tpu.memory_space<semaphore_mem>>, %arg13: memref<!tpu.dma_semaphore, #tpu.memory_space<semaphore_mem>>, %arg14: memref<!tpu.dma_semaphore, #tpu.memory_space<semaphore_mem>>, %arg15: memref<!tpu.dma_semaphore, #tpu.memory_space<semaphore_mem>>, %arg16: memref<!tpu.dma_semaphore, #tpu.memory_space<semaphore_mem>>, %arg17: memref<!tpu.dma_semaphore, #tpu.memory_space<semaphore_mem>>) attributes {dimension_semantics = [#tpu.dimension_semantics<core_parallel>, #tpu.dimension_semantics<subcore_parallel>], iteration_bounds = array<i64: 2, 16>, scalar_prefetch = 0 : i64, scratch_operands = 12 : i64, tpu.core_type = #tpu.core_type<sc_vector_subcore>, window_params = [{transform_indices = #map}, {transform_indices = #map1}, {transform_indices = #map1}, {transform_indices = #map}]} {
    %mul3A = arith.constant 16 : i32
    %mul3A_0 = arith.muli %arg0, %mul3A : i32
    %add3A = arith.addi %mul3A_0, %arg1 : i32
    %mul3A_1 = arith.constant 640 : i32
    %mul3A_2 = arith.muli %arg1, %mul3A_1 : i32
    %scan3A = arith.constant 0 : i32
    %scan3A_3 = arith.constant 0 : i32
    %scan3A_4 = arith.constant 80 : i32
    %scan3A_5 = arith.addi %scan3A_3, %scan3A_4 : i32
    %scan3A_6 = arith.constant 1 : i32
    %scan3A_7 = scf.for %scan3A_93 = %scan3A_3 to %scan3A_5 step %scan3A_6 iter_args(%scan3A_94 = %scan3A) -> (i32)  : i32 {
      %scan3A_95 = arith.constant 0 : i32
      %scan3A_96 = arith.constant 0 : i32
      %scan3A_97 = arith.constant 8 : i32
      %scan3A_98 = arith.addi %scan3A_96, %scan3A_97 : i32
      %scan3A_99 = arith.constant 1 : i32
      %scan3A_100 = scf.for %scan3A_102 = %scan3A_96 to %scan3A_98 step %scan3A_99 iter_args(%scan3A_103 = %scan3A_95) -> (i32)  : i32 {
        %broadcast_in_dim3A = arith.constant 0.000000e+00 : f32
        %broadcast_in_dim3A_104 = vector.broadcast %broadcast_in_dim3A : f32 to vector<16xf32>
        %mul3A_105 = arith.constant 16 : i32
        %mul3A_106 = arith.muli %scan3A_102, %mul3A_105 : i32
        %swap3A = arith.index_cast %scan3A_93 : i32 to index
        %swap3A_107 = arith.index_cast %mul3A_106 : i32 to index
        %swap3A_108 = tpu.vector_load %arg8[%swap3A, %swap3A_107] {strides = array<i32>} : memref<80x128xf32, #tpu.memory_space<vmem>>, vector<1x16xf32>,
        %swap3A_109 = vector.shape_cast %swap3A_108 : vector<1x16xf32> to vector<16xf32>
        %swap3A_110 = vector.shape_cast %broadcast_in_dim3A_104 : vector<16xf32> to vector<1x16xf32>
        tpu.vector_store %arg8[%swap3A, %swap3A_107], %swap3A_110 {strides = array<i32>} : memref<80x128xf32, #tpu.memory_space<vmem>>, vector<1x16xf32>,
        %scan3A_111 = arith.constant 0 : i32
        scf.yield %scan3A_111 : i32
      }
      %scan3A_101 = arith.constant 8 : i32
      scf.yield %scan3A_100 : i32
    }
    %scan3A_8 = arith.constant 80 : i32
    %scan3A_9 = arith.constant 0 : i32
    %scan3A_10 = arith.constant 0 : i32
    %scan3A_11 = arith.constant 8 : i32
    %scan3A_12 = arith.addi %scan3A_10, %scan3A_11 : i32
    %scan3A_13 = arith.constant 1 : i32
    %scan3A_14 = scf.for %scan3A_93 = %scan3A_10 to %scan3A_12 step %scan3A_13 iter_args(%scan3A_94 = %scan3A_9) -> (i32)  : i32 {
      %mul3A_95 = arith.constant 80 : i32
      %mul3A_96 = arith.muli %scan3A_93, %mul3A_95 : i32
      %add3A_97 = arith.addi %mul3A_2, %mul3A_96 : i32
      "tpu.region"() ({
        %run_scoped3A_99 = tpu.sem_alloc : memref<!tpu.dma_semaphore, #tpu.memory_space<semaphore_mem>>
        %dma_start3A_100 = arith.constant 0 : i32
        %dma_start3A_101 = tpu.memref_slice %arg11[%add3A_97, %dma_start3A_100] : memref<10240x128xf32, #tpu.memory_space<vmem_shared>> -> memref<80x128xf32, #tpu.memory_space<vmem_shared>>
        %dma_start3A_102 = arith.constant 0 : i32
        %dma_start3A_103 = tpu.memref_slice %arg11[%add3A_97, %dma_start3A_102] : memref<10240x128xf32, #tpu.memory_space<vmem_shared>> -> memref<80x128xf32, #tpu.memory_space<vmem_shared>>
        tpu.enqueue_dma source(%arg8 : memref<80x128xf32, #tpu.memory_space<vmem>>) target(%dma_start3A_103 : memref<80x128xf32, #tpu.memory_space<vmem_shared>>) target_semaphore(%run_scoped3A_99 : memref<!tpu.dma_semaphore, #tpu.memory_space<semaphore_mem>>)
        %dma_wait3A_104 = arith.constant 0 : i32
        %dma_wait3A_105 = tpu.memref_slice %arg11[%add3A_97, %dma_wait3A_104] : memref<10240x128xf32, #tpu.memory_space<vmem_shared>> -> memref<80x128xf32, #tpu.memory_space<vmem_shared>>
        %dma_wait3A_106 = arith.constant 0 : i32
        %dma_wait3A_107 = tpu.memref_slice %arg11[%add3A_97, %dma_wait3A_106] : memref<10240x128xf32, #tpu.memory_space<vmem_shared>> -> memref<80x128xf32, #tpu.memory_space<vmem_shared>>
        tpu.wait_dma2 semaphore(%run_scoped3A_99 : memref<!tpu.dma_semaphore, #tpu.memory_space<semaphore_mem>>) src(%arg8 : memref<80x128xf32, #tpu.memory_space<vmem>>) dst(%dma_wait3A_107 : memref<80x128xf32, #tpu.memory_space<vmem_shared>>)
        tpu.yield
      }) : () -> ()
      %scan3A_98 = arith.constant 0 : i32
      scf.yield %scan3A_98 : i32
    }
    %scan3A_15 = arith.constant 8 : i32
    %barrier3A = arith.constant 0 : index
    tpu.barrier barrier_id(%barrier3A)
    %run_scoped3A = arith.constant 0 : i32
    "tpu.region"() ({
      %run_scoped3A_93 = tpu.sem_alloc : memref<!tpu.dma_semaphore, #tpu.memory_space<semaphore_mem>>
      %dma_start3A_94 = arith.constant 0 : i32
      %dma_start3A_95 = tpu.memref_slice %arg2[%run_scoped3A, %add3A, %dma_start3A_94] : memref<2x32x10000xi32, #tpu.memory_space<hbm>> -> memref<1x1x10000xi32, #tpu.memory_space<hbm>>
      %dma_start3A_96 = tpu.memref_squeeze %dma_start3A_95 : memref<1x1x10000xi32, #tpu.memory_space<hbm>> -> memref<10000xi32, #tpu.memory_space<hbm>>
      %dma_start3A_97 = arith.constant 0 : i32
      %dma_start3A_98 = tpu.memref_slice %arg2[%run_scoped3A, %add3A, %dma_start3A_97] : memref<2x32x10000xi32, #tpu.memory_space<hbm>> -> memref<1x1x10000xi32, #tpu.memory_space<hbm>>
      %dma_start3A_99 = tpu.memref_squeeze %dma_start3A_98 : memref<1x1x10000xi32, #tpu.memory_space<hbm>> -> memref<10000xi32, #tpu.memory_space<hbm>>
      tpu.enqueue_dma source(%dma_start3A_99 : memref<10000xi32, #tpu.memory_space<hbm>>) target(%arg6 : memref<10000xi32, #tpu.memory_space<vmem>>) target_semaphore(%run_scoped3A_93 : memref<!tpu.dma_semaphore, #tpu.memory_space<semaphore_mem>>)
      %dma_wait3A_100 = arith.constant 0 : i32
      %dma_wait3A_101 = tpu.memref_slice %arg2[%run_scoped3A, %add3A, %dma_wait3A_100] : memref<2x32x10000xi32, #tpu.memory_space<hbm>> -> memref<1x1x10000xi32, #tpu.memory_space<hbm>>
      %dma_wait3A_102 = tpu.memref_squeeze %dma_wait3A_101 : memref<1x1x10000xi32, #tpu.memory_space<hbm>> -> memref<10000xi32, #tpu.memory_space<hbm>>
      %dma_wait3A_103 = arith.constant 0 : i32
      %dma_wait3A_104 = tpu.memref_slice %arg2[%run_scoped3A, %add3A, %dma_wait3A_103] : memref<2x32x10000xi32, #tpu.memory_space<hbm>> -> memref<1x1x10000xi32, #tpu.memory_space<hbm>>
      %dma_wait3A_105 = tpu.memref_squeeze %dma_wait3A_104 : memref<1x1x10000xi32, #tpu.memory_space<hbm>> -> memref<10000xi32, #tpu.memory_space<hbm>>
      tpu.wait_dma2 semaphore(%run_scoped3A_93 : memref<!tpu.dma_semaphore, #tpu.memory_space<semaphore_mem>>) src(%dma_wait3A_105 : memref<10000xi32, #tpu.memory_space<hbm>>) dst(%arg6 : memref<10000xi32, #tpu.memory_space<vmem>>)
      tpu.yield
    }) : () -> ()
    %dma_start3A = arith.constant 0 : i32
    %dma_start3A_16 = tpu.memref_slice %arg6[%dma_start3A] : memref<10000xi32, #tpu.memory_space<vmem>> -> memref<80xi32, #tpu.memory_space<vmem>>
    %dma_start3A_17 = arith.constant 0 : i32
    %dma_start3A_18 = arith.constant 0 : i32
    %dma_start3A_19 = tpu.memref_slice %arg4[%dma_start3A_17, %dma_start3A_18] : memref<10240x128xf32, #tpu.memory_space<hbm>> -> memref<10240x128xf32, #tpu.memory_space<hbm>>
    tpu.enqueue_indirect_dma source(%dma_start3A_19 : memref<10240x128xf32, #tpu.memory_space<hbm>>) target(%arg8 : memref<80x128xf32, #tpu.memory_space<vmem>>) offsets(%dma_start3A_16 : memref<80xi32, #tpu.memory_space<vmem>>) semaphore(%arg12 : memref<!tpu.dma_semaphore, #tpu.memory_space<semaphore_mem>>)
    %dma_start3A_20 = arith.constant 80 : i32
    %dma_start3A_21 = tpu.memref_slice %arg6[%dma_start3A_20] : memref<10000xi32, #tpu.memory_space<vmem>> -> memref<80xi32, #tpu.memory_space<vmem>>
    %dma_start3A_22 = arith.constant 0 : i32
    %dma_start3A_23 = arith.constant 0 : i32
    %dma_start3A_24 = tpu.memref_slice %arg4[%dma_start3A_22, %dma_start3A_23] : memref<10240x128xf32, #tpu.memory_space<hbm>> -> memref<10240x128xf32, #tpu.memory_space<hbm>>
    tpu.enqueue_indirect_dma source(%dma_start3A_24 : memref<10240x128xf32, #tpu.memory_space<hbm>>) target(%arg9 : memref<80x128xf32, #tpu.memory_space<vmem>>) offsets(%dma_start3A_21 : memref<80xi32, #tpu.memory_space<vmem>>) semaphore(%arg13 : memref<!tpu.dma_semaphore, #tpu.memory_space<semaphore_mem>>)
    %dma_start3A_25 = arith.constant 160 : i32
    %dma_start3A_26 = tpu.memref_slice %arg6[%dma_start3A_25] : memref<10000xi32, #tpu.memory_space<vmem>> -> memref<80xi32, #tpu.memory_space<vmem>>
    %dma_start3A_27 = arith.constant 0 : i32
    %dma_start3A_28 = arith.constant 0 : i32
    %dma_start3A_29 = tpu.memref_slice %arg4[%dma_start3A_27, %dma_start3A_28] : memref<10240x128xf32, #tpu.memory_space<hbm>> -> memref<10240x128xf32, #tpu.memory_space<hbm>>
    tpu.enqueue_indirect_dma source(%dma_start3A_29 : memref<10240x128xf32, #tpu.memory_space<hbm>>) target(%arg10 : memref<80x128xf32, #tpu.memory_space<vmem>>) offsets(%dma_start3A_26 : memref<80xi32, #tpu.memory_space<vmem>>) semaphore(%arg14 : memref<!tpu.dma_semaphore, #tpu.memory_space<semaphore_mem>>)
    "tpu.region"() ({
      %run_scoped3A_93 = tpu.sem_alloc : memref<!tpu.dma_semaphore, #tpu.memory_space<semaphore_mem>>
      %dma_start3A_94 = arith.constant 0 : i32
      %dma_start3A_95 = tpu.memref_slice %arg3[%add3A, %dma_start3A_94] : memref<32x11520xi32, #tpu.memory_space<hbm>> -> memref<1x3840xi32, #tpu.memory_space<hbm>>
      %dma_start3A_96 = tpu.memref_squeeze %dma_start3A_95 : memref<1x3840xi32, #tpu.memory_space<hbm>> -> memref<3840xi32, #tpu.memory_space<hbm>>
      %dma_start3A_97 = arith.constant 0 : i32
      %dma_start3A_98 = tpu.memref_slice %arg3[%add3A, %dma_start3A_97] : memref<32x11520xi32, #tpu.memory_space<hbm>> -> memref<1x3840xi32, #tpu.memory_space<hbm>>
      %dma_start3A_99 = tpu.memref_squeeze %dma_start3A_98 : memref<1x3840xi32, #tpu.memory_space<hbm>> -> memref<3840xi32, #tpu.memory_space<hbm>>
      tpu.enqueue_dma source(%dma_start3A_99 : memref<3840xi32, #tpu.memory_space<hbm>>) target(%arg7 : memref<3840xi32, #tpu.memory_space<vmem>>) target_semaphore(%run_scoped3A_93 : memref<!tpu.dma_semaphore, #tpu.memory_space<semaphore_mem>>)
      %dma_wait3A_100 = arith.constant 0 : i32
      %dma_wait3A_101 = tpu.memref_slice %arg3[%add3A, %dma_wait3A_100] : memref<32x11520xi32, #tpu.memory_space<hbm>> -> memref<1x3840xi32, #tpu.memory_space<hbm>>
      %dma_wait3A_102 = tpu.memref_squeeze %dma_wait3A_101 : memref<1x3840xi32, #tpu.memory_space<hbm>> -> memref<3840xi32, #tpu.memory_space<hbm>>
      %dma_wait3A_103 = arith.constant 0 : i32
      %dma_wait3A_104 = tpu.memref_slice %arg3[%add3A, %dma_wait3A_103] : memref<32x11520xi32, #tpu.memory_space<hbm>> -> memref<1x3840xi32, #tpu.memory_space<hbm>>
      %dma_wait3A_105 = tpu.memref_squeeze %dma_wait3A_104 : memref<1x3840xi32, #tpu.memory_space<hbm>> -> memref<3840xi32, #tpu.memory_space<hbm>>
      tpu.wait_dma2 semaphore(%run_scoped3A_93 : memref<!tpu.dma_semaphore, #tpu.memory_space<semaphore_mem>>) src(%dma_wait3A_105 : memref<3840xi32, #tpu.memory_space<hbm>>) dst(%arg7 : memref<3840xi32, #tpu.memory_space<vmem>>)
      tpu.yield
    }) : () -> ()
    %scan3A_30 = arith.constant 0 : i32
    %scan3A_31 = arith.constant 0 : i32
    %scan3A_32 = arith.constant 16 : i32
    %scan3A_33 = arith.addi %scan3A_31, %scan3A_32 : i32
    %scan3A_34 = arith.constant 1 : i32
    %scan3A_35 = scf.for %scan3A_93 = %scan3A_31 to %scan3A_33 step %scan3A_34 iter_args(%scan3A_94 = %scan3A_30) -> (i32)  : i32 {
      %mul3A_95 = arith.constant 3 : i32
      %mul3A_96 = arith.muli %mul3A_95, %scan3A_93 : i32
      %add3A_97 = arith.constant 0 : i32
      %add3A_98 = arith.addi %mul3A_96, %add3A_97 : i32
      %sub3A = arith.constant 0 : i32
      %sub3A_99 = arith.subi %add3A_98, %sub3A : i32
      %mul3A_100 = arith.constant 80 : i32
      %mul3A_101 = arith.muli %sub3A_99, %mul3A_100 : i32
      %mul3A_102 = arith.constant 80 : i32
      %mul3A_103 = arith.muli %add3A_98, %mul3A_102 : i32
      %dma_wait3A_104 = tpu.memref_slice %arg6[%mul3A_103] : memref<10000xi32, #tpu.memory_space<vmem>> -> memref<80xi32, #tpu.memory_space<vmem>>
      %dma_wait3A_105 = arith.constant 0 : i32
      %dma_wait3A_106 = arith.constant 0 : i32
      %dma_wait3A_107 = tpu.memref_slice %arg4[%dma_wait3A_105, %dma_wait3A_106] : memref<10240x128xf32, #tpu.memory_space<hbm>> -> memref<10240x128xf32, #tpu.memory_space<hbm>>
      tpu.wait_indirect_dma semaphore(%arg12 : memref<!tpu.dma_semaphore, #tpu.memory_space<semaphore_mem>>) src(%dma_wait3A_107 : memref<10240x128xf32, #tpu.memory_space<hbm>>) dst(%arg8 : memref<80x128xf32, #tpu.memory_space<vmem>>)
      %dma_start3A_108 = tpu.memref_slice %arg7[%mul3A_101] : memref<3840xi32, #tpu.memory_space<vmem>> -> memref<80xi32, #tpu.memory_space<vmem>>
      %dma_start3A_109 = arith.constant 0 : i32
      %dma_start3A_110 = arith.constant 0 : i32
      %dma_start3A_111 = tpu.memref_slice %arg11[%dma_start3A_109, %dma_start3A_110] : memref<10240x128xf32, #tpu.memory_space<vmem_shared>> -> memref<10240x128xf32, #tpu.memory_space<vmem_shared>>
      tpu.enqueue_indirect_dma source(%arg8 : memref<80x128xf32, #tpu.memory_space<vmem>>) target(%dma_start3A_111 : memref<10240x128xf32, #tpu.memory_space<vmem_shared>>) offsets(%dma_start3A_108 : memref<80xi32, #tpu.memory_space<vmem>>) semaphore(%arg15 : memref<!tpu.dma_semaphore, #tpu.memory_space<semaphore_mem>>) {add = true}
      %add3A_112 = arith.constant 3 : i32
      %add3A_113 = arith.addi %add3A_98, %add3A_112 : i32
      %lt3A = arith.constant 125 : i32
      %lt3A_114 = arith.cmpi slt, %add3A_113, %lt3A : i32
      %convert_element_type3A = arith.extui %lt3A_114 : i1 to i32
      %cond3A = arith.constant 0 : i32
      %cond3A_115 = arith.cmpi ne, %convert_element_type3A, %cond3A : i32
      scf.if %cond3A_115 {
        %dma_wait3A_167 = tpu.memref_slice %arg7[%mul3A_101] : memref<3840xi32, #tpu.memory_space<vmem>> -> memref<80xi32, #tpu.memory_space<vmem>>
        %dma_wait3A_168 = arith.constant 0 : i32
        %dma_wait3A_169 = arith.constant 0 : i32
        %dma_wait3A_170 = tpu.memref_slice %arg11[%dma_wait3A_168, %dma_wait3A_169] : memref<10240x128xf32, #tpu.memory_space<vmem_shared>> -> memref<10240x128xf32, #tpu.memory_space<vmem_shared>>
        tpu.wait_indirect_dma semaphore(%arg15 : memref<!tpu.dma_semaphore, #tpu.memory_space<semaphore_mem>>) src(%arg8 : memref<80x128xf32, #tpu.memory_space<vmem>>) dst(%dma_wait3A_170 : memref<10240x128xf32, #tpu.memory_space<vmem_shared>>)
        %add3A_171 = arith.constant 3 : i32
        %add3A_172 = arith.addi %add3A_98, %add3A_171 : i32
        %mul3A_173 = arith.constant 80 : i32
        %mul3A_174 = arith.muli %add3A_172, %mul3A_173 : i32
        %dma_start3A_175 = tpu.memref_slice %arg6[%mul3A_174] : memref<10000xi32, #tpu.memory_space<vmem>> -> memref<80xi32, #tpu.memory_space<vmem>>
        %dma_start3A_176 = arith.constant 0 : i32
        %dma_start3A_177 = arith.constant 0 : i32
        %dma_start3A_178 = tpu.memref_slice %arg4[%dma_start3A_176, %dma_start3A_177] : memref<10240x128xf32, #tpu.memory_space<hbm>> -> memref<10240x128xf32, #tpu.memory_space<hbm>>
        tpu.enqueue_indirect_dma source(%dma_start3A_178 : memref<10240x128xf32, #tpu.memory_space<hbm>>) target(%arg8 : memref<80x128xf32, #tpu.memory_space<vmem>>) offsets(%dma_start3A_175 : memref<80xi32, #tpu.memory_space<vmem>>) semaphore(%arg12 : memref<!tpu.dma_semaphore, #tpu.memory_space<semaphore_mem>>)
      } else {
      }
      %mul3A_116 = arith.constant 3 : i32
      %mul3A_117 = arith.muli %mul3A_116, %scan3A_93 : i32
      %add3A_118 = arith.constant 1 : i32
      %add3A_119 = arith.addi %mul3A_117, %add3A_118 : i32
      %sub3A_120 = arith.constant 0 : i32
      %sub3A_121 = arith.subi %add3A_119, %sub3A_120 : i32
      %mul3A_122 = arith.constant 80 : i32
      %mul3A_123 = arith.muli %sub3A_121, %mul3A_122 : i32
      %mul3A_124 = arith.constant 80 : i32
      %mul3A_125 = arith.muli %add3A_119, %mul3A_124 : i32
      %dma_wait3A_126 = tpu.memref_slice %arg6[%mul3A_125] : memref<10000xi32, #tpu.memory_space<vmem>> -> memref<80xi32, #tpu.memory_space<vmem>>
      %dma_wait3A_127 = arith.constant 0 : i32
      %dma_wait3A_128 = arith.constant 0 : i32
      %dma_wait3A_129 = tpu.memref_slice %arg4[%dma_wait3A_127, %dma_wait3A_128] : memref<10240x128xf32, #tpu.memory_space<hbm>> -> memref<10240x128xf32, #tpu.memory_space<hbm>>
      tpu.wait_indirect_dma semaphore(%arg13 : memref<!tpu.dma_semaphore, #tpu.memory_space<semaphore_mem>>) src(%dma_wait3A_129 : memref<10240x128xf32, #tpu.memory_space<hbm>>) dst(%arg9 : memref<80x128xf32, #tpu.memory_space<vmem>>)
      %dma_start3A_130 = tpu.memref_slice %arg7[%mul3A_123] : memref<3840xi32, #tpu.memory_space<vmem>> -> memref<80xi32, #tpu.memory_space<vmem>>
      %dma_start3A_131 = arith.constant 0 : i32
      %dma_start3A_132 = arith.constant 0 : i32
      %dma_start3A_133 = tpu.memref_slice %arg11[%dma_start3A_131, %dma_start3A_132] : memref<10240x128xf32, #tpu.memory_space<vmem_shared>> -> memref<10240x128xf32, #tpu.memory_space<vmem_shared>>
      tpu.enqueue_indirect_dma source(%arg9 : memref<80x128xf32, #tpu.memory_space<vmem>>) target(%dma_start3A_133 : memref<10240x128xf32, #tpu.memory_space<vmem_shared>>) offsets(%dma_start3A_130 : memref<80xi32, #tpu.memory_space<vmem>>) semaphore(%arg16 : memref<!tpu.dma_semaphore, #tpu.memory_space<semaphore_mem>>) {add = true}
      %add3A_134 = arith.constant 3 : i32
      %add3A_135 = arith.addi %add3A_119, %add3A_134 : i32
      %lt3A_136 = arith.constant 125 : i32
      %lt3A_137 = arith.cmpi slt, %add3A_135, %lt3A_136 : i32
      %convert_element_type3A_138 = arith.extui %lt3A_137 : i1 to i32
      %cond3A_139 = arith.constant 0 : i32
      %cond3A_140 = arith.cmpi ne, %convert_element_type3A_138, %cond3A_139 : i32
      scf.if %cond3A_140 {
        %dma_wait3A_167 = tpu.memref_slice %arg7[%mul3A_123] : memref<3840xi32, #tpu.memory_space<vmem>> -> memref<80xi32, #tpu.memory_space<vmem>>
        %dma_wait3A_168 = arith.constant 0 : i32
        %dma_wait3A_169 = arith.constant 0 : i32
        %dma_wait3A_170 = tpu.memref_slice %arg11[%dma_wait3A_168, %dma_wait3A_169] : memref<10240x128xf32, #tpu.memory_space<vmem_shared>> -> memref<10240x128xf32, #tpu.memory_space<vmem_shared>>
        tpu.wait_indirect_dma semaphore(%arg16 : memref<!tpu.dma_semaphore, #tpu.memory_space<semaphore_mem>>) src(%arg9 : memref<80x128xf32, #tpu.memory_space<vmem>>) dst(%dma_wait3A_170 : memref<10240x128xf32, #tpu.memory_space<vmem_shared>>)
        %add3A_171 = arith.constant 3 : i32
        %add3A_172 = arith.addi %add3A_119, %add3A_171 : i32
        %mul3A_173 = arith.constant 80 : i32
        %mul3A_174 = arith.muli %add3A_172, %mul3A_173 : i32
        %dma_start3A_175 = tpu.memref_slice %arg6[%mul3A_174] : memref<10000xi32, #tpu.memory_space<vmem>> -> memref<80xi32, #tpu.memory_space<vmem>>
        %dma_start3A_176 = arith.constant 0 : i32
        %dma_start3A_177 = arith.constant 0 : i32
        %dma_start3A_178 = tpu.memref_slice %arg4[%dma_start3A_176, %dma_start3A_177] : memref<10240x128xf32, #tpu.memory_space<hbm>> -> memref<10240x128xf32, #tpu.memory_space<hbm>>
        tpu.enqueue_indirect_dma source(%dma_start3A_178 : memref<10240x128xf32, #tpu.memory_space<hbm>>) target(%arg9 : memref<80x128xf32, #tpu.memory_space<vmem>>) offsets(%dma_start3A_175 : memref<80xi32, #tpu.memory_space<vmem>>) semaphore(%arg13 : memref<!tpu.dma_semaphore, #tpu.memory_space<semaphore_mem>>)
      } else {
      }
      %mul3A_141 = arith.constant 3 : i32
      %mul3A_142 = arith.muli %mul3A_141, %scan3A_93 : i32
      %add3A_143 = arith.constant 2 : i32
      %add3A_144 = arith.addi %mul3A_142, %add3A_143 : i32
      %sub3A_145 = arith.constant 0 : i32
      %sub3A_146 = arith.subi %add3A_144, %sub3A_145 : i32
      %mul3A_147 = arith.constant 80 : i32
      %mul3A_148 = arith.muli %sub3A_146, %mul3A_147 : i32
      %mul3A_149 = arith.constant 80 : i32
      %mul3A_150 = arith.muli %add3A_144, %mul3A_149 : i32
      %dma_wait3A_151 = tpu.memref_slice %arg6[%mul3A_150] : memref<10000xi32, #tpu.memory_space<vmem>> -> memref<80xi32, #tpu.memory_space<vmem>>
      %dma_wait3A_152 = arith.constant 0 : i32
      %dma_wait3A_153 = arith.constant 0 : i32
      %dma_wait3A_154 = tpu.memref_slice %arg4[%dma_wait3A_152, %dma_wait3A_153] : memref<10240x128xf32, #tpu.memory_space<hbm>> -> memref<10240x128xf32, #tpu.memory_space<hbm>>
      tpu.wait_indirect_dma semaphore(%arg14 : memref<!tpu.dma_semaphore, #tpu.memory_space<semaphore_mem>>) src(%dma_wait3A_154 : memref<10240x128xf32, #tpu.memory_space<hbm>>) dst(%arg10 : memref<80x128xf32, #tpu.memory_space<vmem>>)
      %dma_start3A_155 = tpu.memref_slice %arg7[%mul3A_148] : memref<3840xi32, #tpu.memory_space<vmem>> -> memref<80xi32, #tpu.memory_space<vmem>>
      %dma_start3A_156 = arith.constant 0 : i32
      %dma_start3A_157 = arith.constant 0 : i32
      %dma_start3A_158 = tpu.memref_slice %arg11[%dma_start3A_156, %dma_start3A_157] : memref<10240x128xf32, #tpu.memory_space<vmem_shared>> -> memref<10240x128xf32, #tpu.memory_space<vmem_shared>>
      tpu.enqueue_indirect_dma source(%arg10 : memref<80x128xf32, #tpu.memory_space<vmem>>) target(%dma_start3A_158 : memref<10240x128xf32, #tpu.memory_space<vmem_shared>>) offsets(%dma_start3A_155 : memref<80xi32, #tpu.memory_space<vmem>>) semaphore(%arg17 : memref<!tpu.dma_semaphore, #tpu.memory_space<semaphore_mem>>) {add = true}
      %add3A_159 = arith.constant 3 : i32
      %add3A_160 = arith.addi %add3A_144, %add3A_159 : i32
      %lt3A_161 = arith.constant 125 : i32
      %lt3A_162 = arith.cmpi slt, %add3A_160, %lt3A_161 : i32
      %convert_element_type3A_163 = arith.extui %lt3A_162 : i1 to i32
      %cond3A_164 = arith.constant 0 : i32
      %cond3A_165 = arith.cmpi ne, %convert_element_type3A_163, %cond3A_164 : i32
      scf.if %cond3A_165 {
        %dma_wait3A_167 = tpu.memref_slice %arg7[%mul3A_148] : memref<3840xi32, #tpu.memory_space<vmem>> -> memref<80xi32, #tpu.memory_space<vmem>>
        %dma_wait3A_168 = arith.constant 0 : i32
        %dma_wait3A_169 = arith.constant 0 : i32
        %dma_wait3A_170 = tpu.memref_slice %arg11[%dma_wait3A_168, %dma_wait3A_169] : memref<10240x128xf32, #tpu.memory_space<vmem_shared>> -> memref<10240x128xf32, #tpu.memory_space<vmem_shared>>
        tpu.wait_indirect_dma semaphore(%arg17 : memref<!tpu.dma_semaphore, #tpu.memory_space<semaphore_mem>>) src(%arg10 : memref<80x128xf32, #tpu.memory_space<vmem>>) dst(%dma_wait3A_170 : memref<10240x128xf32, #tpu.memory_space<vmem_shared>>)
        %add3A_171 = arith.constant 3 : i32
        %add3A_172 = arith.addi %add3A_144, %add3A_171 : i32
        %mul3A_173 = arith.constant 80 : i32
        %mul3A_174 = arith.muli %add3A_172, %mul3A_173 : i32
        %dma_start3A_175 = tpu.memref_slice %arg6[%mul3A_174] : memref<10000xi32, #tpu.memory_space<vmem>> -> memref<80xi32, #tpu.memory_space<vmem>>
        %dma_start3A_176 = arith.constant 0 : i32
        %dma_start3A_177 = arith.constant 0 : i32
        %dma_start3A_178 = tpu.memref_slice %arg4[%dma_start3A_176, %dma_start3A_177] : memref<10240x128xf32, #tpu.memory_space<hbm>> -> memref<10240x128xf32, #tpu.memory_space<hbm>>
        tpu.enqueue_indirect_dma source(%dma_start3A_178 : memref<10240x128xf32, #tpu.memory_space<hbm>>) target(%arg10 : memref<80x128xf32, #tpu.memory_space<vmem>>) offsets(%dma_start3A_175 : memref<80xi32, #tpu.memory_space<vmem>>) semaphore(%arg14 : memref<!tpu.dma_semaphore, #tpu.memory_space<semaphore_mem>>)
      } else {
      }
      %scan3A_166 = arith.constant 0 : i32
      scf.yield %scan3A_166 : i32
    }
    %scan3A_36 = arith.constant 16 : i32
    "tpu.region"() ({
      %run_scoped3A_93 = tpu.sem_alloc : memref<!tpu.dma_semaphore, #tpu.memory_space<semaphore_mem>>
      %dma_start3A_94 = arith.constant 3840 : i32
      %dma_start3A_95 = tpu.memref_slice %arg3[%add3A, %dma_start3A_94] : memref<32x11520xi32, #tpu.memory_space<hbm>> -> memref<1x3840xi32, #tpu.memory_space<hbm>>
      %dma_start3A_96 = tpu.memref_squeeze %dma_start3A_95 : memref<1x3840xi32, #tpu.memory_space<hbm>> -> memref<3840xi32, #tpu.memory_space<hbm>>
      %dma_start3A_97 = arith.constant 3840 : i32
      %dma_start3A_98 = tpu.memref_slice %arg3[%add3A, %dma_start3A_97] : memref<32x11520xi32, #tpu.memory_space<hbm>> -> memref<1x3840xi32, #tpu.memory_space<hbm>>
      %dma_start3A_99 = tpu.memref_squeeze %dma_start3A_98 : memref<1x3840xi32, #tpu.memory_space<hbm>> -> memref<3840xi32, #tpu.memory_space<hbm>>
      tpu.enqueue_dma source(%dma_start3A_99 : memref<3840xi32, #tpu.memory_space<hbm>>) target(%arg7 : memref<3840xi32, #tpu.memory_space<vmem>>) target_semaphore(%run_scoped3A_93 : memref<!tpu.dma_semaphore, #tpu.memory_space<semaphore_mem>>)
      %dma_wait3A_100 = arith.constant 3840 : i32
      %dma_wait3A_101 = tpu.memref_slice %arg3[%add3A, %dma_wait3A_100] : memref<32x11520xi32, #tpu.memory_space<hbm>> -> memref<1x3840xi32, #tpu.memory_space<hbm>>
      %dma_wait3A_102 = tpu.memref_squeeze %dma_wait3A_101 : memref<1x3840xi32, #tpu.memory_space<hbm>> -> memref<3840xi32, #tpu.memory_space<hbm>>
      %dma_wait3A_103 = arith.constant 3840 : i32
      %dma_wait3A_104 = tpu.memref_slice %arg3[%add3A, %dma_wait3A_103] : memref<32x11520xi32, #tpu.memory_space<hbm>> -> memref<1x3840xi32, #tpu.memory_space<hbm>>
      %dma_wait3A_105 = tpu.memref_squeeze %dma_wait3A_104 : memref<1x3840xi32, #tpu.memory_space<hbm>> -> memref<3840xi32, #tpu.memory_space<hbm>>
      tpu.wait_dma2 semaphore(%run_scoped3A_93 : memref<!tpu.dma_semaphore, #tpu.memory_space<semaphore_mem>>) src(%dma_wait3A_105 : memref<3840xi32, #tpu.memory_space<hbm>>) dst(%arg7 : memref<3840xi32, #tpu.memory_space<vmem>>)
      tpu.yield
    }) : () -> ()
    %scan3A_37 = arith.constant 0 : i32
    %scan3A_38 = arith.constant 16 : i32
    %scan3A_39 = arith.constant 16 : i32
    %scan3A_40 = arith.addi %scan3A_38, %scan3A_39 : i32
    %scan3A_41 = arith.constant 1 : i32
    %scan3A_42 = scf.for %scan3A_93 = %scan3A_38 to %scan3A_40 step %scan3A_41 iter_args(%scan3A_94 = %scan3A_37) -> (i32)  : i32 {
      %mul3A_95 = arith.constant 3 : i32
      %mul3A_96 = arith.muli %mul3A_95, %scan3A_93 : i32
      %add3A_97 = arith.constant 0 : i32
      %add3A_98 = arith.addi %mul3A_96, %add3A_97 : i32
      %sub3A = arith.constant 48 : i32
      %sub3A_99 = arith.subi %add3A_98, %sub3A : i32
      %mul3A_100 = arith.constant 80 : i32
      %mul3A_101 = arith.muli %sub3A_99, %mul3A_100 : i32
      %mul3A_102 = arith.constant 80 : i32
      %mul3A_103 = arith.muli %add3A_98, %mul3A_102 : i32
      %dma_wait3A_104 = tpu.memref_slice %arg6[%mul3A_103] : memref<10000xi32, #tpu.memory_space<vmem>> -> memref<80xi32, #tpu.memory_space<vmem>>
      %dma_wait3A_105 = arith.constant 0 : i32
      %dma_wait3A_106 = arith.constant 0 : i32
      %dma_wait3A_107 = tpu.memref_slice %arg4[%dma_wait3A_105, %dma_wait3A_106] : memref<10240x128xf32, #tpu.memory_space<hbm>> -> memref<10240x128xf32, #tpu.memory_space<hbm>>
      tpu.wait_indirect_dma semaphore(%arg12 : memref<!tpu.dma_semaphore, #tpu.memory_space<semaphore_mem>>) src(%dma_wait3A_107 : memref<10240x128xf32, #tpu.memory_space<hbm>>) dst(%arg8 : memref<80x128xf32, #tpu.memory_space<vmem>>)
      %dma_start3A_108 = tpu.memref_slice %arg7[%mul3A_101] : memref<3840xi32, #tpu.memory_space<vmem>> -> memref<80xi32, #tpu.memory_space<vmem>>
      %dma_start3A_109 = arith.constant 0 : i32
      %dma_start3A_110 = arith.constant 0 : i32
      %dma_start3A_111 = tpu.memref_slice %arg11[%dma_start3A_109, %dma_start3A_110] : memref<10240x128xf32, #tpu.memory_space<vmem_shared>> -> memref<10240x128xf32, #tpu.memory_space<vmem_shared>>
      tpu.enqueue_indirect_dma source(%arg8 : memref<80x128xf32, #tpu.memory_space<vmem>>) target(%dma_start3A_111 : memref<10240x128xf32, #tpu.memory_space<vmem_shared>>) offsets(%dma_start3A_108 : memref<80xi32, #tpu.memory_space<vmem>>) semaphore(%arg15 : memref<!tpu.dma_semaphore, #tpu.memory_space<semaphore_mem>>) {add = true}
      %add3A_112 = arith.constant 3 : i32
      %add3A_113 = arith.addi %add3A_98, %add3A_112 : i32
      %lt3A = arith.constant 125 : i32
      %lt3A_114 = arith.cmpi slt, %add3A_113, %lt3A : i32
      %convert_element_type3A = arith.extui %lt3A_114 : i1 to i32
      %cond3A = arith.constant 0 : i32
      %cond3A_115 = arith.cmpi ne, %convert_element_type3A, %cond3A : i32
      scf.if %cond3A_115 {
        %dma_wait3A_167 = tpu.memref_slice %arg7[%mul3A_101] : memref<3840xi32, #tpu.memory_space<vmem>> -> memref<80xi32, #tpu.memory_space<vmem>>
        %dma_wait3A_168 = arith.constant 0 : i32
        %dma_wait3A_169 = arith.constant 0 : i32
        %dma_wait3A_170 = tpu.memref_slice %arg11[%dma_wait3A_168, %dma_wait3A_169] : memref<10240x128xf32, #tpu.memory_space<vmem_shared>> -> memref<10240x128xf32, #tpu.memory_space<vmem_shared>>
        tpu.wait_indirect_dma semaphore(%arg15 : memref<!tpu.dma_semaphore, #tpu.memory_space<semaphore_mem>>) src(%arg8 : memref<80x128xf32, #tpu.memory_space<vmem>>) dst(%dma_wait3A_170 : memref<10240x128xf32, #tpu.memory_space<vmem_shared>>)
        %add3A_171 = arith.constant 3 : i32
        %add3A_172 = arith.addi %add3A_98, %add3A_171 : i32
        %mul3A_173 = arith.constant 80 : i32
        %mul3A_174 = arith.muli %add3A_172, %mul3A_173 : i32
        %dma_start3A_175 = tpu.memref_slice %arg6[%mul3A_174] : memref<10000xi32, #tpu.memory_space<vmem>> -> memref<80xi32, #tpu.memory_space<vmem>>
        %dma_start3A_176 = arith.constant 0 : i32
        %dma_start3A_177 = arith.constant 0 : i32
        %dma_start3A_178 = tpu.memref_slice %arg4[%dma_start3A_176, %dma_start3A_177] : memref<10240x128xf32, #tpu.memory_space<hbm>> -> memref<10240x128xf32, #tpu.memory_space<hbm>>
        tpu.enqueue_indirect_dma source(%dma_start3A_178 : memref<10240x128xf32, #tpu.memory_space<hbm>>) target(%arg8 : memref<80x128xf32, #tpu.memory_space<vmem>>) offsets(%dma_start3A_175 : memref<80xi32, #tpu.memory_space<vmem>>) semaphore(%arg12 : memref<!tpu.dma_semaphore, #tpu.memory_space<semaphore_mem>>)
      } else {
      }
      %mul3A_116 = arith.constant 3 : i32
      %mul3A_117 = arith.muli %mul3A_116, %scan3A_93 : i32
      %add3A_118 = arith.constant 1 : i32
      %add3A_119 = arith.addi %mul3A_117, %add3A_118 : i32
      %sub3A_120 = arith.constant 48 : i32
      %sub3A_121 = arith.subi %add3A_119, %sub3A_120 : i32
      %mul3A_122 = arith.constant 80 : i32
      %mul3A_123 = arith.muli %sub3A_121, %mul3A_122 : i32
      %mul3A_124 = arith.constant 80 : i32
      %mul3A_125 = arith.muli %add3A_119, %mul3A_124 : i32
      %dma_wait3A_126 = tpu.memref_slice %arg6[%mul3A_125] : memref<10000xi32, #tpu.memory_space<vmem>> -> memref<80xi32, #tpu.memory_space<vmem>>
      %dma_wait3A_127 = arith.constant 0 : i32
      %dma_wait3A_128 = arith.constant 0 : i32
      %dma_wait3A_129 = tpu.memref_slice %arg4[%dma_wait3A_127, %dma_wait3A_128] : memref<10240x128xf32, #tpu.memory_space<hbm>> -> memref<10240x128xf32, #tpu.memory_space<hbm>>
      tpu.wait_indirect_dma semaphore(%arg13 : memref<!tpu.dma_semaphore, #tpu.memory_space<semaphore_mem>>) src(%dma_wait3A_129 : memref<10240x128xf32, #tpu.memory_space<hbm>>) dst(%arg9 : memref<80x128xf32, #tpu.memory_space<vmem>>)
      %dma_start3A_130 = tpu.memref_slice %arg7[%mul3A_123] : memref<3840xi32, #tpu.memory_space<vmem>> -> memref<80xi32, #tpu.memory_space<vmem>>
      %dma_start3A_131 = arith.constant 0 : i32
      %dma_start3A_132 = arith.constant 0 : i32
      %dma_start3A_133 = tpu.memref_slice %arg11[%dma_start3A_131, %dma_start3A_132] : memref<10240x128xf32, #tpu.memory_space<vmem_shared>> -> memref<10240x128xf32, #tpu.memory_space<vmem_shared>>
      tpu.enqueue_indirect_dma source(%arg9 : memref<80x128xf32, #tpu.memory_space<vmem>>) target(%dma_start3A_133 : memref<10240x128xf32, #tpu.memory_space<vmem_shared>>) offsets(%dma_start3A_130 : memref<80xi32, #tpu.memory_space<vmem>>) semaphore(%arg16 : memref<!tpu.dma_semaphore, #tpu.memory_space<semaphore_mem>>) {add = true}
      %add3A_134 = arith.constant 3 : i32
      %add3A_135 = arith.addi %add3A_119, %add3A_134 : i32
      %lt3A_136 = arith.constant 125 : i32
      %lt3A_137 = arith.cmpi slt, %add3A_135, %lt3A_136 : i32
      %convert_element_type3A_138 = arith.extui %lt3A_137 : i1 to i32
      %cond3A_139 = arith.constant 0 : i32
      %cond3A_140 = arith.cmpi ne, %convert_element_type3A_138, %cond3A_139 : i32
      scf.if %cond3A_140 {
        %dma_wait3A_167 = tpu.memref_slice %arg7[%mul3A_123] : memref<3840xi32, #tpu.memory_space<vmem>> -> memref<80xi32, #tpu.memory_space<vmem>>
        %dma_wait3A_168 = arith.constant 0 : i32
        %dma_wait3A_169 = arith.constant 0 : i32
        %dma_wait3A_170 = tpu.memref_slice %arg11[%dma_wait3A_168, %dma_wait3A_169] : memref<10240x128xf32, #tpu.memory_space<vmem_shared>> -> memref<10240x128xf32, #tpu.memory_space<vmem_shared>>
        tpu.wait_indirect_dma semaphore(%arg16 : memref<!tpu.dma_semaphore, #tpu.memory_space<semaphore_mem>>) src(%arg9 : memref<80x128xf32, #tpu.memory_space<vmem>>) dst(%dma_wait3A_170 : memref<10240x128xf32, #tpu.memory_space<vmem_shared>>)
        %add3A_171 = arith.constant 3 : i32
        %add3A_172 = arith.addi %add3A_119, %add3A_171 : i32
        %mul3A_173 = arith.constant 80 : i32
        %mul3A_174 = arith.muli %add3A_172, %mul3A_173 : i32
        %dma_start3A_175 = tpu.memref_slice %arg6[%mul3A_174] : memref<10000xi32, #tpu.memory_space<vmem>> -> memref<80xi32, #tpu.memory_space<vmem>>
        %dma_start3A_176 = arith.constant 0 : i32
        %dma_start3A_177 = arith.constant 0 : i32
        %dma_start3A_178 = tpu.memref_slice %arg4[%dma_start3A_176, %dma_start3A_177] : memref<10240x128xf32, #tpu.memory_space<hbm>> -> memref<10240x128xf32, #tpu.memory_space<hbm>>
        tpu.enqueue_indirect_dma source(%dma_start3A_178 : memref<10240x128xf32, #tpu.memory_space<hbm>>) target(%arg9 : memref<80x128xf32, #tpu.memory_space<vmem>>) offsets(%dma_start3A_175 : memref<80xi32, #tpu.memory_space<vmem>>) semaphore(%arg13 : memref<!tpu.dma_semaphore, #tpu.memory_space<semaphore_mem>>)
      } else {
      }
      %mul3A_141 = arith.constant 3 : i32
      %mul3A_142 = arith.muli %mul3A_141, %scan3A_93 : i32
      %add3A_143 = arith.constant 2 : i32
      %add3A_144 = arith.addi %mul3A_142, %add3A_143 : i32
      %sub3A_145 = arith.constant 48 : i32
      %sub3A_146 = arith.subi %add3A_144, %sub3A_145 : i32
      %mul3A_147 = arith.constant 80 : i32
      %mul3A_148 = arith.muli %sub3A_146, %mul3A_147 : i32
      %mul3A_149 = arith.constant 80 : i32
      %mul3A_150 = arith.muli %add3A_144, %mul3A_149 : i32
      %dma_wait3A_151 = tpu.memref_slice %arg6[%mul3A_150] : memref<10000xi32, #tpu.memory_space<vmem>> -> memref<80xi32, #tpu.memory_space<vmem>>
      %dma_wait3A_152 = arith.constant 0 : i32
      %dma_wait3A_153 = arith.constant 0 : i32
      %dma_wait3A_154 = tpu.memref_slice %arg4[%dma_wait3A_152, %dma_wait3A_153] : memref<10240x128xf32, #tpu.memory_space<hbm>> -> memref<10240x128xf32, #tpu.memory_space<hbm>>
      tpu.wait_indirect_dma semaphore(%arg14 : memref<!tpu.dma_semaphore, #tpu.memory_space<semaphore_mem>>) src(%dma_wait3A_154 : memref<10240x128xf32, #tpu.memory_space<hbm>>) dst(%arg10 : memref<80x128xf32, #tpu.memory_space<vmem>>)
      %dma_start3A_155 = tpu.memref_slice %arg7[%mul3A_148] : memref<3840xi32, #tpu.memory_space<vmem>> -> memref<80xi32, #tpu.memory_space<vmem>>
      %dma_start3A_156 = arith.constant 0 : i32
      %dma_start3A_157 = arith.constant 0 : i32
      %dma_start3A_158 = tpu.memref_slice %arg11[%dma_start3A_156, %dma_start3A_157] : memref<10240x128xf32, #tpu.memory_space<vmem_shared>> -> memref<10240x128xf32, #tpu.memory_space<vmem_shared>>
      tpu.enqueue_indirect_dma source(%arg10 : memref<80x128xf32, #tpu.memory_space<vmem>>) target(%dma_start3A_158 : memref<10240x128xf32, #tpu.memory_space<vmem_shared>>) offsets(%dma_start3A_155 : memref<80xi32, #tpu.memory_space<vmem>>) semaphore(%arg17 : memref<!tpu.dma_semaphore, #tpu.memory_space<semaphore_mem>>) {add = true}
      %add3A_159 = arith.constant 3 : i32
      %add3A_160 = arith.addi %add3A_144, %add3A_159 : i32
      %lt3A_161 = arith.constant 125 : i32
      %lt3A_162 = arith.cmpi slt, %add3A_160, %lt3A_161 : i32
      %convert_element_type3A_163 = arith.extui %lt3A_162 : i1 to i32
      %cond3A_164 = arith.constant 0 : i32
      %cond3A_165 = arith.cmpi ne, %convert_element_type3A_163, %cond3A_164 : i32
      scf.if %cond3A_165 {
        %dma_wait3A_167 = tpu.memref_slice %arg7[%mul3A_148] : memref<3840xi32, #tpu.memory_space<vmem>> -> memref<80xi32, #tpu.memory_space<vmem>>
        %dma_wait3A_168 = arith.constant 0 : i32
        %dma_wait3A_169 = arith.constant 0 : i32
        %dma_wait3A_170 = tpu.memref_slice %arg11[%dma_wait3A_168, %dma_wait3A_169] : memref<10240x128xf32, #tpu.memory_space<vmem_shared>> -> memref<10240x128xf32, #tpu.memory_space<vmem_shared>>
        tpu.wait_indirect_dma semaphore(%arg17 : memref<!tpu.dma_semaphore, #tpu.memory_space<semaphore_mem>>) src(%arg10 : memref<80x128xf32, #tpu.memory_space<vmem>>) dst(%dma_wait3A_170 : memref<10240x128xf32, #tpu.memory_space<vmem_shared>>)
        %add3A_171 = arith.constant 3 : i32
        %add3A_172 = arith.addi %add3A_144, %add3A_171 : i32
        %mul3A_173 = arith.constant 80 : i32
        %mul3A_174 = arith.muli %add3A_172, %mul3A_173 : i32
        %dma_start3A_175 = tpu.memref_slice %arg6[%mul3A_174] : memref<10000xi32, #tpu.memory_space<vmem>> -> memref<80xi32, #tpu.memory_space<vmem>>
        %dma_start3A_176 = arith.constant 0 : i32
        %dma_start3A_177 = arith.constant 0 : i32
        %dma_start3A_178 = tpu.memref_slice %arg4[%dma_start3A_176, %dma_start3A_177] : memref<10240x128xf32, #tpu.memory_space<hbm>> -> memref<10240x128xf32, #tpu.memory_space<hbm>>
        tpu.enqueue_indirect_dma source(%dma_start3A_178 : memref<10240x128xf32, #tpu.memory_space<hbm>>) target(%arg10 : memref<80x128xf32, #tpu.memory_space<vmem>>) offsets(%dma_start3A_175 : memref<80xi32, #tpu.memory_space<vmem>>) semaphore(%arg14 : memref<!tpu.dma_semaphore, #tpu.memory_space<semaphore_mem>>)
      } else {
      }
      %scan3A_166 = arith.constant 0 : i32
      scf.yield %scan3A_166 : i32
    }
    %scan3A_43 = arith.constant 16 : i32
    "tpu.region"() ({
      %run_scoped3A_93 = tpu.sem_alloc : memref<!tpu.dma_semaphore, #tpu.memory_space<semaphore_mem>>
      %dma_start3A_94 = arith.constant 7680 : i32
      %dma_start3A_95 = tpu.memref_slice %arg3[%add3A, %dma_start3A_94] : memref<32x11520xi32, #tpu.memory_space<hbm>> -> memref<1x3840xi32, #tpu.memory_space<hbm>>
      %dma_start3A_96 = tpu.memref_squeeze %dma_start3A_95 : memref<1x3840xi32, #tpu.memory_space<hbm>> -> memref<3840xi32, #tpu.memory_space<hbm>>
      %dma_start3A_97 = arith.constant 7680 : i32
      %dma_start3A_98 = tpu.memref_slice %arg3[%add3A, %dma_start3A_97] : memref<32x11520xi32, #tpu.memory_space<hbm>> -> memref<1x3840xi32, #tpu.memory_space<hbm>>
      %dma_start3A_99 = tpu.memref_squeeze %dma_start3A_98 : memref<1x3840xi32, #tpu.memory_space<hbm>> -> memref<3840xi32, #tpu.memory_space<hbm>>
      tpu.enqueue_dma source(%dma_start3A_99 : memref<3840xi32, #tpu.memory_space<hbm>>) target(%arg7 : memref<3840xi32, #tpu.memory_space<vmem>>) target_semaphore(%run_scoped3A_93 : memref<!tpu.dma_semaphore, #tpu.memory_space<semaphore_mem>>)
      %dma_wait3A_100 = arith.constant 7680 : i32
      %dma_wait3A_101 = tpu.memref_slice %arg3[%add3A, %dma_wait3A_100] : memref<32x11520xi32, #tpu.memory_space<hbm>> -> memref<1x3840xi32, #tpu.memory_space<hbm>>
      %dma_wait3A_102 = tpu.memref_squeeze %dma_wait3A_101 : memref<1x3840xi32, #tpu.memory_space<hbm>> -> memref<3840xi32, #tpu.memory_space<hbm>>
      %dma_wait3A_103 = arith.constant 7680 : i32
      %dma_wait3A_104 = tpu.memref_slice %arg3[%add3A, %dma_wait3A_103] : memref<32x11520xi32, #tpu.memory_space<hbm>> -> memref<1x3840xi32, #tpu.memory_space<hbm>>
      %dma_wait3A_105 = tpu.memref_squeeze %dma_wait3A_104 : memref<1x3840xi32, #tpu.memory_space<hbm>> -> memref<3840xi32, #tpu.memory_space<hbm>>
      tpu.wait_dma2 semaphore(%run_scoped3A_93 : memref<!tpu.dma_semaphore, #tpu.memory_space<semaphore_mem>>) src(%dma_wait3A_105 : memref<3840xi32, #tpu.memory_space<hbm>>) dst(%arg7 : memref<3840xi32, #tpu.memory_space<vmem>>)
      tpu.yield
    }) : () -> ()
    %scan3A_44 = arith.constant 0 : i32
    %scan3A_45 = arith.constant 32 : i32
    %scan3A_46 = arith.constant 9 : i32
    %scan3A_47 = arith.addi %scan3A_45, %scan3A_46 : i32
    %scan3A_48 = arith.constant 1 : i32
    %scan3A_49 = scf.for %scan3A_93 = %scan3A_45 to %scan3A_47 step %scan3A_48 iter_args(%scan3A_94 = %scan3A_44) -> (i32)  : i32 {
      %mul3A_95 = arith.constant 3 : i32
      %mul3A_96 = arith.muli %mul3A_95, %scan3A_93 : i32
      %add3A_97 = arith.constant 0 : i32
      %add3A_98 = arith.addi %mul3A_96, %add3A_97 : i32
      %sub3A = arith.constant 96 : i32
      %sub3A_99 = arith.subi %add3A_98, %sub3A : i32
      %mul3A_100 = arith.constant 80 : i32
      %mul3A_101 = arith.muli %sub3A_99, %mul3A_100 : i32
      %mul3A_102 = arith.constant 80 : i32
      %mul3A_103 = arith.muli %add3A_98, %mul3A_102 : i32
      %dma_wait3A_104 = tpu.memref_slice %arg6[%mul3A_103] : memref<10000xi32, #tpu.memory_space<vmem>> -> memref<80xi32, #tpu.memory_space<vmem>>
      %dma_wait3A_105 = arith.constant 0 : i32
      %dma_wait3A_106 = arith.constant 0 : i32
      %dma_wait3A_107 = tpu.memref_slice %arg4[%dma_wait3A_105, %dma_wait3A_106] : memref<10240x128xf32, #tpu.memory_space<hbm>> -> memref<10240x128xf32, #tpu.memory_space<hbm>>
      tpu.wait_indirect_dma semaphore(%arg12 : memref<!tpu.dma_semaphore, #tpu.memory_space<semaphore_mem>>) src(%dma_wait3A_107 : memref<10240x128xf32, #tpu.memory_space<hbm>>) dst(%arg8 : memref<80x128xf32, #tpu.memory_space<vmem>>)
      %dma_start3A_108 = tpu.memref_slice %arg7[%mul3A_101] : memref<3840xi32, #tpu.memory_space<vmem>> -> memref<80xi32, #tpu.memory_space<vmem>>
      %dma_start3A_109 = arith.constant 0 : i32
      %dma_start3A_110 = arith.constant 0 : i32
      %dma_start3A_111 = tpu.memref_slice %arg11[%dma_start3A_109, %dma_start3A_110] : memref<10240x128xf32, #tpu.memory_space<vmem_shared>> -> memref<10240x128xf32, #tpu.memory_space<vmem_shared>>
      tpu.enqueue_indirect_dma source(%arg8 : memref<80x128xf32, #tpu.memory_space<vmem>>) target(%dma_start3A_111 : memref<10240x128xf32, #tpu.memory_space<vmem_shared>>) offsets(%dma_start3A_108 : memref<80xi32, #tpu.memory_space<vmem>>) semaphore(%arg15 : memref<!tpu.dma_semaphore, #tpu.memory_space<semaphore_mem>>) {add = true}
      %add3A_112 = arith.constant 3 : i32
      %add3A_113 = arith.addi %add3A_98, %add3A_112 : i32
      %lt3A = arith.constant 125 : i32
      %lt3A_114 = arith.cmpi slt, %add3A_113, %lt3A : i32
      %convert_element_type3A = arith.extui %lt3A_114 : i1 to i32
      %cond3A = arith.constant 0 : i32
      %cond3A_115 = arith.cmpi ne, %convert_element_type3A, %cond3A : i32
      scf.if %cond3A_115 {
        %dma_wait3A_167 = tpu.memref_slice %arg7[%mul3A_101] : memref<3840xi32, #tpu.memory_space<vmem>> -> memref<80xi32, #tpu.memory_space<vmem>>
        %dma_wait3A_168 = arith.constant 0 : i32
        %dma_wait3A_169 = arith.constant 0 : i32
        %dma_wait3A_170 = tpu.memref_slice %arg11[%dma_wait3A_168, %dma_wait3A_169] : memref<10240x128xf32, #tpu.memory_space<vmem_shared>> -> memref<10240x128xf32, #tpu.memory_space<vmem_shared>>
        tpu.wait_indirect_dma semaphore(%arg15 : memref<!tpu.dma_semaphore, #tpu.memory_space<semaphore_mem>>) src(%arg8 : memref<80x128xf32, #tpu.memory_space<vmem>>) dst(%dma_wait3A_170 : memref<10240x128xf32, #tpu.memory_space<vmem_shared>>)
        %add3A_171 = arith.constant 3 : i32
        %add3A_172 = arith.addi %add3A_98, %add3A_171 : i32
        %mul3A_173 = arith.constant 80 : i32
        %mul3A_174 = arith.muli %add3A_172, %mul3A_173 : i32
        %dma_start3A_175 = tpu.memref_slice %arg6[%mul3A_174] : memref<10000xi32, #tpu.memory_space<vmem>> -> memref<80xi32, #tpu.memory_space<vmem>>
        %dma_start3A_176 = arith.constant 0 : i32
        %dma_start3A_177 = arith.constant 0 : i32
        %dma_start3A_178 = tpu.memref_slice %arg4[%dma_start3A_176, %dma_start3A_177] : memref<10240x128xf32, #tpu.memory_space<hbm>> -> memref<10240x128xf32, #tpu.memory_space<hbm>>
        tpu.enqueue_indirect_dma source(%dma_start3A_178 : memref<10240x128xf32, #tpu.memory_space<hbm>>) target(%arg8 : memref<80x128xf32, #tpu.memory_space<vmem>>) offsets(%dma_start3A_175 : memref<80xi32, #tpu.memory_space<vmem>>) semaphore(%arg12 : memref<!tpu.dma_semaphore, #tpu.memory_space<semaphore_mem>>)
      } else {
      }
      %mul3A_116 = arith.constant 3 : i32
      %mul3A_117 = arith.muli %mul3A_116, %scan3A_93 : i32
      %add3A_118 = arith.constant 1 : i32
      %add3A_119 = arith.addi %mul3A_117, %add3A_118 : i32
      %sub3A_120 = arith.constant 96 : i32
      %sub3A_121 = arith.subi %add3A_119, %sub3A_120 : i32
      %mul3A_122 = arith.constant 80 : i32
      %mul3A_123 = arith.muli %sub3A_121, %mul3A_122 : i32
      %mul3A_124 = arith.constant 80 : i32
      %mul3A_125 = arith.muli %add3A_119, %mul3A_124 : i32
      %dma_wait3A_126 = tpu.memref_slice %arg6[%mul3A_125] : memref<10000xi32, #tpu.memory_space<vmem>> -> memref<80xi32, #tpu.memory_space<vmem>>
      %dma_wait3A_127 = arith.constant 0 : i32
      %dma_wait3A_128 = arith.constant 0 : i32
      %dma_wait3A_129 = tpu.memref_slice %arg4[%dma_wait3A_127, %dma_wait3A_128] : memref<10240x128xf32, #tpu.memory_space<hbm>> -> memref<10240x128xf32, #tpu.memory_space<hbm>>
      tpu.wait_indirect_dma semaphore(%arg13 : memref<!tpu.dma_semaphore, #tpu.memory_space<semaphore_mem>>) src(%dma_wait3A_129 : memref<10240x128xf32, #tpu.memory_space<hbm>>) dst(%arg9 : memref<80x128xf32, #tpu.memory_space<vmem>>)
      %dma_start3A_130 = tpu.memref_slice %arg7[%mul3A_123] : memref<3840xi32, #tpu.memory_space<vmem>> -> memref<80xi32, #tpu.memory_space<vmem>>
      %dma_start3A_131 = arith.constant 0 : i32
      %dma_start3A_132 = arith.constant 0 : i32
      %dma_start3A_133 = tpu.memref_slice %arg11[%dma_start3A_131, %dma_start3A_132] : memref<10240x128xf32, #tpu.memory_space<vmem_shared>> -> memref<10240x128xf32, #tpu.memory_space<vmem_shared>>
      tpu.enqueue_indirect_dma source(%arg9 : memref<80x128xf32, #tpu.memory_space<vmem>>) target(%dma_start3A_133 : memref<10240x128xf32, #tpu.memory_space<vmem_shared>>) offsets(%dma_start3A_130 : memref<80xi32, #tpu.memory_space<vmem>>) semaphore(%arg16 : memref<!tpu.dma_semaphore, #tpu.memory_space<semaphore_mem>>) {add = true}
      %add3A_134 = arith.constant 3 : i32
      %add3A_135 = arith.addi %add3A_119, %add3A_134 : i32
      %lt3A_136 = arith.constant 125 : i32
      %lt3A_137 = arith.cmpi slt, %add3A_135, %lt3A_136 : i32
      %convert_element_type3A_138 = arith.extui %lt3A_137 : i1 to i32
      %cond3A_139 = arith.constant 0 : i32
      %cond3A_140 = arith.cmpi ne, %convert_element_type3A_138, %cond3A_139 : i32
      scf.if %cond3A_140 {
        %dma_wait3A_167 = tpu.memref_slice %arg7[%mul3A_123] : memref<3840xi32, #tpu.memory_space<vmem>> -> memref<80xi32, #tpu.memory_space<vmem>>
        %dma_wait3A_168 = arith.constant 0 : i32
        %dma_wait3A_169 = arith.constant 0 : i32
        %dma_wait3A_170 = tpu.memref_slice %arg11[%dma_wait3A_168, %dma_wait3A_169] : memref<10240x128xf32, #tpu.memory_space<vmem_shared>> -> memref<10240x128xf32, #tpu.memory_space<vmem_shared>>
        tpu.wait_indirect_dma semaphore(%arg16 : memref<!tpu.dma_semaphore, #tpu.memory_space<semaphore_mem>>) src(%arg9 : memref<80x128xf32, #tpu.memory_space<vmem>>) dst(%dma_wait3A_170 : memref<10240x128xf32, #tpu.memory_space<vmem_shared>>)
        %add3A_171 = arith.constant 3 : i32
        %add3A_172 = arith.addi %add3A_119, %add3A_171 : i32
        %mul3A_173 = arith.constant 80 : i32
        %mul3A_174 = arith.muli %add3A_172, %mul3A_173 : i32
        %dma_start3A_175 = tpu.memref_slice %arg6[%mul3A_174] : memref<10000xi32, #tpu.memory_space<vmem>> -> memref<80xi32, #tpu.memory_space<vmem>>
        %dma_start3A_176 = arith.constant 0 : i32
        %dma_start3A_177 = arith.constant 0 : i32
        %dma_start3A_178 = tpu.memref_slice %arg4[%dma_start3A_176, %dma_start3A_177] : memref<10240x128xf32, #tpu.memory_space<hbm>> -> memref<10240x128xf32, #tpu.memory_space<hbm>>
        tpu.enqueue_indirect_dma source(%dma_start3A_178 : memref<10240x128xf32, #tpu.memory_space<hbm>>) target(%arg9 : memref<80x128xf32, #tpu.memory_space<vmem>>) offsets(%dma_start3A_175 : memref<80xi32, #tpu.memory_space<vmem>>) semaphore(%arg13 : memref<!tpu.dma_semaphore, #tpu.memory_space<semaphore_mem>>)
      } else {
      }
      %mul3A_141 = arith.constant 3 : i32
      %mul3A_142 = arith.muli %mul3A_141, %scan3A_93 : i32
      %add3A_143 = arith.constant 2 : i32
      %add3A_144 = arith.addi %mul3A_142, %add3A_143 : i32
      %sub3A_145 = arith.constant 96 : i32
      %sub3A_146 = arith.subi %add3A_144, %sub3A_145 : i32
      %mul3A_147 = arith.constant 80 : i32
      %mul3A_148 = arith.muli %sub3A_146, %mul3A_147 : i32
      %mul3A_149 = arith.constant 80 : i32
      %mul3A_150 = arith.muli %add3A_144, %mul3A_149 : i32
      %dma_wait3A_151 = tpu.memref_slice %arg6[%mul3A_150] : memref<10000xi32, #tpu.memory_space<vmem>> -> memref<80xi32, #tpu.memory_space<vmem>>
      %dma_wait3A_152 = arith.constant 0 : i32
      %dma_wait3A_153 = arith.constant 0 : i32
      %dma_wait3A_154 = tpu.memref_slice %arg4[%dma_wait3A_152, %dma_wait3A_153] : memref<10240x128xf32, #tpu.memory_space<hbm>> -> memref<10240x128xf32, #tpu.memory_space<hbm>>
      tpu.wait_indirect_dma semaphore(%arg14 : memref<!tpu.dma_semaphore, #tpu.memory_space<semaphore_mem>>) src(%dma_wait3A_154 : memref<10240x128xf32, #tpu.memory_space<hbm>>) dst(%arg10 : memref<80x128xf32, #tpu.memory_space<vmem>>)
      %dma_start3A_155 = tpu.memref_slice %arg7[%mul3A_148] : memref<3840xi32, #tpu.memory_space<vmem>> -> memref<80xi32, #tpu.memory_space<vmem>>
      %dma_start3A_156 = arith.constant 0 : i32
      %dma_start3A_157 = arith.constant 0 : i32
      %dma_start3A_158 = tpu.memref_slice %arg11[%dma_start3A_156, %dma_start3A_157] : memref<10240x128xf32, #tpu.memory_space<vmem_shared>> -> memref<10240x128xf32, #tpu.memory_space<vmem_shared>>
      tpu.enqueue_indirect_dma source(%arg10 : memref<80x128xf32, #tpu.memory_space<vmem>>) target(%dma_start3A_158 : memref<10240x128xf32, #tpu.memory_space<vmem_shared>>) offsets(%dma_start3A_155 : memref<80xi32, #tpu.memory_space<vmem>>) semaphore(%arg17 : memref<!tpu.dma_semaphore, #tpu.memory_space<semaphore_mem>>) {add = true}
      %add3A_159 = arith.constant 3 : i32
      %add3A_160 = arith.addi %add3A_144, %add3A_159 : i32
      %lt3A_161 = arith.constant 125 : i32
      %lt3A_162 = arith.cmpi slt, %add3A_160, %lt3A_161 : i32
      %convert_element_type3A_163 = arith.extui %lt3A_162 : i1 to i32
      %cond3A_164 = arith.constant 0 : i32
      %cond3A_165 = arith.cmpi ne, %convert_element_type3A_163, %cond3A_164 : i32
      scf.if %cond3A_165 {
        %dma_wait3A_167 = tpu.memref_slice %arg7[%mul3A_148] : memref<3840xi32, #tpu.memory_space<vmem>> -> memref<80xi32, #tpu.memory_space<vmem>>
        %dma_wait3A_168 = arith.constant 0 : i32
        %dma_wait3A_169 = arith.constant 0 : i32
        %dma_wait3A_170 = tpu.memref_slice %arg11[%dma_wait3A_168, %dma_wait3A_169] : memref<10240x128xf32, #tpu.memory_space<vmem_shared>> -> memref<10240x128xf32, #tpu.memory_space<vmem_shared>>
        tpu.wait_indirect_dma semaphore(%arg17 : memref<!tpu.dma_semaphore, #tpu.memory_space<semaphore_mem>>) src(%arg10 : memref<80x128xf32, #tpu.memory_space<vmem>>) dst(%dma_wait3A_170 : memref<10240x128xf32, #tpu.memory_space<vmem_shared>>)
        %add3A_171 = arith.constant 3 : i32
        %add3A_172 = arith.addi %add3A_144, %add3A_171 : i32
        %mul3A_173 = arith.constant 80 : i32
        %mul3A_174 = arith.muli %add3A_172, %mul3A_173 : i32
        %dma_start3A_175 = tpu.memref_slice %arg6[%mul3A_174] : memref<10000xi32, #tpu.memory_space<vmem>> -> memref<80xi32, #tpu.memory_space<vmem>>
        %dma_start3A_176 = arith.constant 0 : i32
        %dma_start3A_177 = arith.constant 0 : i32
        %dma_start3A_178 = tpu.memref_slice %arg4[%dma_start3A_176, %dma_start3A_177] : memref<10240x128xf32, #tpu.memory_space<hbm>> -> memref<10240x128xf32, #tpu.memory_space<hbm>>
        tpu.enqueue_indirect_dma source(%dma_start3A_178 : memref<10240x128xf32, #tpu.memory_space<hbm>>) target(%arg10 : memref<80x128xf32, #tpu.memory_space<vmem>>) offsets(%dma_start3A_175 : memref<80xi32, #tpu.memory_space<vmem>>) semaphore(%arg14 : memref<!tpu.dma_semaphore, #tpu.memory_space<semaphore_mem>>)
      } else {
      }
      %scan3A_166 = arith.constant 0 : i32
      scf.yield %scan3A_166 : i32
    }
    %scan3A_50 = arith.constant 9 : i32
    %dma_wait3A = arith.constant 9840 : i32
    %dma_wait3A_51 = tpu.memref_slice %arg6[%dma_wait3A] : memref<10000xi32, #tpu.memory_space<vmem>> -> memref<80xi32, #tpu.memory_space<vmem>>
    %dma_wait3A_52 = arith.constant 0 : i32
    %dma_wait3A_53 = arith.constant 0 : i32
    %dma_wait3A_54 = tpu.memref_slice %arg4[%dma_wait3A_52, %dma_wait3A_53] : memref<10240x128xf32, #tpu.memory_space<hbm>> -> memref<10240x128xf32, #tpu.memory_space<hbm>>
    tpu.wait_indirect_dma semaphore(%arg12 : memref<!tpu.dma_semaphore, #tpu.memory_space<semaphore_mem>>) src(%dma_wait3A_54 : memref<10240x128xf32, #tpu.memory_space<hbm>>) dst(%arg8 : memref<80x128xf32, #tpu.memory_space<vmem>>)
    %dma_start3A_55 = arith.constant 2160 : i32
    %dma_start3A_56 = tpu.memref_slice %arg7[%dma_start3A_55] : memref<3840xi32, #tpu.memory_space<vmem>> -> memref<80xi32, #tpu.memory_space<vmem>>
    %dma_start3A_57 = arith.constant 0 : i32
    %dma_start3A_58 = arith.constant 0 : i32
    %dma_start3A_59 = tpu.memref_slice %arg11[%dma_start3A_57, %dma_start3A_58] : memref<10240x128xf32, #tpu.memory_space<vmem_shared>> -> memref<10240x128xf32, #tpu.memory_space<vmem_shared>>
    tpu.enqueue_indirect_dma source(%arg8 : memref<80x128xf32, #tpu.memory_space<vmem>>) target(%dma_start3A_59 : memref<10240x128xf32, #tpu.memory_space<vmem_shared>>) offsets(%dma_start3A_56 : memref<80xi32, #tpu.memory_space<vmem>>) semaphore(%arg15 : memref<!tpu.dma_semaphore, #tpu.memory_space<semaphore_mem>>) {add = true}
    %dma_wait3A_60 = arith.constant 9920 : i32
    %dma_wait3A_61 = tpu.memref_slice %arg6[%dma_wait3A_60] : memref<10000xi32, #tpu.memory_space<vmem>> -> memref<80xi32, #tpu.memory_space<vmem>>
    %dma_wait3A_62 = arith.constant 0 : i32
    %dma_wait3A_63 = arith.constant 0 : i32
    %dma_wait3A_64 = tpu.memref_slice %arg4[%dma_wait3A_62, %dma_wait3A_63] : memref<10240x128xf32, #tpu.memory_space<hbm>> -> memref<10240x128xf32, #tpu.memory_space<hbm>>
    tpu.wait_indirect_dma semaphore(%arg13 : memref<!tpu.dma_semaphore, #tpu.memory_space<semaphore_mem>>) src(%dma_wait3A_64 : memref<10240x128xf32, #tpu.memory_space<hbm>>) dst(%arg9 : memref<80x128xf32, #tpu.memory_space<vmem>>)
    %dma_start3A_65 = arith.constant 2240 : i32
    %dma_start3A_66 = tpu.memref_slice %arg7[%dma_start3A_65] : memref<3840xi32, #tpu.memory_space<vmem>> -> memref<80xi32, #tpu.memory_space<vmem>>
    %dma_start3A_67 = arith.constant 0 : i32
    %dma_start3A_68 = arith.constant 0 : i32
    %dma_start3A_69 = tpu.memref_slice %arg11[%dma_start3A_67, %dma_start3A_68] : memref<10240x128xf32, #tpu.memory_space<vmem_shared>> -> memref<10240x128xf32, #tpu.memory_space<vmem_shared>>
    tpu.enqueue_indirect_dma source(%arg9 : memref<80x128xf32, #tpu.memory_space<vmem>>) target(%dma_start3A_69 : memref<10240x128xf32, #tpu.memory_space<vmem_shared>>) offsets(%dma_start3A_66 : memref<80xi32, #tpu.memory_space<vmem>>) semaphore(%arg16 : memref<!tpu.dma_semaphore, #tpu.memory_space<semaphore_mem>>) {add = true}
    %dma_wait3A_70 = arith.constant 2080 : i32
    %dma_wait3A_71 = tpu.memref_slice %arg7[%dma_wait3A_70] : memref<3840xi32, #tpu.memory_space<vmem>> -> memref<80xi32, #tpu.memory_space<vmem>>
    %dma_wait3A_72 = arith.constant 0 : i32
    %dma_wait3A_73 = arith.constant 0 : i32
    %dma_wait3A_74 = tpu.memref_slice %arg11[%dma_wait3A_72, %dma_wait3A_73] : memref<10240x128xf32, #tpu.memory_space<vmem_shared>> -> memref<10240x128xf32, #tpu.memory_space<vmem_shared>>
    tpu.wait_indirect_dma semaphore(%arg17 : memref<!tpu.dma_semaphore, #tpu.memory_space<semaphore_mem>>) src(%arg10 : memref<80x128xf32, #tpu.memory_space<vmem>>) dst(%dma_wait3A_74 : memref<10240x128xf32, #tpu.memory_space<vmem_shared>>)
    %dma_wait3A_75 = arith.constant 2160 : i32
    %dma_wait3A_76 = tpu.memref_slice %arg7[%dma_wait3A_75] : memref<3840xi32, #tpu.memory_space<vmem>> -> memref<80xi32, #tpu.memory_space<vmem>>
    %dma_wait3A_77 = arith.constant 0 : i32
    %dma_wait3A_78 = arith.constant 0 : i32
    %dma_wait3A_79 = tpu.memref_slice %arg11[%dma_wait3A_77, %dma_wait3A_78] : memref<10240x128xf32, #tpu.memory_space<vmem_shared>> -> memref<10240x128xf32, #tpu.memory_space<vmem_shared>>
    tpu.wait_indirect_dma semaphore(%arg15 : memref<!tpu.dma_semaphore, #tpu.memory_space<semaphore_mem>>) src(%arg8 : memref<80x128xf32, #tpu.memory_space<vmem>>) dst(%dma_wait3A_79 : memref<10240x128xf32, #tpu.memory_space<vmem_shared>>)
    %dma_wait3A_80 = arith.constant 2240 : i32
    %dma_wait3A_81 = tpu.memref_slice %arg7[%dma_wait3A_80] : memref<3840xi32, #tpu.memory_space<vmem>> -> memref<80xi32, #tpu.memory_space<vmem>>
    %dma_wait3A_82 = arith.constant 0 : i32
    %dma_wait3A_83 = arith.constant 0 : i32
    %dma_wait3A_84 = tpu.memref_slice %arg11[%dma_wait3A_82, %dma_wait3A_83] : memref<10240x128xf32, #tpu.memory_space<vmem_shared>> -> memref<10240x128xf32, #tpu.memory_space<vmem_shared>>
    tpu.wait_indirect_dma semaphore(%arg16 : memref<!tpu.dma_semaphore, #tpu.memory_space<semaphore_mem>>) src(%arg9 : memref<80x128xf32, #tpu.memory_space<vmem>>) dst(%dma_wait3A_84 : memref<10240x128xf32, #tpu.memory_space<vmem_shared>>)
    %barrier3A_85 = arith.constant 0 : index
    tpu.barrier barrier_id(%barrier3A_85)
    %scan3A_86 = arith.constant 0 : i32
    %scan3A_87 = arith.constant 0 : i32
    %scan3A_88 = arith.constant 5 : i32
    %scan3A_89 = arith.addi %scan3A_87, %scan3A_88 : i32
    %scan3A_90 = arith.constant 1 : i32
    %scan3A_91 = scf.for %scan3A_93 = %scan3A_87 to %scan3A_89 step %scan3A_90 iter_args(%scan3A_94 = %scan3A_86) -> (i32)  : i32 {
      %mul3A_95 = arith.constant 128 : i32
      %mul3A_96 = arith.muli %scan3A_93, %mul3A_95 : i32
      %add3A_97 = arith.addi %mul3A_2, %mul3A_96 : i32
      "tpu.region"() ({
        %run_scoped3A_99 = tpu.sem_alloc : memref<!tpu.dma_semaphore, #tpu.memory_space<semaphore_mem>>
        %dma_start3A_100 = arith.constant 0 : i32
        %dma_start3A_101 = tpu.memref_slice %arg5[%arg0, %add3A_97, %dma_start3A_100] : memref<2x10240x128xf32, #tpu.memory_space<hbm>> -> memref<1x128x128xf32, #tpu.memory_space<hbm>>
        %dma_start3A_102 = tpu.memref_squeeze %dma_start3A_101 : memref<1x128x128xf32, #tpu.memory_space<hbm>> -> memref<128x128xf32, #tpu.memory_space<hbm>>
        %dma_start3A_103 = arith.constant 0 : i32
        %dma_start3A_104 = tpu.memref_slice %arg11[%add3A_97, %dma_start3A_103] : memref<10240x128xf32, #tpu.memory_space<vmem_shared>> -> memref<128x128xf32, #tpu.memory_space<vmem_shared>>
        tpu.enqueue_dma source(%dma_start3A_104 : memref<128x128xf32, #tpu.memory_space<vmem_shared>>) target(%dma_start3A_102 : memref<128x128xf32, #tpu.memory_space<hbm>>) target_semaphore(%run_scoped3A_99 : memref<!tpu.dma_semaphore, #tpu.memory_space<semaphore_mem>>)
        %dma_wait3A_105 = arith.constant 0 : i32
        %dma_wait3A_106 = tpu.memref_slice %arg5[%arg0, %add3A_97, %dma_wait3A_105] : memref<2x10240x128xf32, #tpu.memory_space<hbm>> -> memref<1x128x128xf32, #tpu.memory_space<hbm>>
        %dma_wait3A_107 = tpu.memref_squeeze %dma_wait3A_106 : memref<1x128x128xf32, #tpu.memory_space<hbm>> -> memref<128x128xf32, #tpu.memory_space<hbm>>
        %dma_wait3A_108 = arith.constant 0 : i32
        %dma_wait3A_109 = tpu.memref_slice %arg11[%add3A_97, %dma_wait3A_108] : memref<10240x128xf32, #tpu.memory_space<vmem_shared>> -> memref<128x128xf32, #tpu.memory_space<vmem_shared>>
        tpu.wait_dma2 semaphore(%run_scoped3A_99 : memref<!tpu.dma_semaphore, #tpu.memory_space<semaphore_mem>>) src(%dma_wait3A_109 : memref<128x128xf32, #tpu.memory_space<vmem_shared>>) dst(%dma_wait3A_107 : memref<128x128xf32, #tpu.memory_space<hbm>>)
        tpu.yield
      }) : () -> ()
      %scan3A_98 = arith.constant 0 : i32
      scf.yield %scan3A_98 : i32
    }
    %scan3A_92 = arith.constant 5 : i32
    return
  }
}

module attributes {stable_mosaic.version = 14 : i64} {
  func.func @_scale_body(%arg0: i32, %arg1: memref<1024x128xf32, #tpu.memory_space<vmem>>, %arg2: memref<2x1024xf32, #tpu.memory_space<vmem>>, %arg3: memref<128x128xf32, #tpu.memory_space<vmem>>, %arg4: memref<1024x128xf32, #tpu.memory_space<vmem>>) attributes {dimension_semantics = [#tpu.dimension_semantics<arbitrary>], iteration_bounds = array<i64: 10>, scalar_prefetch = 0 : i64, scratch_operands = 0 : i64, tpu.core_type = #tpu.core_type<tc>, window_params = [{transform_indices = @transform_0, window_bounds = array<i64: 1024, 128>}, {transform_indices = @transform_1, window_bounds = array<i64: 2, 1024>}, {pipeline_mode = #tpu.pipeline_mode<synchronous>, transform_indices = @transform_2, window_bounds = array<i64: 128, 128>}, {transform_indices = @transform_3, window_bounds = array<i64: 1024, 128>}]} {
    %get3A = arith.constant 0 : index
    %get3A_0 = arith.constant 0 : index
    %get3A_1 = vector.load %arg2[%get3A, %get3A_0] : memref<2x1024xf32, #tpu.memory_space<vmem>>, vector<1x1024xf32>
    %get3A_2 = vector.shape_cast %get3A_1 : vector<1x1024xf32> to vector<1024xf32>
    %get3A_3 = arith.constant 1 : index
    %get3A_4 = arith.constant 0 : index
    %get3A_5 = vector.load %arg2[%get3A_3, %get3A_4] : memref<2x1024xf32, #tpu.memory_space<vmem>>, vector<1x1024xf32>
    %get3A_6 = vector.shape_cast %get3A_5 : vector<1x1024xf32> to vector<1024xf32>
    %add3A = arith.addf %get3A_2, %get3A_6 : vector<1024xf32>
    %gt3A = arith.constant 0.000000e+00 : f32
    %gt3A_7 = vector.broadcast %gt3A : f32 to vector<1024xf32>
    %gt3A_8 = arith.cmpf ogt, %add3A, %gt3A_7 : vector<1024xf32>
    %max3A = arith.constant 9.99999996E-13 : f32
    %max3A_9 = vector.broadcast %max3A : f32 to vector<1024xf32>
    %max3A_10 = arith.maximumf %add3A, %max3A_9 : vector<1024xf32>
    %rsqrt3A = math.rsqrt %max3A_10 : vector<1024xf32>
    %jit3A = arith.constant 0.000000e+00 : f32
    %broadcast_in_dim3A = vector.broadcast %jit3A : f32 to vector<1024xf32>
    %select_n3A = arith.select %gt3A_8, %rsqrt3A, %broadcast_in_dim3A : vector<1024xi1>, vector<1024xf32>
    %get3A_11 = arith.constant 0 : index
    %get3A_12 = arith.constant 0 : index
    %get3A_13 = vector.load %arg1[%get3A_11, %get3A_12] : memref<1024x128xf32, #tpu.memory_space<vmem>>, vector<1024x128xf32>
    %get3A_14 = arith.constant 0 : index
    %get3A_15 = arith.constant 0 : index
    %get3A_16 = vector.load %arg3[%get3A_14, %get3A_15] : memref<128x128xf32, #tpu.memory_space<vmem>>, vector<128x128xf32>
    %dot_general3A = arith.constant dense<0.000000e+00> : vector<1024x128xf32>
    %dot_general3A_17 = tpu.matmul %get3A_13, %get3A_16, %dot_general3A {dimension_numbers = #tpu.dot_dimension_numbers<[1], [0], [0], [1], [0, 0, 1, 1], [], []>, transpose_lhs_hint = false} : vector<1024x128xf32>, vector<128x128xf32>, vector<1024x128xf32> -> vector<1024x128xf32>
    %broadcast_in_dim3A_18 = vector.shape_cast %select_n3A : vector<1024xf32> to vector<1024x1xf32>
    %mul3A = vector.broadcast %broadcast_in_dim3A_18 : vector<1024x1xf32> to vector<1024x128xf32>
    %mul3A_19 = arith.mulf %dot_general3A_17, %mul3A : vector<1024x128xf32>
    %swap3A = arith.constant 0 : index
    %swap3A_20 = arith.constant 0 : index
    %swap3A_21 = vector.load %arg4[%swap3A, %swap3A_20] : memref<1024x128xf32, #tpu.memory_space<vmem>>, vector<1024x128xf32>
    tpu.vector_store %arg4[%swap3A, %swap3A_20], %mul3A_19 {strides = array<i32>} : memref<1024x128xf32, #tpu.memory_space<vmem>>, vector<1024x128xf32>,
    return
  }
  func.func @transform_0(%arg0: i32) -> (i32, i32) {
    %c0_i32 = arith.constant 0 : i32
    %c0_i32_0 = arith.constant 0 : i32
    return %arg0, %c0_i32 : i32, i32
  }
  func.func @transform_1(%arg0: i32) -> (i32, i32) {
    %c0_i32 = arith.constant 0 : i32
    %c0_i32_0 = arith.constant 0 : i32
    return %c0_i32, %arg0 : i32, i32
  }
  func.func @transform_2(%arg0: i32) -> (i32, i32) {
    %c0_i32 = arith.constant 0 : i32
    %c0_i32_0 = arith.constant 0 : i32
    %c0_i32_1 = arith.constant 0 : i32
    return %c0_i32, %c0_i32_0 : i32, i32
  }
  func.func @transform_3(%arg0: i32) -> (i32, i32) {
    %c0_i32 = arith.constant 0 : i32
    %c0_i32_0 = arith.constant 0 : i32
    return %arg0, %c0_i32 : i32, i32
  }
}

module attributes {stable_mosaic.version = 14 : i64} {
  func.func @_mid_body(%arg0: i32, %arg1: memref<2x1024x128xf32, #tpu.memory_space<vmem>>, %arg2: memref<1024x128xf32, #tpu.memory_space<vmem>>, %arg3: memref<2x1024xf32, #tpu.memory_space<vmem>>, %arg4: memref<1x128xf32, #tpu.memory_space<vmem>>, %arg5: memref<128x128xf32, #tpu.memory_space<vmem>>, %arg6: memref<1024x128xf32, #tpu.memory_space<vmem>>) attributes {dimension_semantics = [#tpu.dimension_semantics<arbitrary>], iteration_bounds = array<i64: 10>, scalar_prefetch = 0 : i64, scratch_operands = 0 : i64, tpu.core_type = #tpu.core_type<tc>, window_params = [{transform_indices = @transform_0, window_bounds = array<i64: 2, 1024, 128>}, {transform_indices = @transform_1, window_bounds = array<i64: 1024, 128>}, {transform_indices = @transform_2, window_bounds = array<i64: 2, 1024>}, {pipeline_mode = #tpu.pipeline_mode<synchronous>, transform_indices = @transform_3, window_bounds = array<i64: 1, 128>}, {pipeline_mode = #tpu.pipeline_mode<synchronous>, transform_indices = @transform_4, window_bounds = array<i64: 128, 128>}, {transform_indices = @transform_5, window_bounds = array<i64: 1024, 128>}]} {
    %get3A = arith.constant 0 : index
    %get3A_0 = arith.constant 0 : index
    %get3A_1 = vector.load %arg3[%get3A, %get3A_0] : memref<2x1024xf32, #tpu.memory_space<vmem>>, vector<1x1024xf32>
    %get3A_2 = vector.shape_cast %get3A_1 : vector<1x1024xf32> to vector<1024xf32>
    %get3A_3 = arith.constant 1 : index
    %get3A_4 = arith.constant 0 : index
    %get3A_5 = vector.load %arg3[%get3A_3, %get3A_4] : memref<2x1024xf32, #tpu.memory_space<vmem>>, vector<1x1024xf32>
    %get3A_6 = vector.shape_cast %get3A_5 : vector<1x1024xf32> to vector<1024xf32>
    %add3A = arith.addf %get3A_2, %get3A_6 : vector<1024xf32>
    %gt3A = arith.constant 0.000000e+00 : f32
    %gt3A_7 = vector.broadcast %gt3A : f32 to vector<1024xf32>
    %gt3A_8 = arith.cmpf ogt, %add3A, %gt3A_7 : vector<1024xf32>
    %max3A = arith.constant 9.99999996E-13 : f32
    %max3A_9 = vector.broadcast %max3A : f32 to vector<1024xf32>
    %max3A_10 = arith.maximumf %add3A, %max3A_9 : vector<1024xf32>
    %rsqrt3A = math.rsqrt %max3A_10 : vector<1024xf32>
    %jit3A = arith.constant 0.000000e+00 : f32
    %broadcast_in_dim3A = vector.broadcast %jit3A : f32 to vector<1024xf32>
    %select_n3A = arith.select %gt3A_8, %rsqrt3A, %broadcast_in_dim3A : vector<1024xi1>, vector<1024xf32>
    %get3A_11 = arith.constant 0 : index
    %get3A_12 = arith.constant 0 : index
    %get3A_13 = arith.constant 0 : index
    %get3A_14 = vector.load %arg1[%get3A_11, %get3A_12, %get3A_13] : memref<2x1024x128xf32, #tpu.memory_space<vmem>>, vector<1x1024x128xf32>
    %get3A_15 = vector.shape_cast %get3A_14 : vector<1x1024x128xf32> to vector<1024x128xf32>
    %get3A_16 = arith.constant 1 : index
    %get3A_17 = arith.constant 0 : index
    %get3A_18 = arith.constant 0 : index
    %get3A_19 = vector.load %arg1[%get3A_16, %get3A_17, %get3A_18] : memref<2x1024x128xf32, #tpu.memory_space<vmem>>, vector<1x1024x128xf32>
    %get3A_20 = vector.shape_cast %get3A_19 : vector<1x1024x128xf32> to vector<1024x128xf32>
    %add3A_21 = arith.addf %get3A_15, %get3A_20 : vector<1024x128xf32>
    %get3A_22 = arith.constant 0 : index
    %get3A_23 = arith.constant 0 : index
    %get3A_24 = vector.load %arg2[%get3A_22, %get3A_23] : memref<1024x128xf32, #tpu.memory_space<vmem>>, vector<1024x128xf32>
    %add3A_25 = arith.addf %add3A_21, %get3A_24 : vector<1024x128xf32>
    %broadcast_in_dim3A_26 = vector.shape_cast %select_n3A : vector<1024xf32> to vector<1024x1xf32>
    %mul3A = vector.broadcast %broadcast_in_dim3A_26 : vector<1024x1xf32> to vector<1024x128xf32>
    %mul3A_27 = arith.mulf %add3A_25, %mul3A : vector<1024x128xf32>
    %get3A_28 = arith.constant 0 : index
    %get3A_29 = arith.constant 0 : index
    %get3A_30 = vector.load %arg4[%get3A_28, %get3A_29] : memref<1x128xf32, #tpu.memory_space<vmem>>, vector<1x128xf32>
    %add3A_31 = vector.broadcast %get3A_30 : vector<1x128xf32> to vector<1024x128xf32>
    %add3A_32 = arith.addf %mul3A_27, %add3A_31 : vector<1024x128xf32>
    %max3A_33 = arith.constant 0.000000e+00 : f32
    %max3A_34 = vector.broadcast %max3A_33 : f32 to vector<1024x128xf32>
    %max3A_35 = arith.maximumf %add3A_32, %max3A_34 : vector<1024x128xf32>
    %get3A_36 = arith.constant 0 : index
    %get3A_37 = arith.constant 0 : index
    %get3A_38 = vector.load %arg5[%get3A_36, %get3A_37] : memref<128x128xf32, #tpu.memory_space<vmem>>, vector<128x128xf32>
    %dot_general3A = arith.constant dense<0.000000e+00> : vector<1024x128xf32>
    %dot_general3A_39 = tpu.matmul %max3A_35, %get3A_38, %dot_general3A {dimension_numbers = #tpu.dot_dimension_numbers<[1], [0], [0], [1], [0, 0, 1, 1], [], []>, transpose_lhs_hint = false} : vector<1024x128xf32>, vector<128x128xf32>, vector<1024x128xf32> -> vector<1024x128xf32>
    %broadcast_in_dim3A_40 = vector.shape_cast %select_n3A : vector<1024xf32> to vector<1024x1xf32>
    %mul3A_41 = vector.broadcast %broadcast_in_dim3A_40 : vector<1024x1xf32> to vector<1024x128xf32>
    %mul3A_42 = arith.mulf %dot_general3A_39, %mul3A_41 : vector<1024x128xf32>
    %swap3A = arith.constant 0 : index
    %swap3A_43 = arith.constant 0 : index
    %swap3A_44 = vector.load %arg6[%swap3A, %swap3A_43] : memref<1024x128xf32, #tpu.memory_space<vmem>>, vector<1024x128xf32>
    tpu.vector_store %arg6[%swap3A, %swap3A_43], %mul3A_42 {strides = array<i32>} : memref<1024x128xf32, #tpu.memory_space<vmem>>, vector<1024x128xf32>,
    return
  }
  func.func @transform_0(%arg0: i32) -> (i32, i32, i32) {
    %c0_i32 = arith.constant 0 : i32
    %c0_i32_0 = arith.constant 0 : i32
    %c0_i32_1 = arith.constant 0 : i32
    return %c0_i32, %arg0, %c0_i32_0 : i32, i32, i32
  }
  func.func @transform_1(%arg0: i32) -> (i32, i32) {
    %c0_i32 = arith.constant 0 : i32
    %c0_i32_0 = arith.constant 0 : i32
    return %arg0, %c0_i32 : i32, i32
  }
  func.func @transform_2(%arg0: i32) -> (i32, i32) {
    %c0_i32 = arith.constant 0 : i32
    %c0_i32_0 = arith.constant 0 : i32
    return %c0_i32, %arg0 : i32, i32
  }
  func.func @transform_3(%arg0: i32) -> (i32, i32) {
    %c0_i32 = arith.constant 0 : i32
    %c0_i32_0 = arith.constant 0 : i32
    %c0_i32_1 = arith.constant 0 : i32
    return %c0_i32, %c0_i32_0 : i32, i32
  }
  func.func @transform_4(%arg0: i32) -> (i32, i32) {
    %c0_i32 = arith.constant 0 : i32
    %c0_i32_0 = arith.constant 0 : i32
    %c0_i32_1 = arith.constant 0 : i32
    return %c0_i32, %c0_i32_0 : i32, i32
  }
  func.func @transform_5(%arg0: i32) -> (i32, i32) {
    %c0_i32 = arith.constant 0 : i32
    %c0_i32_0 = arith.constant 0 : i32
    return %arg0, %c0_i32 : i32, i32
  }
}

module attributes {stable_mosaic.version = 14 : i64} {
  func.func @_head_body(%arg0: i32, %arg1: memref<2x1024x128xf32, #tpu.memory_space<vmem>>, %arg2: memref<1024x128xf32, #tpu.memory_space<vmem>>, %arg3: memref<2x1024xf32, #tpu.memory_space<vmem>>, %arg4: memref<1x128xf32, #tpu.memory_space<vmem>>, %arg5: memref<1x1x1024xi32, #tpu.memory_space<vmem>>, %arg6: memref<128x64xf32, #tpu.memory_space<vmem>>, %arg7: memref<1x64xf32, #tpu.memory_space<vmem>>, %arg8: memref<1x64xf32, #tpu.memory_space<vmem>>, %arg9: memref<1x1xf32, #tpu.memory_space<vmem>>, %arg10: memref<64x1xf32, #tpu.memory_space<vmem>>, %arg11: memref<64x128xf32, #tpu.memory_space<vmem>>, %arg12: memref<64x1xf32, #tpu.memory_space<vmem>>) attributes {dimension_semantics = [#tpu.dimension_semantics<arbitrary>], iteration_bounds = array<i64: 10>, scalar_prefetch = 0 : i64, scratch_operands = 2 : i64, tpu.core_type = #tpu.core_type<tc>, window_params = [{transform_indices = @transform_0, window_bounds = array<i64: 2, 1024, 128>}, {transform_indices = @transform_1, window_bounds = array<i64: 1024, 128>}, {transform_indices = @transform_2, window_bounds = array<i64: 2, 1024>}, {pipeline_mode = #tpu.pipeline_mode<synchronous>, transform_indices = @transform_3, window_bounds = array<i64: 1, 128>}, {transform_indices = @transform_4, window_bounds = array<i64: 1, 1, 1024>}, {pipeline_mode = #tpu.pipeline_mode<synchronous>, transform_indices = @transform_5, window_bounds = array<i64: 128, 64>}, {pipeline_mode = #tpu.pipeline_mode<synchronous>, transform_indices = @transform_6, window_bounds = array<i64: 1, 64>}, {pipeline_mode = #tpu.pipeline_mode<synchronous>, transform_indices = @transform_7, window_bounds = array<i64: 1, 64>}, {pipeline_mode = #tpu.pipeline_mode<synchronous>, transform_indices = @transform_8, window_bounds = array<i64: 1, 1>}, {pipeline_mode = #tpu.pipeline_mode<synchronous>, transform_indices = @transform_9, window_bounds = array<i64: 64, 1>}]} {
    %eq3A = arith.constant 0 : i32
    %eq3A_0 = arith.cmpi eq, %arg0, %eq3A : i32
    %convert_element_type3A = arith.extui %eq3A_0 : i1 to i32
    %cond3A = arith.constant 0 : i32
    %cond3A_1 = arith.cmpi ne, %convert_element_type3A, %cond3A : i32
    scf.if %cond3A_1 {
      %broadcast_in_dim3A_66 = arith.constant 0.000000e+00 : f32
      %broadcast_in_dim3A_67 = vector.broadcast %broadcast_in_dim3A_66 : f32 to vector<64x128xf32>
      %swap3A_68 = arith.constant 0 : index
      %swap3A_69 = arith.constant 0 : index
      %swap3A_70 = vector.load %arg11[%swap3A_68, %swap3A_69] : memref<64x128xf32, #tpu.memory_space<vmem>>, vector<64x128xf32>
      tpu.vector_store %arg11[%swap3A_68, %swap3A_69], %broadcast_in_dim3A_67 {strides = array<i32>} : memref<64x128xf32, #tpu.memory_space<vmem>>, vector<64x128xf32>,
      %broadcast_in_dim3A_71 = arith.constant 0.000000e+00 : f32
      %broadcast_in_dim3A_72 = vector.broadcast %broadcast_in_dim3A_71 : f32 to vector<64x1xf32>
      %swap3A_73 = arith.constant 0 : index
      %swap3A_74 = arith.constant 0 : index
      %swap3A_75 = vector.load %arg12[%swap3A_73, %swap3A_74] : memref<64x1xf32, #tpu.memory_space<vmem>>, vector<64x1xf32>
      tpu.vector_store %arg12[%swap3A_73, %swap3A_74], %broadcast_in_dim3A_72 {strides = array<i32>} : memref<64x1xf32, #tpu.memory_space<vmem>>, vector<64x1xf32>,
    } else {
    }
    %get3A = arith.constant 0 : index
    %get3A_2 = arith.constant 0 : index
    %get3A_3 = vector.load %arg3[%get3A, %get3A_2] : memref<2x1024xf32, #tpu.memory_space<vmem>>, vector<1x1024xf32>
    %get3A_4 = vector.shape_cast %get3A_3 : vector<1x1024xf32> to vector<1024xf32>
    %get3A_5 = arith.constant 1 : index
    %get3A_6 = arith.constant 0 : index
    %get3A_7 = vector.load %arg3[%get3A_5, %get3A_6] : memref<2x1024xf32, #tpu.memory_space<vmem>>, vector<1x1024xf32>
    %get3A_8 = vector.shape_cast %get3A_7 : vector<1x1024xf32> to vector<1024xf32>
    %add3A = arith.addf %get3A_4, %get3A_8 : vector<1024xf32>
    %gt3A = arith.constant 0.000000e+00 : f32
    %gt3A_9 = vector.broadcast %gt3A : f32 to vector<1024xf32>
    %gt3A_10 = arith.cmpf ogt, %add3A, %gt3A_9 : vector<1024xf32>
    %max3A = arith.constant 9.99999996E-13 : f32
    %max3A_11 = vector.broadcast %max3A : f32 to vector<1024xf32>
    %max3A_12 = arith.maximumf %add3A, %max3A_11 : vector<1024xf32>
    %rsqrt3A = math.rsqrt %max3A_12 : vector<1024xf32>
    %jit3A = arith.constant 0.000000e+00 : f32
    %broadcast_in_dim3A = vector.broadcast %jit3A : f32 to vector<1024xf32>
    %select_n3A = arith.select %gt3A_10, %rsqrt3A, %broadcast_in_dim3A : vector<1024xi1>, vector<1024xf32>
    %get3A_13 = arith.constant 0 : index
    %get3A_14 = arith.constant 0 : index
    %get3A_15 = arith.constant 0 : index
    %get3A_16 = vector.load %arg1[%get3A_13, %get3A_14, %get3A_15] : memref<2x1024x128xf32, #tpu.memory_space<vmem>>, vector<1x1024x128xf32>
    %get3A_17 = vector.shape_cast %get3A_16 : vector<1x1024x128xf32> to vector<1024x128xf32>
    %get3A_18 = arith.constant 1 : index
    %get3A_19 = arith.constant 0 : index
    %get3A_20 = arith.constant 0 : index
    %get3A_21 = vector.load %arg1[%get3A_18, %get3A_19, %get3A_20] : memref<2x1024x128xf32, #tpu.memory_space<vmem>>, vector<1x1024x128xf32>
    %get3A_22 = vector.shape_cast %get3A_21 : vector<1x1024x128xf32> to vector<1024x128xf32>
    %add3A_23 = arith.addf %get3A_17, %get3A_22 : vector<1024x128xf32>
    %get3A_24 = arith.constant 0 : index
    %get3A_25 = arith.constant 0 : index
    %get3A_26 = vector.load %arg2[%get3A_24, %get3A_25] : memref<1024x128xf32, #tpu.memory_space<vmem>>, vector<1024x128xf32>
    %add3A_27 = arith.addf %add3A_23, %get3A_26 : vector<1024x128xf32>
    %broadcast_in_dim3A_28 = vector.shape_cast %select_n3A : vector<1024xf32> to vector<1024x1xf32>
    %mul3A = vector.broadcast %broadcast_in_dim3A_28 : vector<1024x1xf32> to vector<1024x128xf32>
    %mul3A_29 = arith.mulf %add3A_27, %mul3A : vector<1024x128xf32>
    %get3A_30 = arith.constant 0 : index
    %get3A_31 = arith.constant 0 : index
    %get3A_32 = vector.load %arg4[%get3A_30, %get3A_31] : memref<1x128xf32, #tpu.memory_space<vmem>>, vector<1x128xf32>
    %add3A_33 = vector.broadcast %get3A_32 : vector<1x128xf32> to vector<1024x128xf32>
    %add3A_34 = arith.addf %mul3A_29, %add3A_33 : vector<1024x128xf32>
    %get3A_35 = arith.constant 0 : index
    %get3A_36 = arith.constant 0 : index
    %get3A_37 = arith.constant 0 : index
    %get3A_38 = vector.load %arg5[%get3A_35, %get3A_36, %get3A_37] : memref<1x1x1024xi32, #tpu.memory_space<vmem>>, vector<1x1x1024xi32>
    %get3A_39 = vector.shape_cast %get3A_38 : vector<1x1x1024xi32> to vector<1024xi32>
    %iota3A = tpu.iota {dimensions = array<i32: 0>} : vector<64x1024xi32>
    %broadcast_in_dim3A_40 = vector.shape_cast %get3A_39 : vector<1024xi32> to vector<1x1024xi32>
    %eq3A_41 = vector.broadcast %broadcast_in_dim3A_40 : vector<1x1024xi32> to vector<64x1024xi32>
    %eq3A_42 = arith.cmpi eq, %iota3A, %eq3A_41 : vector<64x1024xi32>
    %convert_element_type3A_43 = arith.extui %eq3A_42 : vector<64x1024xi1> to vector<64x1024xi32>
    %convert_element_type3A_44 = arith.sitofp %convert_element_type3A_43 : vector<64x1024xi32> to vector<64x1024xf32>
    %get3A_45 = arith.constant 0 : index
    %get3A_46 = arith.constant 0 : index
    %get3A_47 = vector.load %arg11[%get3A_45, %get3A_46] : memref<64x128xf32, #tpu.memory_space<vmem>>, vector<64x128xf32>
    %dot_general3A = arith.constant dense<0.000000e+00> : vector<64x128xf32>
    %dot_general3A_48 = tpu.matmul %convert_element_type3A_44, %add3A_34, %dot_general3A {dimension_numbers = #tpu.dot_dimension_numbers<[1], [0], [0], [1], [0, 0, 1, 1], [], []>, transpose_lhs_hint = false} : vector<64x1024xf32>, vector<1024x128xf32>, vector<64x128xf32> -> vector<64x128xf32>
    %add3A_49 = arith.addf %get3A_47, %dot_general3A_48 : vector<64x128xf32>
    %swap3A = arith.constant 0 : index
    %swap3A_50 = arith.constant 0 : index
    %swap3A_51 = vector.load %arg11[%swap3A, %swap3A_50] : memref<64x128xf32, #tpu.memory_space<vmem>>, vector<64x128xf32>
    tpu.vector_store %arg11[%swap3A, %swap3A_50], %add3A_49 {strides = array<i32>} : memref<64x128xf32, #tpu.memory_space<vmem>>, vector<64x128xf32>,
    %get3A_52 = arith.constant 0 : index
    %get3A_53 = arith.constant 0 : index
    %get3A_54 = vector.load %arg12[%get3A_52, %get3A_53] : memref<64x1xf32, #tpu.memory_space<vmem>>, vector<64x1xf32>
    %reduce_sum3A = arith.constant dense<0.000000e+00> : vector<64xf32>
    %reduce_sum3A_55 = vector.multi_reduction <add>, %convert_element_type3A_44, %reduce_sum3A [1] : vector<64x1024xf32> to vector<64xf32>
    %broadcast_in_dim3A_56 = vector.shape_cast %reduce_sum3A_55 : vector<64xf32> to vector<64x1xf32>
    %add3A_57 = arith.addf %get3A_54, %broadcast_in_dim3A_56 : vector<64x1xf32>
    %swap3A_58 = arith.constant 0 : index
    %swap3A_59 = arith.constant 0 : index
    %swap3A_60 = vector.load %arg12[%swap3A_58, %swap3A_59] : memref<64x1xf32, #tpu.memory_space<vmem>>, vector<64x1xf32>
    tpu.vector_store %arg12[%swap3A_58, %swap3A_59], %add3A_57 {strides = array<i32>} : memref<64x1xf32, #tpu.memory_space<vmem>>, vector<64x1xf32>,
    %eq3A_61 = arith.constant 9 : i32
    %eq3A_62 = arith.cmpi eq, %arg0, %eq3A_61 : i32
    %convert_element_type3A_63 = arith.extui %eq3A_62 : i1 to i32
    %cond3A_64 = arith.constant 0 : i32
    %cond3A_65 = arith.cmpi ne, %convert_element_type3A_63, %cond3A_64 : i32
    scf.if %cond3A_65 {
      %get3A_66 = arith.constant 0 : index
      %get3A_67 = arith.constant 0 : index
      %get3A_68 = vector.load %arg11[%get3A_66, %get3A_67] : memref<64x128xf32, #tpu.memory_space<vmem>>, vector<64x128xf32>
      %get3A_69 = arith.constant 0 : index
      %get3A_70 = arith.constant 0 : index
      %get3A_71 = vector.load %arg12[%get3A_69, %get3A_70] : memref<64x1xf32, #tpu.memory_space<vmem>>, vector<64x1xf32>
      %max3A_72 = arith.constant 1.000000e+00 : f32
      %max3A_73 = vector.broadcast %max3A_72 : f32 to vector<64x1xf32>
      %max3A_74 = arith.maximumf %get3A_71, %max3A_73 : vector<64x1xf32>
      %div3A = vector.broadcast %max3A_74 : vector<64x1xf32> to vector<64x128xf32>
      %div3A_75 = arith.divf %get3A_68, %div3A : vector<64x128xf32>
      %get3A_76 = arith.constant 0 : index
      %get3A_77 = arith.constant 0 : index
      %get3A_78 = vector.load %arg6[%get3A_76, %get3A_77] : memref<128x64xf32, #tpu.memory_space<vmem>>, vector<128x64xf32>
      %dot_general3A_79 = arith.constant dense<0.000000e+00> : vector<64x64xf32>
      %dot_general3A_80 = tpu.matmul %div3A_75, %get3A_78, %dot_general3A_79 {dimension_numbers = #tpu.dot_dimension_numbers<[1], [0], [0], [1], [0, 0, 1, 1], [], []>, transpose_lhs_hint = false} : vector<64x128xf32>, vector<128x64xf32>, vector<64x64xf32> -> vector<64x64xf32>
      %get3A_81 = arith.constant 0 : index
      %get3A_82 = arith.constant 0 : index
      %get3A_83 = vector.load %arg7[%get3A_81, %get3A_82] : memref<1x64xf32, #tpu.memory_space<vmem>>, vector<1x64xf32>
      %add3A_84 = vector.broadcast %get3A_83 : vector<1x64xf32> to vector<64x64xf32>
      %add3A_85 = arith.addf %dot_general3A_80, %add3A_84 : vector<64x64xf32>
      %max3A_86 = arith.constant 0.000000e+00 : f32
      %max3A_87 = vector.broadcast %max3A_86 : f32 to vector<64x64xf32>
      %max3A_88 = arith.maximumf %add3A_85, %max3A_87 : vector<64x64xf32>
      %get3A_89 = arith.constant 0 : index
      %get3A_90 = arith.constant 0 : index
      %get3A_91 = vector.load %arg8[%get3A_89, %get3A_90] : memref<1x64xf32, #tpu.memory_space<vmem>>, vector<1x64xf32>
      %mul3A_92 = vector.broadcast %get3A_91 : vector<1x64xf32> to vector<64x64xf32>
      %mul3A_93 = arith.mulf %max3A_88, %mul3A_92 : vector<64x64xf32>
      %reduce_sum3A_94 = arith.constant dense<0.000000e+00> : vector<64xf32>
      %reduce_sum3A_95 = vector.multi_reduction <add>, %mul3A_93, %reduce_sum3A_94 [1] : vector<64x64xf32> to vector<64xf32>
      %broadcast_in_dim3A_96 = vector.shape_cast %reduce_sum3A_95 : vector<64xf32> to vector<64x1xf32>
      %get3A_97 = arith.constant 0 : index
      %get3A_98 = arith.constant 0 : index
      %get3A_99 = vector.load %arg9[%get3A_97, %get3A_98] : memref<1x1xf32, #tpu.memory_space<vmem>>, vector<1x1xf32>
      %add3A_100 = vector.broadcast %get3A_99 : vector<1x1xf32> to vector<64x1xf32>
      %add3A_101 = arith.addf %broadcast_in_dim3A_96, %add3A_100 : vector<64x1xf32>
      %neg3A = arith.constant 0.000000e+00 : f32
      %neg3A_102 = vector.broadcast %neg3A : f32 to vector<64x1xf32>
      %neg3A_103 = arith.subf %neg3A_102, %add3A_101 : vector<64x1xf32>
      %exp3A = math.exp %neg3A_103 : vector<64x1xf32>
      %add3A_104 = arith.constant 1.000000e+00 : f32
      %add3A_105 = vector.broadcast %add3A_104 : f32 to vector<64x1xf32>
      %add3A_106 = arith.addf %add3A_105, %exp3A : vector<64x1xf32>
      %div3A_107 = arith.constant 1.000000e+00 : f32
      %div3A_108 = vector.broadcast %div3A_107 : f32 to vector<64x1xf32>
      %div3A_109 = arith.divf %div3A_108, %add3A_106 : vector<64x1xf32>
      %swap3A_110 = arith.constant 0 : index
      %swap3A_111 = arith.constant 0 : index
      %swap3A_112 = vector.load %arg10[%swap3A_110, %swap3A_111] : memref<64x1xf32, #tpu.memory_space<vmem>>, vector<64x1xf32>
      tpu.vector_store %arg10[%swap3A_110, %swap3A_111], %div3A_109 {strides = array<i32>} : memref<64x1xf32, #tpu.memory_space<vmem>>, vector<64x1xf32>,
    } else {
    }
    return
  }
  func.func @transform_0(%arg0: i32) -> (i32, i32, i32) {
    %c0_i32 = arith.constant 0 : i32
    %c0_i32_0 = arith.constant 0 : i32
    %c0_i32_1 = arith.constant 0 : i32
    return %c0_i32, %arg0, %c0_i32_0 : i32, i32, i32
  }
  func.func @transform_1(%arg0: i32) -> (i32, i32) {
    %c0_i32 = arith.constant 0 : i32
    %c0_i32_0 = arith.constant 0 : i32
    return %arg0, %c0_i32 : i32, i32
  }
  func.func @transform_2(%arg0: i32) -> (i32, i32) {
    %c0_i32 = arith.constant 0 : i32
    %c0_i32_0 = arith.constant 0 : i32
    return %c0_i32, %arg0 : i32, i32
  }
  func.func @transform_3(%arg0: i32) -> (i32, i32) {
    %c0_i32 = arith.constant 0 : i32
    %c0_i32_0 = arith.constant 0 : i32
    %c0_i32_1 = arith.constant 0 : i32
    return %c0_i32, %c0_i32_0 : i32, i32
  }
  func.func @transform_4(%arg0: i32) -> (i32, i32, i32) {
    %c0_i32 = arith.constant 0 : i32
    %c0_i32_0 = arith.constant 0 : i32
    %c0_i32_1 = arith.constant 0 : i32
    return %arg0, %c0_i32, %c0_i32_0 : i32, i32, i32
  }
  func.func @transform_5(%arg0: i32) -> (i32, i32) {
    %c0_i32 = arith.constant 0 : i32
    %c0_i32_0 = arith.constant 0 : i32
    %c0_i32_1 = arith.constant 0 : i32
    return %c0_i32, %c0_i32_0 : i32, i32
  }
  func.func @transform_6(%arg0: i32) -> (i32, i32) {
    %c0_i32 = arith.constant 0 : i32
    %c0_i32_0 = arith.constant 0 : i32
    %c0_i32_1 = arith.constant 0 : i32
    return %c0_i32, %c0_i32_0 : i32, i32
  }
  func.func @transform_7(%arg0: i32) -> (i32, i32) {
    %c0_i32 = arith.constant 0 : i32
    %c0_i32_0 = arith.constant 0 : i32
    %c0_i32_1 = arith.constant 0 : i32
    return %c0_i32, %c0_i32_0 : i32, i32
  }
  func.func @transform_8(%arg0: i32) -> (i32, i32) {
    %c0_i32 = arith.constant 0 : i32
    %c0_i32_0 = arith.constant 0 : i32
    %c0_i32_1 = arith.constant 0 : i32
    return %c0_i32, %c0_i32_0 : i32, i32
  }
  func.func @transform_9(%arg0: i32) -> (i32, i32) {
    %c0_i32 = arith.constant 0 : i32
    %c0_i32_0 = arith.constant 0 : i32
    %c0_i32_1 = arith.constant 0 : i32
    return %c0_i32, %c0_i32_0 : i32, i32
  }
}

</mosaic_0001>

<sc_bundles>
// kernel: kernel.11.cloned.1.call-start
scs
__scs_entry_jumppad:
0x0: {  	(pc) =	sbr.rel $0x88, $3  }
0x1: {  	(tag) =	ssettag $0x0;
	lr =	simm.s32 $0x1  }
0x2: {  	[smem:$0x3F96] =	sst lr;
	_ =	strace $0xD0000000  }
0x3: {  	_ = 	snop  }
0x4: {  	_ = 	snop  }
0x5: {  	_ = 	snop  }
0x6: {  	_ = 	snop  }
0x7: {  	_ = 	snop  }
__scs_overlays_trampoline_lowered:
0x8: {  	[smem:$0x3FA5] =	sst s0  }
0x9: {  	[smem:$0x3FA6] =	sst s1  }
0xa: {  	[smem:$0x3FA7] =	sst s2  }
0xb: {  	[smem:$0x3FA8] =	sst s3  }
0xc: {  	[smem:$0x3FA9] =	sst s4  }
0xd: {  	[smem:$0x3FAA] =	sst s5  }
0xe: {  	[smem:$0x3FAB] =	sst s6  }
0xf: {  	[smem:$0x3FAC] =	sst s7  }
0x10: {  	[smem:$0x3FAD] =	sst s8  }
0x11: {  	[smem:$0x3FAE] =	sst s9;
	s0 =	simm.s32 @!p0 $0x0  }
0x12: {  	s1 =	sld [smem:$0x3F94];
	s0 =	simm.s32 @p0 $0x1  }
0x13: {  	[smem:$0x3FAF] =	sst s0;
	s0 =	simm.s32 @!p1 $0x0  }
0x14: {  	s2 =	sld [smem:$0x3F93];
	s0 =	simm.s32 @p1 $0x1  }
0x15: {  	[smem:$0x3FB0] =	sst s0;
	s0 =	simm.s32 @!p2 $0x0  }
0x16: {  	s3 =	sld [smem:$0x3FDB];
	s0 =	simm.s32 @p2 $0x1  }
0x17: {  	s4 =	simm.s32 $0x1BF5;
	[smem:$0x3FB2] =	sst s0  }
0x18: {  	s0 =	sld [smem:$0x3F95];
	_ =	swait.ge [sflag:s4], $0x0  }
0x19: {  	s7 =	sld [smem:$0x3F96]  }
0x1a: {  	s8 =	sadd.s32 $0xFFFFE003, lr  }
0x1b: {  	s9 =	sadd.s32 $0xFFFFFEF7, lr;
	s5 =	simm.s32 $0xFFFFFFFF;
	p2 =	slt.u32 s8, $0xFFFFF086  }
0x1c: {  	p1 =	slt.u32 s9, $0xF7A;
	s5 =	simm.s32 @!p2 $0x0  }
0x1d: {  	s5 =	simm.s32 @p1 $0x1;
	p0 =	seq.s32 s7, s2  }
0x1e: {  	s7 =	smul.u32 @!p0 $0xF7A, s2;
	p2 =	seq.s32 @!p0 s5, $0x0  }
0x1f: {  	s9 =	smul.u32 $0xF7A, s1;
	s8 =	simm.s32 @!p0 $0x1BF5;
	p2 =	por !p2, p0  }
0x20: {  	[sflag:s8] =	ssyncset.s32 @!p0 $0xFFFFF086;
	s6 =	sadd.s32 @!p0 s3, s7;
	s7 =	simm.s32 @!p0 $0x108  }
0x21: {  	s3 =	sadd.s32 s3, s9;
	s6 =	sadd.s32 @!p0 $0x88, s6;
	s7 =	simm.s32 @p2 $0x1082  }
0x22: {  	[simem:s7], [sflag:s8] =	dma.local @!p0 [hbm:s6], $0xF7A  }
0x23: {  	s9 =	sor.u32 $0xD0000000, s2;
	s6 =	simm.s32 $0x108;
	_ =	swait.ge @!p0 [sflag:s8], $0x0  }
0x24: {  	s3 =	sadd.s32 $0x88, s3;
	s6 =	simm.s32 @!p1 $0x1082;
	[sflag:s4] =	ssyncset.s32 $0xFFFFF086  }
0x25: {  	[simem:s6], [sflag:s4] =	dma.local [hbm:s3], $0xF7A  }
0x26: {  	[smem:$0x3F96] =	sst s1;
	(tag) =	ssettag s2;
	_ =	strace s9  }
0x27: {  	s1 =	sld [smem:$0x3FA6]  }
0x28: {  	s2 =	sld [smem:$0x3FA7]  }
0x29: {  	s4 =	sld [smem:$0x3FA9]  }
0x2a: {  	p0 =	seq.s32 s5, $0x0;
	s5 =	sld [smem:$0x3FAA]  }
0x2b: {  	s6 =	sld [smem:$0x3FAB]  }
0x2c: {  	s7 =	sld [smem:$0x3FAC]  }
0x2d: {  	s3 =	simm.s32 $0x108;
	s8 =	sld [smem:$0x3FAD]  }
0x2e: {  	s3 =	simm.s32 @!p0 $0x1082;
	s9 =	sld [smem:$0x3FAE]  }
0x2f: {  	lr =	sadd.s32 s0, s3;
	s0 =	sld [smem:$0x3FA5]  }
0x30: {  	s3 =	sld [smem:$0x3FA8]  }
0x31: {  	[smem:$0x3FB1] =	sst s10  }
0x32: {  	s10 =	sld [smem:$0x3FAF];
	_ =	sdelay $0x3  }
0x33: {  	p0 =	seq.s32 s10, $0x1;
	s10 =	sld [smem:$0x3FB1];
	_ =	sdelay $0x3  }
0x34: {  	[smem:$0x3FB1] =	sst s10  }
0x35: {  	s10 =	sld [smem:$0x3FB0];
	_ =	sdelay $0x3  }
0x36: {  	p1 =	seq.s32 s10, $0x1;
	s10 =	sld [smem:$0x3FB1];
	_ =	sdelay $0x3  }
0x37: {  	[smem:$0x3FB1] =	sst s10  }
0x38: {  	s10 =	sld [smem:$0x3FB2]  }
0x39: {  	_ = 	snop;
	(pc) =	sbr.ind lr, $3  }
0x3a: {  	_ = 	snop  }
0x3b: {  	_ = 	snop  }
0x3c: {  	p2 =	seq.s32 s10, $0x1;
	s10 =	sld [smem:$0x3FB1]  }
0x3d: {  	_ =	shalt  }
0x3e: {  	_ =	shalt  }
0x3f: {  	_ =	shalt  }
0x40: {  	_ =	shalt  }
0x41: {  	_ =	shalt  }
0x42: {  	_ =	shalt  }
0x43: {  	_ =	shalt  }
0x44: {  	_ =	shalt  }
0x45: {  	_ =	shalt  }
0x46: {  	_ =	shalt  }
0x47: {  	_ =	shalt  }
0x48: {  	_ =	shalt  }
0x49: {  	_ =	shalt  }
0x4a: {  	_ =	shalt  }
0x4b: {  	_ =	shalt  }
0x4c: {  	_ =	shalt  }
0x4d: {  	_ =	shalt  }
0x4e: {  	_ =	shalt  }
0x4f: {  	_ =	shalt  }
0x50: {  	_ =	shalt  }
0x51: {  	_ =	shalt  }
0x52: {  	_ =	shalt  }
0x53: {  	_ =	shalt  }
0x54: {  	_ =	shalt  }
0x55: {  	_ =	shalt  }
0x56: {  	_ =	shalt  }
0x57: {  	_ =	shalt  }
0x58: {  	_ =	shalt  }
0x59: {  	_ =	shalt  }
0x5a: {  	_ =	shalt  }
0x5b: {  	_ =	shalt  }
0x5c: {  	_ =	shalt  }
0x5d: {  	_ =	shalt  }
0x5e: {  	_ =	shalt  }
0x5f: {  	_ =	shalt  }
0x60: {  	_ =	shalt  }
0x61: {  	_ =	shalt  }
0x62: {  	_ =	shalt  }
0x63: {  	_ =	shalt  }
0x64: {  	_ =	shalt  }
0x65: {  	_ =	shalt  }
0x66: {  	_ =	shalt  }
0x67: {  	_ =	shalt  }
0x68: {  	_ =	shalt  }
0x69: {  	_ =	shalt  }
0x6a: {  	_ =	shalt  }
0x6b: {  	_ =	shalt  }
0x6c: {  	_ =	shalt  }
0x6d: {  	_ =	shalt  }
0x6e: {  	_ =	shalt  }
0x6f: {  	_ =	shalt  }
0x70: {  	_ =	shalt  }
0x71: {  	_ =	shalt  }
0x72: {  	_ =	shalt  }
0x73: {  	_ =	shalt  }
0x74: {  	_ =	shalt  }
0x75: {  	_ =	shalt  }
0x76: {  	_ =	shalt  }
0x77: {  	_ =	shalt  }
0x78: {  	_ =	shalt  }
0x79: {  	_ =	shalt  }
0x7a: {  	_ =	shalt  }
0x7b: {  	_ =	shalt  }
0x7c: {  	_ =	shalt  }
0x7d: {  	_ =	shalt  }
0x7e: {  	_ =	shalt  }
0x7f: {  	_ =	shalt  }
0x80: {  	_ =	shalt  }
0x81: {  	_ =	shalt  }
0x82: {  	_ =	shalt  }
0x83: {  	_ =	shalt  }
0x84: {  	_ =	shalt  }
0x85: {  	_ =	shalt  }
0x86: {  	_ =	shalt  }
0x87: {  	_ =	shalt  }
.Lfunc_end0:
.L_simem_size_0:
called_computation.1_lowered:
.L_overlay_start_0:
0x88: {  	s2 =	sld [smem:$0x3FD9]  }
0x89: {  	s3 =	sld [smem:$0x3FFE];
	_ =	sdelay $0x1  }
0x8a: {  	s1 =	srdreg.scid  }
0x8b: {  	s0 =	sand.u32 $0x1, s1  }
0x8c: {  	s16 =	sshll.u32 s0, $0xA;
	s2 =	sadd.s32 s3, s2  }
0x8d: {  	s2 =	sadd.s32 s2, s16  }
0x8e: {  	[smem:$0x3FBD] =	sst s2  }
0x8f: {  	_ = 	snop  }
0x90: {  	(tm) =	ssettm $0x1  }
0x91: {  	s17 =	sld [smem:$0x3FFB];
	_ =	sdelay $0x3  }
0x92: {  	_ =	strace s17  }
0x93: {  	s2 =	sld [smem:$0x3FFC];
	_ =	sdelay $0x3  }
0x94: {  	_ =	strace s2  }
0x95: {  	s2 =	sld [smem:$0x3FFD];
	_ =	sdelay $0x3  }
0x96: {  	_ =	strace s2  }
0x97: {  	_ =	strace $0x8FFFFFFF  }
0x98: {  	s18 =	sld [smem:$0x3FDB];
	_ =	sdelay $0x1  }
0x99: {  	s19 =	simm.s32 $_scs_section_size  }
0x9a: {  	s4 =	simm.s32 $_size__tile_overlayer_lowered;
	s5 =	simm.s32 $_tile_overlayer_lowered  }
0x9b: {  	s22 =	simm.s32 $0x1BFF;
	s21 =	sshll.u32 s5, $0x1;
	s2 =	sadd.s32 s19, s18  }
0x9c: {  	s6 =	simm.s32 $0x0;
	s20 =	sshll.u32 s4, $0x1;
	s4 =	sadd.s32 s21, s2  }
0x9d: {  	[timem:s6], [sflag:s22] =	dma.local [hbm:s4], s20  }
0x9e: {  	_ =	swait.ge [sflag:s22], s20  }
0x9f: {  	s3 =	ssub.s32 $0x0, s20;
	[sflag:s22] =	ssyncset.done $0x0  }
0xa0: {  	[sflag:s22] =	ssyncadd.s32 s3;
	_ =	sdelay $0x1  }
0xa1: {  	s23 =	simm.s32 $0x1B8B  }
0xa2: {  	_ =	swait.ge [sflag:s23], $0x1  }
0xa3: {  	[sflag:s23] =	ssyncset.done $0x0  }
0xa4: {  	s25 =	simm.s32 $0x1B8E;
	s24 =	sld [smem:$0x3FFE];
	[sflag:s23] =	ssyncadd.s32 $0xFFFFFFFF  }
0xa5: {  	s26 =	simm.s32 $execute0_lowered;
	[smem:$0x3FD2] =	sst s25  }
0xa6: {  	s4 =	sshll.u32 s26, $0x1;
	_ =	strace $0x80000049;
	[dreg:$0x1] =	wrdreg $0xFFFFFFFF  }
0xa7: {  	s28 =	simm.s32 $_size_execute0_lowered;
	s2 =	sadd.s32 s2, s4;
	[dreg:$0x0] =	wrdreg $0x0  }
0xa8: {  	s4 =	sshll.u32 s28, $0x1;
	[dreg:$0x2] =	wrdreg s2  }
0xa9: {  	[dreg:$0x3] =	wrdreg s4  }
0xaa: {  	[dreg:$0x4] =	wrdreg $0xC0  }
0xab: {  	_ =	task [dreg:s6], $0x5FFFF  }
0xac: {  	[dreg:$0x1] =	wrdreg $0xFFFFFFFF  }
0xad: {  	[dreg:$0x0] =	wrdreg $0x60  }
0xae: {  	[dreg:$0x2] =	wrdreg s24  }
0xaf: {  	[dreg:$0x3] =	wrdreg $0xAE800  }
0xb0: {  	[dreg:$0x4] =	wrdreg $0x9  }
0xb1: {  	_ =	task.clear_ibuf [dreg:s6], $0x5FFFF;
	_ =	strace $0x90000049  }
0xb2: {  	s29 =	simm.s32 $0x9;
	_ =	strace $0x8000004B  }
0xb3: {  	_ =	swait.ge [sflag:s29], $0x1  }
0xb4: {  	[sflag:s29] =	ssyncadd.s32 $0xFFFFFFFF  }
0xb5: {  	_ =	strace $0x9000004B  }
0xb6: {  	_ =	sfence  }
0xb7: {  	s30 =	sld [smem:$0x0];
	_ =	sdelay $0x2  }
0xb8: {  	s31 =	sshll.u32 s1, $0xD;
	s1 =	sshrl.u32 s1, $0x2  }
0xb9: {  	s3 =	sand.u32 $0x4000, s31;
	s1 =	sadd.s32 s1, s30  }
0xba: {  	s0 =	sor.u32 s3, s0;
	s1 =	sshll.u32 s1, $0x11  }
0xbb: {  	s0 =	sor.u32 s1, s0  }
0xbc: {  	s0 =	sadd.s32 $0x8F2B, s0  }
0xbd: {  	[sflag:s0] =	ssyncadd.remote.s32 $0x1  }
0xbe: {  	_ =	sfence.sel $0xFFFF  }
0xbf: {  	[dreg:$0x0] =	wrdreg $0xFFFFFFFF;
	(pc) =	sbr.abs _section_cstart, $3  }
0xc0: {  	[dreg:$0x1] =	wrdreg $0xFFFFFFFF  }
0xc1: {  	_ =	task.clear_ibuf [dreg:s6], $0x2FFFF;
	_ =	strace $0x9FFFFFFF  }
0xc2: {  	(tm) =	ssettm $0x7FFFFFFF  }
0xc3: {  	_ =	shalt  }
tec
execute0_lowered:
.L_overlay_start_1:
0x0: {  	(tag) =	ssettag $0x1  }
0x1: {  	s0 =	srdreg.scid  }
0x2: {  	s12 =	stileid.u32;
	s5 =	rddreg [dreg:$0x0]  }
0x3: {  	s2 =	rddreg [dreg:$0x1];
	s28 =	simm.s32 $0x3680;
	s29 =	simm.s32 $0x7  }
0x4: {  	s30 =	simm.s32 $0x80;
	s31 =	simm.s32 $0x400;
	s0 =	sand.u32 $0x1, s0  }
0x5: {  	s3 =	sshll.u32 s12, $0x7;
	s9 =	sadd.s32 $0x17600, s5;
	s11 =	smul.u32 $0x14000, s12  }
0x6: {  	s21 =	smul.u32 $0x50000, s12;
	s1 =	sshll.u32 s0, $0x4;
	s6 =	sand.u32 $0x380, s3  }
0x7: {  	s3 =	simm.s32 $0x0;
	s8 =	ssub.s32 $0x2, s0;
	s0 =	smul.u32 $0x140000, s0  }
0x8: {  	s1 =	sor.u32 s12, s1;
	[smem:$0x7FF] =	sst s3;
	s10 =	sshrl.u32 s8, $0x1  }
0x9: {  	s26 =	sadd.s32 $0x4000, s11;
	s15 =	sadd.s32 $0x8000, s11;
	s1 =	sshrl.u32 s1, $0x3  }
0xa: {  	s16 =	sadd.s32 $0xC000, s11;
	_ =	strace $0x8000004A;
	s4 =	smul.u32 $0x13C00, s1  }
0xb: {  	s8 =	ssub.s32 s8, s10;
	s22 =	sadd.s32 s0, s11;
	s1 =	smul.u32 $0x16800, s1  }
0xc: {  	s13 =	sadd.s32 s0, s26;
	s11 =	sadd.s32 $0x10000, s11;
	s24 =	smax.u32 s8, $0x1  }
0xd: {  	[dreg:$0x8] =	wrdreg s24;
	s4 =	sor.u32 s6, s4;
	s1 =	sor.u32 s6, s1  }
0xe: {  	s24 =	sadd.s32 s15, s2;
	s4 =	sshrl.u32 s4, $0x3;
	s6 =	sshrl.u32 s1, $0x3  }
0xf: {  	s19 =	sadd.s32 $0x7800, s1;
	s1 =	sadd.s32 $0xF000, s1;
	s7 =	sadd.s32 s4, s5  }
0x10: {  	s4 =	sadd.s32 $0x22A00, s5;
	s5 =	sadd.s32 $0x4AA00, s5;
	s6 =	sadd.s32 s9, s6  }
0x11: {  	s20 =	sshrl.u32 s19, $0x3;
	s7 =	sadd.s32 $0x3000, s7;
	[dreg:$0x4] =	wrdreg s6  }
0x12: {  	s1 =	sshrl.u32 s1, $0x3;
	s6 =	sadd.s32 s9, s20;
	[dreg:$0x3] =	wrdreg s7  }
0x13: {  	s1 =	sadd.s32 s9, s1;
	[dreg:$0x5] =	wrdreg s6;
	s6 =	sshrl.u32 s22, $0x3  }
0x14: {  	s7 =	sshrl.u32 s21, $0x2;
	[dreg:$0x6] =	wrdreg s1;
	s21 =	sadd.s32 s0, s15  }
0x15: {  	s22 =	sadd.s32 s0, s16;
	s0 =	sadd.s32 s0, s11;
	s1 =	simm.s32 $0x50  }
0x16: {  	s23 =	sadd.s32 s5, s6;
	s10 =	sadd.s32 s7, s2;
	s6 =	sshrl.u32 s13, $0x3  }
0x17: {  	s8 =	sshrl.u32 s21, $0x3;
	s0 =	sshrl.u32 s0, $0x3;
	s13 =	simm.s32 $0x6  }
0x18: {  	[dreg:$0x7] =	wrdreg s23;
	s25 =	sadd.s32 $0x2800, s10;
	s9 =	sadd.s32 $0x5000, s10  }
0x19: {  	s12 =	sadd.s32 $0x7800, s10;
	s7 =	sadd.s32 $0xA000, s10;
	s14 =	sadd.s32 $0xC800, s10  }
0x1a: {  	s17 =	sadd.s32 s5, s6;
	s18 =	sadd.s32 s5, s8;
	[dreg:$0x9] =	wrdreg s25  }
0x1b: {  	s20 =	sadd.s32 s5, s0;
	s21 =	sadd.s32 $0xF000, s10;
	[dreg:$0xa] =	wrdreg s9  }
0x1c: {  	s23 =	sadd.s32 s26, s2;
	s26 =	sadd.s32 s11, s2;
	[dreg:$0xb] =	wrdreg s12  }
0x1d: {  	s0 =	simm.s32 $0x5E80;
	s6 =	simm.s32 $0x2780;
	[dreg:$0xc] =	wrdreg s7  }
0x1e: {  	s8 =	simm.s32 $0x4;
	s11 =	simm.s32 $0x5;
	[dreg:$0xd] =	wrdreg s14  }
0x1f: {  	s9 =	sshrl.u32 s22, $0x3;
	s25 =	sadd.s32 s16, s2;
	s22 =	sshrl.u32 s23, $0x3  }
0x20: {  	s23 =	sshrl.u32 s24, $0x3;
	s7 =	simm.s32 $0x1;
	s12 =	simm.s32 $0x3  }
0x21: {  	s19 =	sadd.s32 s5, s9;
	s24 =	sshrl.u32 s25, $0x3;
	s25 =	sshrl.u32 s26, $0x3  }
0x22: {  	v0 =	vimm.f32 $0.0e+00;
	s26 =	sadd.s32 $0x11800, s10;
	s5 =	simm.s32 $0x8680;
	s9 =	simm.s32 $0x2  }
.LBB2_1:
0x23: {  	s14 =	simm.s32 $0x70;
	s15 =	simm.s32 $0x3C0  }
.LBB2_2:
0x24: {  	p0 =	sne.s32 s15, $0x9FC0;
	[tilespmem:s14+$0x3680] =	vst v0  }
0x25: {  	[tilespmem:s14+$0x3610] =	vst v0  }
0x26: {  	[tilespmem:s14+$0x3620] =	vst v0  }
.Ltmp0:
0x27: {  	[tilespmem:s14+$0x3630] =	vst v0;
	(pc) =	sbr.rel @p0 .LBB2_2-.Ltmp0, $4  }
0x28: {  	[tilespmem:s14+$0x3640] =	vst v0  }
0x29: {  	[tilespmem:s14+$0x3650] =	vst v0  }
0x2a: {  	[tilespmem:s14+$0x3660] =	vst v0  }
0x2b: {  	[tilespmem:s14+$0x3670] =	vst v0;
	s14 =	sshra.s32 s15, $0x2;
	s15 =	sadd.s32 $0x200, s15  }
0x2c: {  	[tilespmem:s14+$0x3680] =	vst v0  }
0x2d: {  	[tilespmem:s14+$0x3610] =	vst v0  }
0x2e: {  	[tilespmem:s14+$0x3620] =	vst v0  }
0x2f: {  	[tilespmem:s14+$0x3630] =	vst v0  }
0x30: {  	[tilespmem:s14+$0x3640] =	vst v0  }
0x31: {  	[tilespmem:s14+$0x3650] =	vst v0  }
0x32: {  	[tilespmem:s14+$0x3660] =	vst v0  }
0x33: {  	[tilespmem:s14+$0x3670] =	vst v0  }
0x34: {  	[spmem:s10] =	stream.linear.scatter [tilespmem:s28], [sflag:$0x7], $0x2800, $0x38;
	[tilespmem:$0x1EE80] =	vst v63  }
0x35: {  	_ =	swait.ge [sflag:s29], $0x2800  }
0x36: {  	[sflag:s29] =	ssyncset.done $0x0  }
0x37: {  	s15 =	rddreg [dreg:$0x9];
	[sflag:s29] =	ssyncadd.s32 $0xFFFFD800  }
0x38: {  	[spmem:s15] =	stream.linear.scatter [tilespmem:s28], [sflag:$0x7], $0x2800, $0x38;
	[tilespmem:$0x1EE80] =	vst v63  }
0x39: {  	_ =	swait.ge [sflag:s29], $0x2800  }
0x3a: {  	[sflag:s29] =	ssyncset.done $0x0  }
0x3b: {  	s16 =	rddreg [dreg:$0xa];
	[sflag:s29] =	ssyncadd.s32 $0xFFFFD800  }
0x3c: {  	[spmem:s16] =	stream.linear.scatter [tilespmem:s28], [sflag:$0x7], $0x2800, $0x38;
	[tilespmem:$0x1EE80] =	vst v63  }
0x3d: {  	_ =	swait.ge [sflag:s29], $0x2800  }
0x3e: {  	[sflag:s29] =	ssyncset.done $0x0  }
0x3f: {  	s15 =	rddreg [dreg:$0xb];
	[sflag:s29] =	ssyncadd.s32 $0xFFFFD800  }
0x40: {  	[spmem:s15] =	stream.linear.scatter [tilespmem:s28], [sflag:$0x7], $0x2800, $0x38;
	[tilespmem:$0x1EE80] =	vst v63  }
0x41: {  	_ =	swait.ge [sflag:s29], $0x2800  }
0x42: {  	[sflag:s29] =	ssyncset.done $0x0  }
0x43: {  	s16 =	rddreg [dreg:$0xc];
	[sflag:s29] =	ssyncadd.s32 $0xFFFFD800  }
0x44: {  	[spmem:s16] =	stream.linear.scatter [tilespmem:s28], [sflag:$0x7], $0x2800, $0x38;
	[tilespmem:$0x1EE80] =	vst v63  }
0x45: {  	_ =	swait.ge [sflag:s29], $0x2800  }
0x46: {  	[sflag:s29] =	ssyncset.done $0x0  }
0x47: {  	s15 =	rddreg [dreg:$0xd];
	[sflag:s29] =	ssyncadd.s32 $0xFFFFD800  }
0x48: {  	[spmem:s15] =	stream.linear.scatter [tilespmem:s28], [sflag:$0x7], $0x2800, $0x38;
	[tilespmem:$0x1EE80] =	vst v63  }
0x49: {  	_ =	swait.ge [sflag:s29], $0x2800  }
0x4a: {  	[sflag:s29] =	ssyncset.done $0x0  }
0x4b: {  	[sflag:s29] =	ssyncadd.s32 $0xFFFFD800  }
0x4c: {  	[spmem:s21] =	stream.linear.scatter [tilespmem:s28], [sflag:$0x7], $0x2800, $0x38;
	[tilespmem:$0x1EE80] =	vst v63  }
0x4d: {  	_ =	swait.ge [sflag:s29], $0x2800  }
0x4e: {  	[sflag:s29] =	ssyncset.done $0x0  }
0x4f: {  	[sflag:s29] =	ssyncadd.s32 $0xFFFFD800  }
0x50: {  	[spmem:s26] =	stream.linear.scatter [tilespmem:s28], [sflag:$0x7], $0x2800, $0x38;
	[tilespmem:$0x1EE80] =	vst v63  }
0x51: {  	_ =	swait.ge [sflag:s29], $0x2800  }
0x52: {  	[sflag:s29] =	ssyncset.done $0x0  }
0x53: {  	[sflag:s29] =	ssyncadd.s32 $0xFFFFD800  }
0x54: {  	[bflag:$0x0] =	sbarrier.arrive $0xFFFF  }
0x55: {  	s16 =	simm.s32 $0x0;
	s15 =	rddreg [dreg:$0x3]  }
0x56: {  	[tilespmem:s16], [sflag:$0x7] =	stream.strided.gather [hbm4b:s15+s30], $0x2780, s31, s30, $0x38;
	[tilespmem:$0x1EE80] =	vst v63  }
0x57: {  	_ =	swait.ge [sflag:s29], $0x2780  }
0x58: {  	[sflag:s29] =	ssyncset.done $0x0  }
0x59: {  	[sflag:s29] =	ssyncadd.s32 $0xFFFFD880  }
0x5a: {  	[tilespmem:s28], [sflag:$0x1] =	stream.indirect.gather [hbm4b:s4+s1], $0x80, s16, s1, $0xb8;
	[tilespmem:$0x1EE80] =	vst v63  }
0x5b: {  	_ = 	snop  }
0x5c: {  	[tilespmem:s0], [sflag:$0x2] =	stream.indirect.gather [hbm4b:s4+s1], $0x80, s1, s1, $0xb8;
	[tilespmem:$0x1EE80] =	vst v63  }
0x5d: {  	s16 =	simm.s32 $0xA0  }
0x5e: {  	[tilespmem:s5], [sflag:$0x3] =	stream.indirect.gather [hbm4b:s4+s1], $0x80, s16, s1, $0xb8;
	[tilespmem:$0x1EE80] =	vst v63  }
0x5f: {  	s15 =	rddreg [dreg:$0x4]  }
0x60: {  	[tilespmem:s6], [sflag:$0x7] =	stream.strided.gather [hbm4b:s15+s30], $0xF00, s31, s30, $0x38;
	[tilespmem:$0x1EE80] =	vst v63  }
0x61: {  	_ =	swait.ge [sflag:s29], $0xF00  }
0x62: {  	[sflag:s29] =	ssyncset.done $0x0  }
0x63: {  	[sflag:s29] =	ssyncadd.s32 $0xFFFFF100  }
0x64: {  	_ =	swait.ge [sflag:s7], $0x2800  }
0x65: {  	[sflag:s7] =	ssyncset.done $0x0  }
0x66: {  	s16 =	simm.s32 $0x2780;
	[sflag:s7] =	ssyncadd.s32 $0xFFFFD800  }
0x67: {  	[spmem:s2] =	stream.indirect.scatter.add.f32 [tilespmem:s28], [sflag:$0x4], $0x80, s16, s1, $0xb8;
	[tilespmem:$0x1EE80] =	vst v63  }
0x68: {  	_ =	swait.ge [sflag:s8], $0x2800  }
0x69: {  	[sflag:s8] =	ssyncset.done $0x0  }
0x6a: {  	s15 =	simm.s32 $0xF0;
	[sflag:s8] =	ssyncadd.s32 $0xFFFFD800  }
0x6b: {  	[tilespmem:s28], [sflag:$0x1] =	stream.indirect.gather [hbm4b:s4+s1], $0x80, s15, s1, $0xb8;
	[tilespmem:$0x1EE80] =	vst v63  }
0x6c: {  	_ =	swait.ge [sflag:s9], $0x2800  }
0x6d: {  	[sflag:s9] =	ssyncset.done $0x0  }
0x6e: {  	s16 =	simm.s32 $0x27D0;
	[sflag:s9] =	ssyncadd.s32 $0xFFFFD800  }
0x6f: {  	[spmem:s2] =	stream.indirect.scatter.add.f32 [tilespmem:s0], [sflag:$0x5], $0x80, s16, s1, $0xb8;
	[tilespmem:$0x1EE80] =	vst v63  }
0x70: {  	_ =	swait.ge [sflag:s11], $0x2800  }
0x71: {  	[sflag:s11] =	ssyncset.done $0x0  }
0x72: {  	s15 =	simm.s32 $0x140;
	[sflag:s11] =	ssyncadd.s32 $0xFFFFD800  }
0x73: {  	[tilespmem:s0], [sflag:$0x2] =	stream.indirect.gather [hbm4b:s4+s1], $0x80, s15, s1, $0xb8;
	[tilespmem:$0x1EE80] =	vst v63  }
0x74: {  	_ =	swait.ge [sflag:s12], $0x2800  }
0x75: {  	[sflag:s12] =	ssyncset.done $0x0  }
0x76: {  	s16 =	simm.s32 $0x2820;
	[sflag:s12] =	ssyncadd.s32 $0xFFFFD800  }
0x77: {  	[spmem:s2] =	stream.indirect.scatter.add.f32 [tilespmem:s5], [sflag:$0x6], $0x80, s16, s1, $0xb8;
	[tilespmem:$0x1EE80] =	vst v63  }
0x78: {  	_ =	swait.ge [sflag:s13], $0x2800  }
0x79: {  	[sflag:s13] =	ssyncset.done $0x0  }
0x7a: {  	s14 =	simm.s32 $0x3C0;
	s15 =	simm.s32 $0x190;
	[sflag:s13] =	ssyncadd.s32 $0xFFFFD800  }
.LBB2_4:
0x7b: {  	[tilespmem:s5], [sflag:$0x3] =	stream.indirect.gather [hbm4b:s4+s1], $0x80, s15, s1, $0xb8;
	[tilespmem:$0x1EE80] =	vst v63  }
0x7c: {  	s15 =	smov.u32 s14  }
0x7d: {  	p0 =	sne.s32 s14, $0x3840;
	s14 =	sadd.s32 $0x3C0, s14;
	_ =	swait.ge [sflag:s7], $0x2800  }
0x7e: {  	s15 =	sshra.s32 s15, $0x2;
	[sflag:s7] =	ssyncset.done $0x0  }
0x7f: {  	s16 =	sadd.s32 $0x2780, s15;
	[sflag:s7] =	ssyncadd.s32 $0xFFFFD800  }
0x80: {  	[spmem:s2] =	stream.indirect.scatter.add.f32 [tilespmem:s28], [sflag:$0x4], $0x80, s16, s1, $0xb8;
	[tilespmem:$0x1EE80] =	vst v63  }
0x81: {  	_ =	swait.ge [sflag:s8], $0x2800  }
0x82: {  	[sflag:s8] =	ssyncset.done $0x0  }
0x83: {  	s16 =	sadd.s32 $0xF0, s15;
	[sflag:s8] =	ssyncadd.s32 $0xFFFFD800  }
0x84: {  	[tilespmem:s28], [sflag:$0x1] =	stream.indirect.gather [hbm4b:s4+s1], $0x80, s16, s1, $0xb8;
	[tilespmem:$0x1EE80] =	vst v63  }
0x85: {  	_ =	swait.ge [sflag:s9], $0x2800  }
0x86: {  	[sflag:s9] =	ssyncset.done $0x0  }
0x87: {  	s16 =	sadd.s32 $0x27D0, s15;
	[sflag:s9] =	ssyncadd.s32 $0xFFFFD800  }
0x88: {  	[spmem:s2] =	stream.indirect.scatter.add.f32 [tilespmem:s0], [sflag:$0x5], $0x80, s16, s1, $0xb8;
	[tilespmem:$0x1EE80] =	vst v63  }
0x89: {  	_ =	swait.ge [sflag:s11], $0x2800  }
0x8a: {  	[sflag:s11] =	ssyncset.done $0x0  }
0x8b: {  	s16 =	sadd.s32 $0x140, s15;
	[sflag:s11] =	ssyncadd.s32 $0xFFFFD800  }
0x8c: {  	[tilespmem:s0], [sflag:$0x2] =	stream.indirect.gather [hbm4b:s4+s1], $0x80, s16, s1, $0xb8;
	[tilespmem:$0x1EE80] =	vst v63  }
0x8d: {  	_ =	swait.ge [sflag:s12], $0x2800  }
0x8e: {  	[sflag:s12] =	ssyncset.done $0x0  }
.Ltmp1:
0x8f: {  	s16 =	sadd.s32 $0x2820, s15;
	[sflag:s12] =	ssyncadd.s32 $0xFFFFD800;
	(pc) =	sbr.rel @p0 .LBB2_4-.Ltmp1, $4  }
0x90: {  	[spmem:s2] =	stream.indirect.scatter.add.f32 [tilespmem:s5], [sflag:$0x6], $0x80, s16, s1, $0xb8;
	[tilespmem:$0x1EE80] =	vst v63  }
0x91: {  	_ =	swait.ge [sflag:s13], $0x2800  }
0x92: {  	[sflag:s13] =	ssyncset.done $0x0  }
0x93: {  	s15 =	sadd.s32 $0x190, s15;
	[sflag:s13] =	ssyncadd.s32 $0xFFFFD800  }
0x94: {  	[tilespmem:s5], [sflag:$0x3] =	stream.indirect.gather [hbm4b:s4+s1], $0x80, s15, s1, $0xb8;
	[tilespmem:$0x1EE80] =	vst v63  }
0x95: {  	s14 =	rddreg [dreg:$0x5]  }
0x96: {  	[tilespmem:s6], [sflag:$0x7] =	stream.strided.gather [hbm4b:s14+s30], $0xF00, s31, s30, $0x38;
	[tilespmem:$0x1EE80] =	vst v63  }
0x97: {  	_ =	swait.ge [sflag:s29], $0xF00  }
0x98: {  	[sflag:s29] =	ssyncset.done $0x0  }
0x99: {  	[sflag:s29] =	ssyncadd.s32 $0xFFFFF100  }
0x9a: {  	_ =	swait.ge [sflag:s7], $0x2800  }
0x9b: {  	[sflag:s7] =	ssyncset.done $0x0  }
0x9c: {  	s16 =	simm.s32 $0x2780;
	[sflag:s7] =	ssyncadd.s32 $0xFFFFD800  }
0x9d: {  	[spmem:s2] =	stream.indirect.scatter.add.f32 [tilespmem:s28], [sflag:$0x4], $0x80, s16, s1, $0xb8;
	[tilespmem:$0x1EE80] =	vst v63  }
0x9e: {  	_ =	swait.ge [sflag:s8], $0x2800  }
0x9f: {  	[sflag:s8] =	ssyncset.done $0x0  }
0xa0: {  	s15 =	simm.s32 $0xFF0;
	[sflag:s8] =	ssyncadd.s32 $0xFFFFD800  }
0xa1: {  	[tilespmem:s28], [sflag:$0x1] =	stream.indirect.gather [hbm4b:s4+s1], $0x80, s15, s1, $0xb8;
	[tilespmem:$0x1EE80] =	vst v63  }
0xa2: {  	_ =	swait.ge [sflag:s9], $0x2800  }
0xa3: {  	[sflag:s9] =	ssyncset.done $0x0  }
0xa4: {  	s16 =	simm.s32 $0x27D0;
	[sflag:s9] =	ssyncadd.s32 $0xFFFFD800  }
0xa5: {  	[spmem:s2] =	stream.indirect.scatter.add.f32 [tilespmem:s0], [sflag:$0x5], $0x80, s16, s1, $0xb8;
	[tilespmem:$0x1EE80] =	vst v63  }
0xa6: {  	_ =	swait.ge [sflag:s11], $0x2800  }
0xa7: {  	[sflag:s11] =	ssyncset.done $0x0  }
0xa8: {  	s15 =	simm.s32 $0x1040;
	[sflag:s11] =	ssyncadd.s32 $0xFFFFD800  }
0xa9: {  	[tilespmem:s0], [sflag:$0x2] =	stream.indirect.gather [hbm4b:s4+s1], $0x80, s15, s1, $0xb8;
	[tilespmem:$0x1EE80] =	vst v63  }
0xaa: {  	_ =	swait.ge [sflag:s12], $0x2800  }
0xab: {  	[sflag:s12] =	ssyncset.done $0x0  }
0xac: {  	s16 =	simm.s32 $0x2820;
	[sflag:s12] =	ssyncadd.s32 $0xFFFFD800  }
0xad: {  	[spmem:s2] =	stream.indirect.scatter.add.f32 [tilespmem:s5], [sflag:$0x6], $0x80, s16, s1, $0xb8;
	[tilespmem:$0x1EE80] =	vst v63  }
0xae: {  	_ =	swait.ge [sflag:s13], $0x2800  }
0xaf: {  	[sflag:s13] =	ssyncset.done $0x0  }
0xb0: {  	s14 =	simm.s32 $0x3C0;
	s15 =	simm.s32 $0x1090;
	[sflag:s13] =	ssyncadd.s32 $0xFFFFD800  }
.LBB2_6:
0xb1: {  	[tilespmem:s5], [sflag:$0x3] =	stream.indirect.gather [hbm4b:s4+s1], $0x80, s15, s1, $0xb8;
	[tilespmem:$0x1EE80] =	vst v63  }
0xb2: {  	s15 =	smov.u32 s14  }
0xb3: {  	p0 =	sne.s32 s14, $0x3840;
	s14 =	sadd.s32 $0x3C0, s14;
	_ =	swait.ge [sflag:s7], $0x2800  }
0xb4: {  	s15 =	sshra.s32 s15, $0x2;
	[sflag:s7] =	ssyncset.done $0x0  }
0xb5: {  	s16 =	sadd.s32 $0x2780, s15;
	[sflag:s7] =	ssyncadd.s32 $0xFFFFD800  }
0xb6: {  	[spmem:s2] =	stream.indirect.scatter.add.f32 [tilespmem:s28], [sflag:$0x4], $0x80, s16, s1, $0xb8;
	[tilespmem:$0x1EE80] =	vst v63  }
0xb7: {  	_ =	swait.ge [sflag:s8], $0x2800  }
0xb8: {  	[sflag:s8] =	ssyncset.done $0x0  }
0xb9: {  	s16 =	sadd.s32 $0xFF0, s15;
	[sflag:s8] =	ssyncadd.s32 $0xFFFFD800  }
0xba: {  	[tilespmem:s28], [sflag:$0x1] =	stream.indirect.gather [hbm4b:s4+s1], $0x80, s16, s1, $0xb8;
	[tilespmem:$0x1EE80] =	vst v63  }
0xbb: {  	_ =	swait.ge [sflag:s9], $0x2800  }
0xbc: {  	[sflag:s9] =	ssyncset.done $0x0  }
0xbd: {  	s16 =	sadd.s32 $0x27D0, s15;
	[sflag:s9] =	ssyncadd.s32 $0xFFFFD800  }
0xbe: {  	[spmem:s2] =	stream.indirect.scatter.add.f32 [tilespmem:s0], [sflag:$0x5], $0x80, s16, s1, $0xb8;
	[tilespmem:$0x1EE80] =	vst v63  }
0xbf: {  	_ =	swait.ge [sflag:s11], $0x2800  }
0xc0: {  	[sflag:s11] =	ssyncset.done $0x0  }
0xc1: {  	s16 =	sadd.s32 $0x1040, s15;
	[sflag:s11] =	ssyncadd.s32 $0xFFFFD800  }
0xc2: {  	[tilespmem:s0], [sflag:$0x2] =	stream.indirect.gather [hbm4b:s4+s1], $0x80, s16, s1, $0xb8;
	[tilespmem:$0x1EE80] =	vst v63  }
0xc3: {  	_ =	swait.ge [sflag:s12], $0x2800  }
0xc4: {  	[sflag:s12] =	ssyncset.done $0x0  }
.Ltmp2:
0xc5: {  	s16 =	sadd.s32 $0x2820, s15;
	[sflag:s12] =	ssyncadd.s32 $0xFFFFD800;
	(pc) =	sbr.rel @p0 .LBB2_6-.Ltmp2, $4  }
0xc6: {  	[spmem:s2] =	stream.indirect.scatter.add.f32 [tilespmem:s5], [sflag:$0x6], $0x80, s16, s1, $0xb8;
	[tilespmem:$0x1EE80] =	vst v63  }
0xc7: {  	_ =	swait.ge [sflag:s13], $0x2800  }
0xc8: {  	[sflag:s13] =	ssyncset.done $0x0  }
0xc9: {  	s15 =	sadd.s32 $0x1090, s15;
	[sflag:s13] =	ssyncadd.s32 $0xFFFFD800  }
0xca: {  	[tilespmem:s5], [sflag:$0x3] =	stream.indirect.gather [hbm4b:s4+s1], $0x80, s15, s1, $0xb8;
	[tilespmem:$0x1EE80] =	vst v63  }
0xcb: {  	s14 =	rddreg [dreg:$0x6]  }
0xcc: {  	[tilespmem:s6], [sflag:$0x7] =	stream.strided.gather [hbm4b:s14+s30], $0xF00, s31, s30, $0x38;
	[tilespmem:$0x1EE80] =	vst v63  }
0xcd: {  	_ =	swait.ge [sflag:s29], $0xF00  }
0xce: {  	[sflag:s29] =	ssyncset.done $0x0  }
0xcf: {  	[sflag:s29] =	ssyncadd.s32 $0xFFFFF100  }
0xd0: {  	_ =	swait.ge [sflag:s7], $0x2800  }
0xd1: {  	[sflag:s7] =	ssyncset.done $0x0  }
0xd2: {  	s16 =	simm.s32 $0x2780;
	[sflag:s7] =	ssyncadd.s32 $0xFFFFD800  }
0xd3: {  	[spmem:s2] =	stream.indirect.scatter.add.f32 [tilespmem:s28], [sflag:$0x4], $0x80, s16, s1, $0xb8;
	[tilespmem:$0x1EE80] =	vst v63  }
0xd4: {  	_ =	swait.ge [sflag:s8], $0x2800  }
0xd5: {  	[sflag:s8] =	ssyncset.done $0x0  }
0xd6: {  	s15 =	simm.s32 $0x1EF0;
	[sflag:s8] =	ssyncadd.s32 $0xFFFFD800  }
0xd7: {  	[tilespmem:s28], [sflag:$0x1] =	stream.indirect.gather [hbm4b:s4+s1], $0x80, s15, s1, $0xb8;
	[tilespmem:$0x1EE80] =	vst v63  }
0xd8: {  	_ =	swait.ge [sflag:s9], $0x2800  }
0xd9: {  	[sflag:s9] =	ssyncset.done $0x0  }
0xda: {  	s16 =	simm.s32 $0x27D0;
	[sflag:s9] =	ssyncadd.s32 $0xFFFFD800  }
0xdb: {  	[spmem:s2] =	stream.indirect.scatter.add.f32 [tilespmem:s0], [sflag:$0x5], $0x80, s16, s1, $0xb8;
	[tilespmem:$0x1EE80] =	vst v63  }
0xdc: {  	_ =	swait.ge [sflag:s11], $0x2800  }
0xdd: {  	[sflag:s11] =	ssyncset.done $0x0  }
0xde: {  	s15 =	simm.s32 $0x1F40;
	[sflag:s11] =	ssyncadd.s32 $0xFFFFD800  }
0xdf: {  	[tilespmem:s0], [sflag:$0x2] =	stream.indirect.gather [hbm4b:s4+s1], $0x80, s15, s1, $0xb8;
	[tilespmem:$0x1EE80] =	vst v63  }
0xe0: {  	_ =	swait.ge [sflag:s12], $0x2800  }
0xe1: {  	[sflag:s12] =	ssyncset.done $0x0  }
0xe2: {  	s16 =	simm.s32 $0x2820;
	[sflag:s12] =	ssyncadd.s32 $0xFFFFD800  }
0xe3: {  	[spmem:s2] =	stream.indirect.scatter.add.f32 [tilespmem:s5], [sflag:$0x6], $0x80, s16, s1, $0xb8;
	[tilespmem:$0x1EE80] =	vst v63  }
0xe4: {  	_ =	swait.ge [sflag:s13], $0x2800  }
0xe5: {  	[sflag:s13] =	ssyncset.done $0x0  }
0xe6: {  	s14 =	simm.s32 $0x3C0;
	s15 =	simm.s32 $0x1F90;
	[sflag:s13] =	ssyncadd.s32 $0xFFFFD800  }
.LBB2_8:
0xe7: {  	[tilespmem:s5], [sflag:$0x3] =	stream.indirect.gather [hbm4b:s4+s1], $0x80, s15, s1, $0xb8;
	[tilespmem:$0x1EE80] =	vst v63  }
0xe8: {  	s15 =	smov.u32 s14  }
0xe9: {  	p0 =	sne.s32 s14, $0x1A40;
	s14 =	sadd.s32 $0x3C0, s14;
	_ =	swait.ge [sflag:s7], $0x2800  }
0xea: {  	s15 =	sshra.s32 s15, $0x2;
	[sflag:s7] =	ssyncset.done $0x0  }
0xeb: {  	s16 =	sadd.s32 $0x2780, s15;
	[sflag:s7] =	ssyncadd.s32 $0xFFFFD800  }
0xec: {  	[spmem:s2] =	stream.indirect.scatter.add.f32 [tilespmem:s28], [sflag:$0x4], $0x80, s16, s1, $0xb8;
	[tilespmem:$0x1EE80] =	vst v63  }
0xed: {  	_ =	swait.ge [sflag:s8], $0x2800  }
0xee: {  	[sflag:s8] =	ssyncset.done $0x0  }
0xef: {  	s16 =	sadd.s32 $0x1EF0, s15;
	[sflag:s8] =	ssyncadd.s32 $0xFFFFD800  }
0xf0: {  	[tilespmem:s28], [sflag:$0x1] =	stream.indirect.gather [hbm4b:s4+s1], $0x80, s16, s1, $0xb8;
	[tilespmem:$0x1EE80] =	vst v63  }
0xf1: {  	_ =	swait.ge [sflag:s9], $0x2800  }
0xf2: {  	[sflag:s9] =	ssyncset.done $0x0  }
0xf3: {  	s16 =	sadd.s32 $0x27D0, s15;
	[sflag:s9] =	ssyncadd.s32 $0xFFFFD800  }
0xf4: {  	[spmem:s2] =	stream.indirect.scatter.add.f32 [tilespmem:s0], [sflag:$0x5], $0x80, s16, s1, $0xb8;
	[tilespmem:$0x1EE80] =	vst v63  }
0xf5: {  	_ =	swait.ge [sflag:s11], $0x2800  }
0xf6: {  	[sflag:s11] =	ssyncset.done $0x0  }
0xf7: {  	s16 =	sadd.s32 $0x1F40, s15;
	[sflag:s11] =	ssyncadd.s32 $0xFFFFD800  }
0xf8: {  	[tilespmem:s0], [sflag:$0x2] =	stream.indirect.gather [hbm4b:s4+s1], $0x80, s16, s1, $0xb8;
	[tilespmem:$0x1EE80] =	vst v63  }
0xf9: {  	_ =	swait.ge [sflag:s12], $0x2800  }
0xfa: {  	[sflag:s12] =	ssyncset.done $0x0  }
.Ltmp3:
0xfb: {  	s16 =	sadd.s32 $0x2820, s15;
	[sflag:s12] =	ssyncadd.s32 $0xFFFFD800;
	(pc) =	sbr.rel @p0 .LBB2_8-.Ltmp3, $4  }
0xfc: {  	[spmem:s2] =	stream.indirect.scatter.add.f32 [tilespmem:s5], [sflag:$0x6], $0x80, s16, s1, $0xb8;
	[tilespmem:$0x1EE80] =	vst v63  }
0xfd: {  	_ =	swait.ge [sflag:s13], $0x2800  }
0xfe: {  	[sflag:s13] =	ssyncset.done $0x0  }
0xff: {  	s15 =	sadd.s32 $0x1F90, s15;
	[sflag:s13] =	ssyncadd.s32 $0xFFFFD800  }
0x100: {  	[tilespmem:s5], [sflag:$0x3] =	stream.indirect.gather [hbm4b:s4+s1], $0x80, s15, s1, $0xb8;
	[tilespmem:$0x1EE80] =	vst v63  }
0x101: {  	_ =	swait.ge [sflag:s7], $0x2800  }
0x102: {  	[sflag:s7] =	ssyncset.done $0x0  }
0x103: {  	s14 =	simm.s32 $0x2F00;
	[sflag:s7] =	ssyncadd.s32 $0xFFFFD800  }
0x104: {  	[spmem:s2] =	stream.indirect.scatter.add.f32 [tilespmem:s28], [sflag:$0x4], $0x80, s14, s1, $0xb8;
	[tilespmem:$0x1EE80] =	vst v63  }
0x105: {  	_ =	swait.ge [sflag:s8], $0x2800  }
0x106: {  	[sflag:s8] =	ssyncset.done $0x0  }
0x107: {  	s15 =	simm.s32 $0x2670;
	[sflag:s8] =	ssyncadd.s32 $0xFFFFD800  }
0x108: {  	[tilespmem:s28], [sflag:$0x1] =	stream.indirect.gather [hbm4b:s4+s1], $0x80, s15, s1, $0xb8;
	[tilespmem:$0x1EE80] =	vst v63  }
0x109: {  	_ =	swait.ge [sflag:s9], $0x2800  }
0x10a: {  	[sflag:s9] =	ssyncset.done $0x0  }
0x10b: {  	s16 =	simm.s32 $0x2F50;
	[sflag:s9] =	ssyncadd.s32 $0xFFFFD800  }
0x10c: {  	[spmem:s2] =	stream.indirect.scatter.add.f32 [tilespmem:s0], [sflag:$0x5], $0x80, s16, s1, $0xb8;
	[tilespmem:$0x1EE80] =	vst v63  }
0x10d: {  	_ =	swait.ge [sflag:s11], $0x2800  }
0x10e: {  	[sflag:s11] =	ssyncset.done $0x0  }
0x10f: {  	s15 =	simm.s32 $0x26C0;
	[sflag:s11] =	ssyncadd.s32 $0xFFFFD800  }
0x110: {  	[tilespmem:s0], [sflag:$0x2] =	stream.indirect.gather [hbm4b:s4+s1], $0x80, s15, s1, $0xb8;
	[tilespmem:$0x1EE80] =	vst v63  }
0x111: {  	_ =	swait.ge [sflag:s12], $0x2800  }
0x112: {  	[sflag:s12] =	ssyncset.done $0x0  }
0x113: {  	s16 =	simm.s32 $0x2FA0;
	[sflag:s12] =	ssyncadd.s32 $0xFFFFD800  }
0x114: {  	[spmem:s2] =	stream.indirect.scatter.add.f32 [tilespmem:s5], [sflag:$0x6], $0x80, s16, s1, $0xb8;
	[tilespmem:$0x1EE80] =	vst v63  }
0x115: {  	_ =	swait.ge [sflag:s7], $0x2800  }
0x116: {  	[sflag:s7] =	ssyncset.done $0x0  }
0x117: {  	s15 =	simm.s32 $0x2FF0;
	[sflag:s7] =	ssyncadd.s32 $0xFFFFD800  }
0x118: {  	[spmem:s2] =	stream.indirect.scatter.add.f32 [tilespmem:s28], [sflag:$0x4], $0x80, s15, s1, $0xb8;
	[tilespmem:$0x1EE80] =	vst v63  }
0x119: {  	_ =	swait.ge [sflag:s9], $0x2800  }
0x11a: {  	[sflag:s9] =	ssyncset.done $0x0  }
0x11b: {  	s16 =	simm.s32 $0x3040;
	[sflag:s9] =	ssyncadd.s32 $0xFFFFD800  }
0x11c: {  	[spmem:s2] =	stream.indirect.scatter.add.f32 [tilespmem:s0], [sflag:$0x5], $0x80, s16, s1, $0xb8;
	[tilespmem:$0x1EE80] =	vst v63  }
0x11d: {  	_ =	swait.ge [sflag:s13], $0x2800  }
0x11e: {  	[sflag:s13] =	ssyncset.done $0x0  }
0x11f: {  	[sflag:s13] =	ssyncadd.s32 $0xFFFFD800  }
0x120: {  	_ =	swait.ge [sflag:s8], $0x2800  }
0x121: {  	[sflag:s8] =	ssyncset.done $0x0  }
0x122: {  	[sflag:s8] =	ssyncadd.s32 $0xFFFFD800  }
0x123: {  	_ =	swait.ge [sflag:s11], $0x2800  }
0x124: {  	[sflag:s11] =	ssyncset.done $0x0  }
0x125: {  	s15 =	stileid.u32;
	[sflag:s11] =	ssyncadd.s32 $0xFFFFD800  }
0x126: {  	s14 =	sshll.u32 s15, $0x6;
	[bflag:$0x0] =	sbarrier.arrive $0xFFFF  }
0x127: {  	s15 =	sshrl.u32 s10, $0x3;
	s14 =	sor.u32 $0x1C07, s14;
	s16 =	rddreg [dreg:$0x7]  }
0x128: {  	[hbm:s16], [sflag:s14] =	dma.local [spmem:s15], $0x800  }
0x129: {  	_ =	swait.ge [sflag:s29], $0x800  }
0x12a: {  	[sflag:s29] =	ssyncset.done $0x0  }
0x12b: {  	[sflag:s29] =	ssyncadd.s32 $0xFFFFF800  }
0x12c: {  	[hbm:s17], [sflag:s14] =	dma.local [spmem:s22], $0x800  }
0x12d: {  	_ =	swait.ge [sflag:s29], $0x800  }
0x12e: {  	[sflag:s29] =	ssyncset.done $0x0  }
0x12f: {  	[sflag:s29] =	ssyncadd.s32 $0xFFFFF800  }
0x130: {  	[hbm:s18], [sflag:s14] =	dma.local [spmem:s23], $0x800  }
0x131: {  	_ =	swait.ge [sflag:s29], $0x800  }
0x132: {  	[sflag:s29] =	ssyncset.done $0x0  }
0x133: {  	[sflag:s29] =	ssyncadd.s32 $0xFFFFF800  }
0x134: {  	[hbm:s19], [sflag:s14] =	dma.local [spmem:s24], $0x800  }
0x135: {  	_ =	swait.ge [sflag:s29], $0x800  }
0x136: {  	[sflag:s29] =	ssyncset.done $0x0  }
0x137: {  	[sflag:s29] =	ssyncadd.s32 $0xFFFFF800  }
0x138: {  	[hbm:s20], [sflag:s14] =	dma.local [spmem:s25], $0x800  }
0x139: {  	_ =	swait.ge [sflag:s29], $0x800  }
0x13a: {  	s3 =	sadd.s32 $0x1, s3;
	s16 =	rddreg [dreg:$0x8]  }
0x13b: {  	p0 =	sne.s32 s3, s16  }
.Ltmp4:
0x13c: {  	_ = 	snop;
	(pc) =	sbr.rel @p0 .LBB2_1-.Ltmp4, $3  }
0x13d: {  	_ =	sdelay $0x1  }
0x13e: {  	[sflag:s29] =	ssyncset.done $0x0  }
0x13f: {  	[sflag:s29] =	ssyncadd.s32 $0xFFFFF800  }
0x140: {  	_ =	sfence.sel $0x180000  }
0x141: {  	[bflag:$0x0] =	sbarrier.arrive $0xFFFF  }
0x142: {  	_ =	strace $0x9000004A  }
0x143: {  	s0 =	stileid.u32;
	[bflag:$0x2] =	sbarrier.arrive $0xFFFF  }
0x144: {  	p0 =	sne.s32 s0, $0x0;
	s0 =	rddreg [dreg:$0x2]  }
0x145: {  	s0 =	sadd.s32 @!p0 $0x100000, s0  }
0x146: {  	[sflag:s0] =	ssyncadd.tile.s32 @!p0 $0x1;
	_ =	shalt  }
.Lfunc_end2:
_tile_overlayer_lowered:
.L_overlay_start_2:
0x147: {  	(tag) =	ssettag $0x2  }
0x148: {  	s0 =	rddreg [dreg:$0x0];
	s2 =	stileid.u32  }
0x149: {  	s1 =	rddreg [dreg:$0x1];
	p0 =	sne.s32 s2, $0x0  }
0x14a: {  	s3 =	rddreg [dreg:$0x2];
	[bflag:$0x3] =	sbarrier.arrive $0xFFFF;
	s2 =	simm.s32 @!p0 $0x1C07  }
0x14b: {  	[timem:s3], [sflag:s2] =	dma.local @!p0 [hbm:s0], s1  }
0x14c: {  	s0 =	simm.s32 @!p0 $0x7  }
0x14d: {  	_ =	swait.ge @!p0 [sflag:s0], s1  }
0x14e: {  	s1 =	ssub.s32 @!p0 $0x0, s1;
	[sflag:s0] =	ssyncset.done @!p0 $0x0  }
0x14f: {  	[sflag:s0] =	ssyncadd.s32 @!p0 s1  }
0x150: {  	[bflag:$0x3] =	sbarrier.arrive $0xFFFF  }
0x151: {  	_ =	shalt  }

// kernel: kernel.14.cloned.1.call-start
scs
__scs_entry_jumppad:
0x0: {  	(pc) =	sbr.rel $0x88, $3  }
0x1: {  	(tag) =	ssettag $0x0;
	lr =	simm.s32 $0x1  }
0x2: {  	[smem:$0x3F96] =	sst lr;
	_ =	strace $0xD0000000  }
0x3: {  	_ = 	snop  }
0x4: {  	_ = 	snop  }
0x5: {  	_ = 	snop  }
0x6: {  	_ = 	snop  }
0x7: {  	_ = 	snop  }
__scs_overlays_trampoline_lowered:
0x8: {  	[smem:$0x3FA5] =	sst s0  }
0x9: {  	[smem:$0x3FA6] =	sst s1  }
0xa: {  	[smem:$0x3FA7] =	sst s2  }
0xb: {  	[smem:$0x3FA8] =	sst s3  }
0xc: {  	[smem:$0x3FA9] =	sst s4  }
0xd: {  	[smem:$0x3FAA] =	sst s5  }
0xe: {  	[smem:$0x3FAB] =	sst s6  }
0xf: {  	[smem:$0x3FAC] =	sst s7  }
0x10: {  	[smem:$0x3FAD] =	sst s8  }
0x11: {  	[smem:$0x3FAE] =	sst s9;
	s0 =	simm.s32 @!p0 $0x0  }
0x12: {  	s1 =	sld [smem:$0x3F94];
	s0 =	simm.s32 @p0 $0x1  }
0x13: {  	[smem:$0x3FAF] =	sst s0;
	s0 =	simm.s32 @!p1 $0x0  }
0x14: {  	s2 =	sld [smem:$0x3F93];
	s0 =	simm.s32 @p1 $0x1  }
0x15: {  	[smem:$0x3FB0] =	sst s0;
	s0 =	simm.s32 @!p2 $0x0  }
0x16: {  	s3 =	sld [smem:$0x3FDB];
	s0 =	simm.s32 @p2 $0x1  }
0x17: {  	s4 =	simm.s32 $0x1BF5;
	[smem:$0x3FB2] =	sst s0  }
0x18: {  	s0 =	sld [smem:$0x3F95];
	_ =	swait.ge [sflag:s4], $0x0  }
0x19: {  	s7 =	sld [smem:$0x3F96]  }
0x1a: {  	s8 =	sadd.s32 $0xFFFFE003, lr  }
0x1b: {  	s9 =	sadd.s32 $0xFFFFFEF7, lr;
	s5 =	simm.s32 $0xFFFFFFFF;
	p2 =	slt.u32 s8, $0xFFFFF086  }
0x1c: {  	p1 =	slt.u32 s9, $0xF7A;
	s5 =	simm.s32 @!p2 $0x0  }
0x1d: {  	s5 =	simm.s32 @p1 $0x1;
	p0 =	seq.s32 s7, s2  }
0x1e: {  	s7 =	smul.u32 @!p0 $0xF7A, s2;
	p2 =	seq.s32 @!p0 s5, $0x0  }
0x1f: {  	s9 =	smul.u32 $0xF7A, s1;
	s8 =	simm.s32 @!p0 $0x1BF5;
	p2 =	por !p2, p0  }
0x20: {  	[sflag:s8] =	ssyncset.s32 @!p0 $0xFFFFF086;
	s6 =	sadd.s32 @!p0 s3, s7;
	s7 =	simm.s32 @!p0 $0x108  }
0x21: {  	s3 =	sadd.s32 s3, s9;
	s6 =	sadd.s32 @!p0 $0x88, s6;
	s7 =	simm.s32 @p2 $0x1082  }
0x22: {  	[simem:s7], [sflag:s8] =	dma.local @!p0 [hbm:s6], $0xF7A  }
0x23: {  	s9 =	sor.u32 $0xD0000000, s2;
	s6 =	simm.s32 $0x108;
	_ =	swait.ge @!p0 [sflag:s8], $0x0  }
0x24: {  	s3 =	sadd.s32 $0x88, s3;
	s6 =	simm.s32 @!p1 $0x1082;
	[sflag:s4] =	ssyncset.s32 $0xFFFFF086  }
0x25: {  	[simem:s6], [sflag:s4] =	dma.local [hbm:s3], $0xF7A  }
0x26: {  	[smem:$0x3F96] =	sst s1;
	(tag) =	ssettag s2;
	_ =	strace s9  }
0x27: {  	s1 =	sld [smem:$0x3FA6]  }
0x28: {  	s2 =	sld [smem:$0x3FA7]  }
0x29: {  	s4 =	sld [smem:$0x3FA9]  }
0x2a: {  	p0 =	seq.s32 s5, $0x0;
	s5 =	sld [smem:$0x3FAA]  }
0x2b: {  	s6 =	sld [smem:$0x3FAB]  }
0x2c: {  	s7 =	sld [smem:$0x3FAC]  }
0x2d: {  	s3 =	simm.s32 $0x108;
	s8 =	sld [smem:$0x3FAD]  }
0x2e: {  	s3 =	simm.s32 @!p0 $0x1082;
	s9 =	sld [smem:$0x3FAE]  }
0x2f: {  	lr =	sadd.s32 s0, s3;
	s0 =	sld [smem:$0x3FA5]  }
0x30: {  	s3 =	sld [smem:$0x3FA8]  }
0x31: {  	[smem:$0x3FB1] =	sst s10  }
0x32: {  	s10 =	sld [smem:$0x3FAF];
	_ =	sdelay $0x3  }
0x33: {  	p0 =	seq.s32 s10, $0x1;
	s10 =	sld [smem:$0x3FB1];
	_ =	sdelay $0x3  }
0x34: {  	[smem:$0x3FB1] =	sst s10  }
0x35: {  	s10 =	sld [smem:$0x3FB0];
	_ =	sdelay $0x3  }
0x36: {  	p1 =	seq.s32 s10, $0x1;
	s10 =	sld [smem:$0x3FB1];
	_ =	sdelay $0x3  }
0x37: {  	[smem:$0x3FB1] =	sst s10  }
0x38: {  	s10 =	sld [smem:$0x3FB2]  }
0x39: {  	_ = 	snop;
	(pc) =	sbr.ind lr, $3  }
0x3a: {  	_ = 	snop  }
0x3b: {  	_ = 	snop  }
0x3c: {  	p2 =	seq.s32 s10, $0x1;
	s10 =	sld [smem:$0x3FB1]  }
0x3d: {  	_ =	shalt  }
0x3e: {  	_ =	shalt  }
0x3f: {  	_ =	shalt  }
0x40: {  	_ =	shalt  }
0x41: {  	_ =	shalt  }
0x42: {  	_ =	shalt  }
0x43: {  	_ =	shalt  }
0x44: {  	_ =	shalt  }
0x45: {  	_ =	shalt  }
0x46: {  	_ =	shalt  }
0x47: {  	_ =	shalt  }
0x48: {  	_ =	shalt  }
0x49: {  	_ =	shalt  }
0x4a: {  	_ =	shalt  }
0x4b: {  	_ =	shalt  }
0x4c: {  	_ =	shalt  }
0x4d: {  	_ =	shalt  }
0x4e: {  	_ =	shalt  }
0x4f: {  	_ =	shalt  }
0x50: {  	_ =	shalt  }
0x51: {  	_ =	shalt  }
0x52: {  	_ =	shalt  }
0x53: {  	_ =	shalt  }
0x54: {  	_ =	shalt  }
0x55: {  	_ =	shalt  }
0x56: {  	_ =	shalt  }
0x57: {  	_ =	shalt  }
0x58: {  	_ =	shalt  }
0x59: {  	_ =	shalt  }
0x5a: {  	_ =	shalt  }
0x5b: {  	_ =	shalt  }
0x5c: {  	_ =	shalt  }
0x5d: {  	_ =	shalt  }
0x5e: {  	_ =	shalt  }
0x5f: {  	_ =	shalt  }
0x60: {  	_ =	shalt  }
0x61: {  	_ =	shalt  }
0x62: {  	_ =	shalt  }
0x63: {  	_ =	shalt  }
0x64: {  	_ =	shalt  }
0x65: {  	_ =	shalt  }
0x66: {  	_ =	shalt  }
0x67: {  	_ =	shalt  }
0x68: {  	_ =	shalt  }
0x69: {  	_ =	shalt  }
0x6a: {  	_ =	shalt  }
0x6b: {  	_ =	shalt  }
0x6c: {  	_ =	shalt  }
0x6d: {  	_ =	shalt  }
0x6e: {  	_ =	shalt  }
0x6f: {  	_ =	shalt  }
0x70: {  	_ =	shalt  }
0x71: {  	_ =	shalt  }
0x72: {  	_ =	shalt  }
0x73: {  	_ =	shalt  }
0x74: {  	_ =	shalt  }
0x75: {  	_ =	shalt  }
0x76: {  	_ =	shalt  }
0x77: {  	_ =	shalt  }
0x78: {  	_ =	shalt  }
0x79: {  	_ =	shalt  }
0x7a: {  	_ =	shalt  }
0x7b: {  	_ =	shalt  }
0x7c: {  	_ =	shalt  }
0x7d: {  	_ =	shalt  }
0x7e: {  	_ =	shalt  }
0x7f: {  	_ =	shalt  }
0x80: {  	_ =	shalt  }
0x81: {  	_ =	shalt  }
0x82: {  	_ =	shalt  }
0x83: {  	_ =	shalt  }
0x84: {  	_ =	shalt  }
0x85: {  	_ =	shalt  }
0x86: {  	_ =	shalt  }
0x87: {  	_ =	shalt  }
.Lfunc_end0:
.L_simem_size_0:
called_computation.2_lowered:
.L_overlay_start_0:
0x88: {  	s2 =	sld [smem:$0x3FD9]  }
0x89: {  	s3 =	sld [smem:$0x3FFE];
	_ =	sdelay $0x1  }
0x8a: {  	s1 =	srdreg.scid  }
0x8b: {  	s0 =	sand.u32 $0x1, s1  }
0x8c: {  	s16 =	sshll.u32 s0, $0xA;
	s2 =	sadd.s32 s3, s2  }
0x8d: {  	s2 =	sadd.s32 s2, s16  }
0x8e: {  	[smem:$0x3FBD] =	sst s2  }
0x8f: {  	_ = 	snop  }
0x90: {  	(tm) =	ssettm $0x1  }
0x91: {  	s17 =	sld [smem:$0x3FFB];
	_ =	sdelay $0x3  }
0x92: {  	_ =	strace s17  }
0x93: {  	s2 =	sld [smem:$0x3FFC];
	_ =	sdelay $0x3  }
0x94: {  	_ =	strace s2  }
0x95: {  	s2 =	sld [smem:$0x3FFD];
	_ =	sdelay $0x3  }
0x96: {  	_ =	strace s2  }
0x97: {  	_ =	strace $0x8FFFFFFF  }
0x98: {  	s18 =	sld [smem:$0x3FDB];
	_ =	sdelay $0x1  }
0x99: {  	s19 =	simm.s32 $_scs_section_size  }
0x9a: {  	s4 =	simm.s32 $_size__tile_overlayer_lowered;
	s5 =	simm.s32 $_tile_overlayer_lowered  }
0x9b: {  	s22 =	simm.s32 $0x1BFF;
	s21 =	sshll.u32 s5, $0x1;
	s2 =	sadd.s32 s19, s18  }
0x9c: {  	s6 =	simm.s32 $0x0;
	s20 =	sshll.u32 s4, $0x1;
	s4 =	sadd.s32 s21, s2  }
0x9d: {  	[timem:s6], [sflag:s22] =	dma.local [hbm:s4], s20  }
0x9e: {  	_ =	swait.ge [sflag:s22], s20  }
0x9f: {  	s3 =	ssub.s32 $0x0, s20;
	[sflag:s22] =	ssyncset.done $0x0  }
0xa0: {  	[sflag:s22] =	ssyncadd.s32 s3;
	_ =	sdelay $0x1  }
0xa1: {  	s23 =	simm.s32 $0x1B8B  }
0xa2: {  	_ =	swait.ge [sflag:s23], $0x1  }
0xa3: {  	[sflag:s23] =	ssyncset.done $0x0  }
0xa4: {  	s25 =	simm.s32 $0x1B8E;
	s24 =	sld [smem:$0x3FFE];
	[sflag:s23] =	ssyncadd.s32 $0xFFFFFFFF  }
0xa5: {  	s26 =	simm.s32 $execute0_lowered;
	[smem:$0x3FD2] =	sst s25  }
0xa6: {  	s4 =	sshll.u32 s26, $0x1;
	_ =	strace $0x8000004C;
	[dreg:$0x1] =	wrdreg $0xFFFFFFFF  }
0xa7: {  	s28 =	simm.s32 $_size_execute0_lowered;
	s2 =	sadd.s32 s2, s4;
	[dreg:$0x0] =	wrdreg $0x0  }
0xa8: {  	s4 =	sshll.u32 s28, $0x1;
	[dreg:$0x2] =	wrdreg s2  }
0xa9: {  	[dreg:$0x3] =	wrdreg s4  }
0xaa: {  	[dreg:$0x4] =	wrdreg $0xC0  }
0xab: {  	_ =	task [dreg:s6], $0x5FFFF  }
0xac: {  	[dreg:$0x1] =	wrdreg $0xFFFFFFFF  }
0xad: {  	[dreg:$0x0] =	wrdreg $0x60  }
0xae: {  	[dreg:$0x2] =	wrdreg s24  }
0xaf: {  	[dreg:$0x3] =	wrdreg $0xAE800  }
0xb0: {  	[dreg:$0x4] =	wrdreg $0x9  }
0xb1: {  	_ =	task.clear_ibuf [dreg:s6], $0x5FFFF;
	_ =	strace $0x9000004C  }
0xb2: {  	s29 =	simm.s32 $0x9;
	_ =	strace $0x8000004E  }
0xb3: {  	_ =	swait.ge [sflag:s29], $0x1  }
0xb4: {  	[sflag:s29] =	ssyncadd.s32 $0xFFFFFFFF  }
0xb5: {  	_ =	strace $0x9000004E  }
0xb6: {  	_ =	sfence  }
0xb7: {  	s30 =	sld [smem:$0x0];
	_ =	sdelay $0x2  }
0xb8: {  	s31 =	sshll.u32 s1, $0xD;
	s1 =	sshrl.u32 s1, $0x2  }
0xb9: {  	s3 =	sand.u32 $0x4000, s31;
	s1 =	sadd.s32 s1, s30  }
0xba: {  	s0 =	sor.u32 s3, s0;
	s1 =	sshll.u32 s1, $0x11  }
0xbb: {  	s0 =	sor.u32 s1, s0  }
0xbc: {  	s0 =	sadd.s32 $0x8F2B, s0  }
0xbd: {  	[sflag:s0] =	ssyncadd.remote.s32 $0x1  }
0xbe: {  	_ =	sfence.sel $0xFFFF  }
0xbf: {  	[dreg:$0x0] =	wrdreg $0xFFFFFFFF;
	(pc) =	sbr.abs _section_cstart, $3  }
0xc0: {  	[dreg:$0x1] =	wrdreg $0xFFFFFFFF  }
0xc1: {  	_ =	task.clear_ibuf [dreg:s6], $0x2FFFF;
	_ =	strace $0x9FFFFFFF  }
0xc2: {  	(tm) =	ssettm $0x7FFFFFFF  }
0xc3: {  	_ =	shalt  }
tec
execute0_lowered:
.L_overlay_start_1:
0x0: {  	(tag) =	ssettag $0x1  }
0x1: {  	s0 =	srdreg.scid  }
0x2: {  	s12 =	stileid.u32;
	s5 =	rddreg [dreg:$0x0]  }
0x3: {  	s2 =	rddreg [dreg:$0x1];
	s28 =	simm.s32 $0x3680;
	s29 =	simm.s32 $0x7  }
0x4: {  	s30 =	simm.s32 $0x80;
	s31 =	simm.s32 $0x400;
	s0 =	sand.u32 $0x1, s0  }
0x5: {  	s3 =	sshll.u32 s12, $0x7;
	s9 =	sadd.s32 $0x17600, s5;
	s11 =	smul.u32 $0x14000, s12  }
0x6: {  	s21 =	smul.u32 $0x50000, s12;
	s1 =	sshll.u32 s0, $0x4;
	s6 =	sand.u32 $0x380, s3  }
0x7: {  	s3 =	simm.s32 $0x0;
	s8 =	ssub.s32 $0x2, s0;
	s0 =	smul.u32 $0x140000, s0  }
0x8: {  	s1 =	sor.u32 s12, s1;
	[smem:$0x7FF] =	sst s3;
	s10 =	sshrl.u32 s8, $0x1  }
0x9: {  	s26 =	sadd.s32 $0x4000, s11;
	s15 =	sadd.s32 $0x8000, s11;
	s1 =	sshrl.u32 s1, $0x3  }
0xa: {  	s16 =	sadd.s32 $0xC000, s11;
	_ =	strace $0x8000004D;
	s4 =	smul.u32 $0x13C00, s1  }
0xb: {  	s8 =	ssub.s32 s8, s10;
	s22 =	sadd.s32 s0, s11;
	s1 =	smul.u32 $0x16800, s1  }
0xc: {  	s13 =	sadd.s32 s0, s26;
	s11 =	sadd.s32 $0x10000, s11;
	s24 =	smax.u32 s8, $0x1  }
0xd: {  	[dreg:$0x8] =	wrdreg s24;
	s4 =	sor.u32 s6, s4;
	s1 =	sor.u32 s6, s1  }
0xe: {  	s24 =	sadd.s32 s15, s2;
	s4 =	sshrl.u32 s4, $0x3;
	s6 =	sshrl.u32 s1, $0x3  }
0xf: {  	s19 =	sadd.s32 $0x7800, s1;
	s1 =	sadd.s32 $0xF000, s1;
	s7 =	sadd.s32 s4, s5  }
0x10: {  	s4 =	sadd.s32 $0x22A00, s5;
	s5 =	sadd.s32 $0x4AA00, s5;
	s6 =	sadd.s32 s9, s6  }
0x11: {  	s20 =	sshrl.u32 s19, $0x3;
	s7 =	sadd.s32 $0x3000, s7;
	[dreg:$0x4] =	wrdreg s6  }
0x12: {  	s1 =	sshrl.u32 s1, $0x3;
	s6 =	sadd.s32 s9, s20;
	[dreg:$0x3] =	wrdreg s7  }
0x13: {  	s1 =	sadd.s32 s9, s1;
	[dreg:$0x5] =	wrdreg s6;
	s6 =	sshrl.u32 s22, $0x3  }
0x14: {  	s7 =	sshrl.u32 s21, $0x2;
	[dreg:$0x6] =	wrdreg s1;
	s21 =	sadd.s32 s0, s15  }
0x15: {  	s22 =	sadd.s32 s0, s16;
	s0 =	sadd.s32 s0, s11;
	s1 =	simm.s32 $0x50  }
0x16: {  	s23 =	sadd.s32 s5, s6;
	s10 =	sadd.s32 s7, s2;
	s6 =	sshrl.u32 s13, $0x3  }
0x17: {  	s8 =	sshrl.u32 s21, $0x3;
	s0 =	sshrl.u32 s0, $0x3;
	s13 =	simm.s32 $0x6  }
0x18: {  	[dreg:$0x7] =	wrdreg s23;
	s25 =	sadd.s32 $0x2800, s10;
	s9 =	sadd.s32 $0x5000, s10  }
0x19: {  	s12 =	sadd.s32 $0x7800, s10;
	s7 =	sadd.s32 $0xA000, s10;
	s14 =	sadd.s32 $0xC800, s10  }
0x1a: {  	s17 =	sadd.s32 s5, s6;
	s18 =	sadd.s32 s5, s8;
	[dreg:$0x9] =	wrdreg s25  }
0x1b: {  	s20 =	sadd.s32 s5, s0;
	s21 =	sadd.s32 $0xF000, s10;
	[dreg:$0xa] =	wrdreg s9  }
0x1c: {  	s23 =	sadd.s32 s26, s2;
	s26 =	sadd.s32 s11, s2;
	[dreg:$0xb] =	wrdreg s12  }
0x1d: {  	s0 =	simm.s32 $0x5E80;
	s6 =	simm.s32 $0x2780;
	[dreg:$0xc] =	wrdreg s7  }
0x1e: {  	s8 =	simm.s32 $0x4;
	s11 =	simm.s32 $0x5;
	[dreg:$0xd] =	wrdreg s14  }
0x1f: {  	s9 =	sshrl.u32 s22, $0x3;
	s25 =	sadd.s32 s16, s2;
	s22 =	sshrl.u32 s23, $0x3  }
0x20: {  	s23 =	sshrl.u32 s24, $0x3;
	s7 =	simm.s32 $0x1;
	s12 =	simm.s32 $0x3  }
0x21: {  	s19 =	sadd.s32 s5, s9;
	s24 =	sshrl.u32 s25, $0x3;
	s25 =	sshrl.u32 s26, $0x3  }
0x22: {  	v0 =	vimm.f32 $0.0e+00;
	s26 =	sadd.s32 $0x11800, s10;
	s5 =	simm.s32 $0x8680;
	s9 =	simm.s32 $0x2  }
.LBB2_1:
0x23: {  	s14 =	simm.s32 $0x70;
	s15 =	simm.s32 $0x3C0  }
.LBB2_2:
0x24: {  	p0 =	sne.s32 s15, $0x9FC0;
	[tilespmem:s14+$0x3680] =	vst v0  }
0x25: {  	[tilespmem:s14+$0x3610] =	vst v0  }
0x26: {  	[tilespmem:s14+$0x3620] =	vst v0  }
.Ltmp0:
0x27: {  	[tilespmem:s14+$0x3630] =	vst v0;
	(pc) =	sbr.rel @p0 .LBB2_2-.Ltmp0, $4  }
0x28: {  	[tilespmem:s14+$0x3640] =	vst v0  }
0x29: {  	[tilespmem:s14+$0x3650] =	vst v0  }
0x2a: {  	[tilespmem:s14+$0x3660] =	vst v0  }
0x2b: {  	[tilespmem:s14+$0x3670] =	vst v0;
	s14 =	sshra.s32 s15, $0x2;
	s15 =	sadd.s32 $0x200, s15  }
0x2c: {  	[tilespmem:s14+$0x3680] =	vst v0  }
0x2d: {  	[tilespmem:s14+$0x3610] =	vst v0  }
0x2e: {  	[tilespmem:s14+$0x3620] =	vst v0  }
0x2f: {  	[tilespmem:s14+$0x3630] =	vst v0  }
0x30: {  	[tilespmem:s14+$0x3640] =	vst v0  }
0x31: {  	[tilespmem:s14+$0x3650] =	vst v0  }
0x32: {  	[tilespmem:s14+$0x3660] =	vst v0  }
0x33: {  	[tilespmem:s14+$0x3670] =	vst v0  }
0x34: {  	[spmem:s10] =	stream.linear.scatter [tilespmem:s28], [sflag:$0x7], $0x2800, $0x38;
	[tilespmem:$0x1EE80] =	vst v63  }
0x35: {  	_ =	swait.ge [sflag:s29], $0x2800  }
0x36: {  	[sflag:s29] =	ssyncset.done $0x0  }
0x37: {  	s15 =	rddreg [dreg:$0x9];
	[sflag:s29] =	ssyncadd.s32 $0xFFFFD800  }
0x38: {  	[spmem:s15] =	stream.linear.scatter [tilespmem:s28], [sflag:$0x7], $0x2800, $0x38;
	[tilespmem:$0x1EE80] =	vst v63  }
0x39: {  	_ =	swait.ge [sflag:s29], $0x2800  }
0x3a: {  	[sflag:s29] =	ssyncset.done $0x0  }
0x3b: {  	s16 =	rddreg [dreg:$0xa];
	[sflag:s29] =	ssyncadd.s32 $0xFFFFD800  }
0x3c: {  	[spmem:s16] =	stream.linear.scatter [tilespmem:s28], [sflag:$0x7], $0x2800, $0x38;
	[tilespmem:$0x1EE80] =	vst v63  }
0x3d: {  	_ =	swait.ge [sflag:s29], $0x2800  }
0x3e: {  	[sflag:s29] =	ssyncset.done $0x0  }
0x3f: {  	s15 =	rddreg [dreg:$0xb];
	[sflag:s29] =	ssyncadd.s32 $0xFFFFD800  }
0x40: {  	[spmem:s15] =	stream.linear.scatter [tilespmem:s28], [sflag:$0x7], $0x2800, $0x38;
	[tilespmem:$0x1EE80] =	vst v63  }
0x41: {  	_ =	swait.ge [sflag:s29], $0x2800  }
0x42: {  	[sflag:s29] =	ssyncset.done $0x0  }
0x43: {  	s16 =	rddreg [dreg:$0xc];
	[sflag:s29] =	ssyncadd.s32 $0xFFFFD800  }
0x44: {  	[spmem:s16] =	stream.linear.scatter [tilespmem:s28], [sflag:$0x7], $0x2800, $0x38;
	[tilespmem:$0x1EE80] =	vst v63  }
0x45: {  	_ =	swait.ge [sflag:s29], $0x2800  }
0x46: {  	[sflag:s29] =	ssyncset.done $0x0  }
0x47: {  	s15 =	rddreg [dreg:$0xd];
	[sflag:s29] =	ssyncadd.s32 $0xFFFFD800  }
0x48: {  	[spmem:s15] =	stream.linear.scatter [tilespmem:s28], [sflag:$0x7], $0x2800, $0x38;
	[tilespmem:$0x1EE80] =	vst v63  }
0x49: {  	_ =	swait.ge [sflag:s29], $0x2800  }
0x4a: {  	[sflag:s29] =	ssyncset.done $0x0  }
0x4b: {  	[sflag:s29] =	ssyncadd.s32 $0xFFFFD800  }
0x4c: {  	[spmem:s21] =	stream.linear.scatter [tilespmem:s28], [sflag:$0x7], $0x2800, $0x38;
	[tilespmem:$0x1EE80] =	vst v63  }
0x4d: {  	_ =	swait.ge [sflag:s29], $0x2800  }
0x4e: {  	[sflag:s29] =	ssyncset.done $0x0  }
0x4f: {  	[sflag:s29] =	ssyncadd.s32 $0xFFFFD800  }
0x50: {  	[spmem:s26] =	stream.linear.scatter [tilespmem:s28], [sflag:$0x7], $0x2800, $0x38;
	[tilespmem:$0x1EE80] =	vst v63  }
0x51: {  	_ =	swait.ge [sflag:s29], $0x2800  }
0x52: {  	[sflag:s29] =	ssyncset.done $0x0  }
0x53: {  	[sflag:s29] =	ssyncadd.s32 $0xFFFFD800  }
0x54: {  	[bflag:$0x0] =	sbarrier.arrive $0xFFFF  }
0x55: {  	s16 =	simm.s32 $0x0;
	s15 =	rddreg [dreg:$0x3]  }
0x56: {  	[tilespmem:s16], [sflag:$0x7] =	stream.strided.gather [hbm4b:s15+s30], $0x2780, s31, s30, $0x38;
	[tilespmem:$0x1EE80] =	vst v63  }
0x57: {  	_ =	swait.ge [sflag:s29], $0x2780  }
0x58: {  	[sflag:s29] =	ssyncset.done $0x0  }
0x59: {  	[sflag:s29] =	ssyncadd.s32 $0xFFFFD880  }
0x5a: {  	[tilespmem:s28], [sflag:$0x1] =	stream.indirect.gather [hbm4b:s4+s1], $0x80, s16, s1, $0xb8;
	[tilespmem:$0x1EE80] =	vst v63  }
0x5b: {  	_ = 	snop  }
0x5c: {  	[tilespmem:s0], [sflag:$0x2] =	stream.indirect.gather [hbm4b:s4+s1], $0x80, s1, s1, $0xb8;
	[tilespmem:$0x1EE80] =	vst v63  }
0x5d: {  	s16 =	simm.s32 $0xA0  }
0x5e: {  	[tilespmem:s5], [sflag:$0x3] =	stream.indirect.gather [hbm4b:s4+s1], $0x80, s16, s1, $0xb8;
	[tilespmem:$0x1EE80] =	vst v63  }
0x5f: {  	s15 =	rddreg [dreg:$0x4]  }
0x60: {  	[tilespmem:s6], [sflag:$0x7] =	stream.strided.gather [hbm4b:s15+s30], $0xF00, s31, s30, $0x38;
	[tilespmem:$0x1EE80] =	vst v63  }
0x61: {  	_ =	swait.ge [sflag:s29], $0xF00  }
0x62: {  	[sflag:s29] =	ssyncset.done $0x0  }
0x63: {  	[sflag:s29] =	ssyncadd.s32 $0xFFFFF100  }
0x64: {  	_ =	swait.ge [sflag:s7], $0x2800  }
0x65: {  	[sflag:s7] =	ssyncset.done $0x0  }
0x66: {  	s16 =	simm.s32 $0x2780;
	[sflag:s7] =	ssyncadd.s32 $0xFFFFD800  }
0x67: {  	[spmem:s2] =	stream.indirect.scatter.add.f32 [tilespmem:s28], [sflag:$0x4], $0x80, s16, s1, $0xb8;
	[tilespmem:$0x1EE80] =	vst v63  }
0x68: {  	_ =	swait.ge [sflag:s8], $0x2800  }
0x69: {  	[sflag:s8] =	ssyncset.done $0x0  }
0x6a: {  	s15 =	simm.s32 $0xF0;
	[sflag:s8] =	ssyncadd.s32 $0xFFFFD800  }
0x6b: {  	[tilespmem:s28], [sflag:$0x1] =	stream.indirect.gather [hbm4b:s4+s1], $0x80, s15, s1, $0xb8;
	[tilespmem:$0x1EE80] =	vst v63  }
0x6c: {  	_ =	swait.ge [sflag:s9], $0x2800  }
0x6d: {  	[sflag:s9] =	ssyncset.done $0x0  }
0x6e: {  	s16 =	simm.s32 $0x27D0;
	[sflag:s9] =	ssyncadd.s32 $0xFFFFD800  }
0x6f: {  	[spmem:s2] =	stream.indirect.scatter.add.f32 [tilespmem:s0], [sflag:$0x5], $0x80, s16, s1, $0xb8;
	[tilespmem:$0x1EE80] =	vst v63  }
0x70: {  	_ =	swait.ge [sflag:s11], $0x2800  }
0x71: {  	[sflag:s11] =	ssyncset.done $0x0  }
0x72: {  	s15 =	simm.s32 $0x140;
	[sflag:s11] =	ssyncadd.s32 $0xFFFFD800  }
0x73: {  	[tilespmem:s0], [sflag:$0x2] =	stream.indirect.gather [hbm4b:s4+s1], $0x80, s15, s1, $0xb8;
	[tilespmem:$0x1EE80] =	vst v63  }
0x74: {  	_ =	swait.ge [sflag:s12], $0x2800  }
0x75: {  	[sflag:s12] =	ssyncset.done $0x0  }
0x76: {  	s16 =	simm.s32 $0x2820;
	[sflag:s12] =	ssyncadd.s32 $0xFFFFD800  }
0x77: {  	[spmem:s2] =	stream.indirect.scatter.add.f32 [tilespmem:s5], [sflag:$0x6], $0x80, s16, s1, $0xb8;
	[tilespmem:$0x1EE80] =	vst v63  }
0x78: {  	_ =	swait.ge [sflag:s13], $0x2800  }
0x79: {  	[sflag:s13] =	ssyncset.done $0x0  }
0x7a: {  	s14 =	simm.s32 $0x3C0;
	s15 =	simm.s32 $0x190;
	[sflag:s13] =	ssyncadd.s32 $0xFFFFD800  }
.LBB2_4:
0x7b: {  	[tilespmem:s5], [sflag:$0x3] =	stream.indirect.gather [hbm4b:s4+s1], $0x80, s15, s1, $0xb8;
	[tilespmem:$0x1EE80] =	vst v63  }
0x7c: {  	s15 =	smov.u32 s14  }
0x7d: {  	p0 =	sne.s32 s14, $0x3840;
	s14 =	sadd.s32 $0x3C0, s14;
	_ =	swait.ge [sflag:s7], $0x2800  }
0x7e: {  	s15 =	sshra.s32 s15, $0x2;
	[sflag:s7] =	ssyncset.done $0x0  }
0x7f: {  	s16 =	sadd.s32 $0x2780, s15;
	[sflag:s7] =	ssyncadd.s32 $0xFFFFD800  }
0x80: {  	[spmem:s2] =	stream.indirect.scatter.add.f32 [tilespmem:s28], [sflag:$0x4], $0x80, s16, s1, $0xb8;
	[tilespmem:$0x1EE80] =	vst v63  }
0x81: {  	_ =	swait.ge [sflag:s8], $0x2800  }
0x82: {  	[sflag:s8] =	ssyncset.done $0x0  }
0x83: {  	s16 =	sadd.s32 $0xF0, s15;
	[sflag:s8] =	ssyncadd.s32 $0xFFFFD800  }
0x84: {  	[tilespmem:s28], [sflag:$0x1] =	stream.indirect.gather [hbm4b:s4+s1], $0x80, s16, s1, $0xb8;
	[tilespmem:$0x1EE80] =	vst v63  }
0x85: {  	_ =	swait.ge [sflag:s9], $0x2800  }
0x86: {  	[sflag:s9] =	ssyncset.done $0x0  }
0x87: {  	s16 =	sadd.s32 $0x27D0, s15;
	[sflag:s9] =	ssyncadd.s32 $0xFFFFD800  }
0x88: {  	[spmem:s2] =	stream.indirect.scatter.add.f32 [tilespmem:s0], [sflag:$0x5], $0x80, s16, s1, $0xb8;
	[tilespmem:$0x1EE80] =	vst v63  }
0x89: {  	_ =	swait.ge [sflag:s11], $0x2800  }
0x8a: {  	[sflag:s11] =	ssyncset.done $0x0  }
0x8b: {  	s16 =	sadd.s32 $0x140, s15;
	[sflag:s11] =	ssyncadd.s32 $0xFFFFD800  }
0x8c: {  	[tilespmem:s0], [sflag:$0x2] =	stream.indirect.gather [hbm4b:s4+s1], $0x80, s16, s1, $0xb8;
	[tilespmem:$0x1EE80] =	vst v63  }
0x8d: {  	_ =	swait.ge [sflag:s12], $0x2800  }
0x8e: {  	[sflag:s12] =	ssyncset.done $0x0  }
.Ltmp1:
0x8f: {  	s16 =	sadd.s32 $0x2820, s15;
	[sflag:s12] =	ssyncadd.s32 $0xFFFFD800;
	(pc) =	sbr.rel @p0 .LBB2_4-.Ltmp1, $4  }
0x90: {  	[spmem:s2] =	stream.indirect.scatter.add.f32 [tilespmem:s5], [sflag:$0x6], $0x80, s16, s1, $0xb8;
	[tilespmem:$0x1EE80] =	vst v63  }
0x91: {  	_ =	swait.ge [sflag:s13], $0x2800  }
0x92: {  	[sflag:s13] =	ssyncset.done $0x0  }
0x93: {  	s15 =	sadd.s32 $0x190, s15;
	[sflag:s13] =	ssyncadd.s32 $0xFFFFD800  }
0x94: {  	[tilespmem:s5], [sflag:$0x3] =	stream.indirect.gather [hbm4b:s4+s1], $0x80, s15, s1, $0xb8;
	[tilespmem:$0x1EE80] =	vst v63  }
0x95: {  	s14 =	rddreg [dreg:$0x5]  }
0x96: {  	[tilespmem:s6], [sflag:$0x7] =	stream.strided.gather [hbm4b:s14+s30], $0xF00, s31, s30, $0x38;
	[tilespmem:$0x1EE80] =	vst v63  }
0x97: {  	_ =	swait.ge [sflag:s29], $0xF00  }
0x98: {  	[sflag:s29] =	ssyncset.done $0x0  }
0x99: {  	[sflag:s29] =	ssyncadd.s32 $0xFFFFF100  }
0x9a: {  	_ =	swait.ge [sflag:s7], $0x2800  }
0x9b: {  	[sflag:s7] =	ssyncset.done $0x0  }
0x9c: {  	s16 =	simm.s32 $0x2780;
	[sflag:s7] =	ssyncadd.s32 $0xFFFFD800  }
0x9d: {  	[spmem:s2] =	stream.indirect.scatter.add.f32 [tilespmem:s28], [sflag:$0x4], $0x80, s16, s1, $0xb8;
	[tilespmem:$0x1EE80] =	vst v63  }
0x9e: {  	_ =	swait.ge [sflag:s8], $0x2800  }
0x9f: {  	[sflag:s8] =	ssyncset.done $0x0  }
0xa0: {  	s15 =	simm.s32 $0xFF0;
	[sflag:s8] =	ssyncadd.s32 $0xFFFFD800  }
0xa1: {  	[tilespmem:s28], [sflag:$0x1] =	stream.indirect.gather [hbm4b:s4+s1], $0x80, s15, s1, $0xb8;
	[tilespmem:$0x1EE80] =	vst v63  }
0xa2: {  	_ =	swait.ge [sflag:s9], $0x2800  }
0xa3: {  	[sflag:s9] =	ssyncset.done $0x0  }
0xa4: {  	s16 =	simm.s32 $0x27D0;
	[sflag:s9] =	ssyncadd.s32 $0xFFFFD800  }
0xa5: {  	[spmem:s2] =	stream.indirect.scatter.add.f32 [tilespmem:s0], [sflag:$0x5], $0x80, s16, s1, $0xb8;
	[tilespmem:$0x1EE80] =	vst v63  }
0xa6: {  	_ =	swait.ge [sflag:s11], $0x2800  }
0xa7: {  	[sflag:s11] =	ssyncset.done $0x0  }
0xa8: {  	s15 =	simm.s32 $0x1040;
	[sflag:s11] =	ssyncadd.s32 $0xFFFFD800  }
0xa9: {  	[tilespmem:s0], [sflag:$0x2] =	stream.indirect.gather [hbm4b:s4+s1], $0x80, s15, s1, $0xb8;
	[tilespmem:$0x1EE80] =	vst v63  }
0xaa: {  	_ =	swait.ge [sflag:s12], $0x2800  }
0xab: {  	[sflag:s12] =	ssyncset.done $0x0  }
0xac: {  	s16 =	simm.s32 $0x2820;
	[sflag:s12] =	ssyncadd.s32 $0xFFFFD800  }
0xad: {  	[spmem:s2] =	stream.indirect.scatter.add.f32 [tilespmem:s5], [sflag:$0x6], $0x80, s16, s1, $0xb8;
	[tilespmem:$0x1EE80] =	vst v63  }
0xae: {  	_ =	swait.ge [sflag:s13], $0x2800  }
0xaf: {  	[sflag:s13] =	ssyncset.done $0x0  }
0xb0: {  	s14 =	simm.s32 $0x3C0;
	s15 =	simm.s32 $0x1090;
	[sflag:s13] =	ssyncadd.s32 $0xFFFFD800  }
.LBB2_6:
0xb1: {  	[tilespmem:s5], [sflag:$0x3] =	stream.indirect.gather [hbm4b:s4+s1], $0x80, s15, s1, $0xb8;
	[tilespmem:$0x1EE80] =	vst v63  }
0xb2: {  	s15 =	smov.u32 s14  }
0xb3: {  	p0 =	sne.s32 s14, $0x3840;
	s14 =	sadd.s32 $0x3C0, s14;
	_ =	swait.ge [sflag:s7], $0x2800  }
0xb4: {  	s15 =	sshra.s32 s15, $0x2;
	[sflag:s7] =	ssyncset.done $0x0  }
0xb5: {  	s16 =	sadd.s32 $0x2780, s15;
	[sflag:s7] =	ssyncadd.s32 $0xFFFFD800  }
0xb6: {  	[spmem:s2] =	stream.indirect.scatter.add.f32 [tilespmem:s28], [sflag:$0x4], $0x80, s16, s1, $0xb8;
	[tilespmem:$0x1EE80] =	vst v63  }
0xb7: {  	_ =	swait.ge [sflag:s8], $0x2800  }
0xb8: {  	[sflag:s8] =	ssyncset.done $0x0  }
0xb9: {  	s16 =	sadd.s32 $0xFF0, s15;
	[sflag:s8] =	ssyncadd.s32 $0xFFFFD800  }
0xba: {  	[tilespmem:s28], [sflag:$0x1] =	stream.indirect.gather [hbm4b:s4+s1], $0x80, s16, s1, $0xb8;
	[tilespmem:$0x1EE80] =	vst v63  }
0xbb: {  	_ =	swait.ge [sflag:s9], $0x2800  }
0xbc: {  	[sflag:s9] =	ssyncset.done $0x0  }
0xbd: {  	s16 =	sadd.s32 $0x27D0, s15;
	[sflag:s9] =	ssyncadd.s32 $0xFFFFD800  }
0xbe: {  	[spmem:s2] =	stream.indirect.scatter.add.f32 [tilespmem:s0], [sflag:$0x5], $0x80, s16, s1, $0xb8;
	[tilespmem:$0x1EE80] =	vst v63  }
0xbf: {  	_ =	swait.ge [sflag:s11], $0x2800  }
0xc0: {  	[sflag:s11] =	ssyncset.done $0x0  }
0xc1: {  	s16 =	sadd.s32 $0x1040, s15;
	[sflag:s11] =	ssyncadd.s32 $0xFFFFD800  }
0xc2: {  	[tilespmem:s0], [sflag:$0x2] =	stream.indirect.gather [hbm4b:s4+s1], $0x80, s16, s1, $0xb8;
	[tilespmem:$0x1EE80] =	vst v63  }
0xc3: {  	_ =	swait.ge [sflag:s12], $0x2800  }
0xc4: {  	[sflag:s12] =	ssyncset.done $0x0  }
.Ltmp2:
0xc5: {  	s16 =	sadd.s32 $0x2820, s15;
	[sflag:s12] =	ssyncadd.s32 $0xFFFFD800;
	(pc) =	sbr.rel @p0 .LBB2_6-.Ltmp2, $4  }
0xc6: {  	[spmem:s2] =	stream.indirect.scatter.add.f32 [tilespmem:s5], [sflag:$0x6], $0x80, s16, s1, $0xb8;
	[tilespmem:$0x1EE80] =	vst v63  }
0xc7: {  	_ =	swait.ge [sflag:s13], $0x2800  }
0xc8: {  	[sflag:s13] =	ssyncset.done $0x0  }
0xc9: {  	s15 =	sadd.s32 $0x1090, s15;
	[sflag:s13] =	ssyncadd.s32 $0xFFFFD800  }
0xca: {  	[tilespmem:s5], [sflag:$0x3] =	stream.indirect.gather [hbm4b:s4+s1], $0x80, s15, s1, $0xb8;
	[tilespmem:$0x1EE80] =	vst v63  }
0xcb: {  	s14 =	rddreg [dreg:$0x6]  }
0xcc: {  	[tilespmem:s6], [sflag:$0x7] =	stream.strided.gather [hbm4b:s14+s30], $0xF00, s31, s30, $0x38;
	[tilespmem:$0x1EE80] =	vst v63  }
0xcd: {  	_ =	swait.ge [sflag:s29], $0xF00  }
0xce: {  	[sflag:s29] =	ssyncset.done $0x0  }
0xcf: {  	[sflag:s29] =	ssyncadd.s32 $0xFFFFF100  }
0xd0: {  	_ =	swait.ge [sflag:s7], $0x2800  }
0xd1: {  	[sflag:s7] =	ssyncset.done $0x0  }
0xd2: {  	s16 =	simm.s32 $0x2780;
	[sflag:s7] =	ssyncadd.s32 $0xFFFFD800  }
0xd3: {  	[spmem:s2] =	stream.indirect.scatter.add.f32 [tilespmem:s28], [sflag:$0x4], $0x80, s16, s1, $0xb8;
	[tilespmem:$0x1EE80] =	vst v63  }
0xd4: {  	_ =	swait.ge [sflag:s8], $0x2800  }
0xd5: {  	[sflag:s8] =	ssyncset.done $0x0  }
0xd6: {  	s15 =	simm.s32 $0x1EF0;
	[sflag:s8] =	ssyncadd.s32 $0xFFFFD800  }
0xd7: {  	[tilespmem:s28], [sflag:$0x1] =	stream.indirect.gather [hbm4b:s4+s1], $0x80, s15, s1, $0xb8;
	[tilespmem:$0x1EE80] =	vst v63  }
0xd8: {  	_ =	swait.ge [sflag:s9], $0x2800  }
0xd9: {  	[sflag:s9] =	ssyncset.done $0x0  }
0xda: {  	s16 =	simm.s32 $0x27D0;
	[sflag:s9] =	ssyncadd.s32 $0xFFFFD800  }
0xdb: {  	[spmem:s2] =	stream.indirect.scatter.add.f32 [tilespmem:s0], [sflag:$0x5], $0x80, s16, s1, $0xb8;
	[tilespmem:$0x1EE80] =	vst v63  }
0xdc: {  	_ =	swait.ge [sflag:s11], $0x2800  }
0xdd: {  	[sflag:s11] =	ssyncset.done $0x0  }
0xde: {  	s15 =	simm.s32 $0x1F40;
	[sflag:s11] =	ssyncadd.s32 $0xFFFFD800  }
0xdf: {  	[tilespmem:s0], [sflag:$0x2] =	stream.indirect.gather [hbm4b:s4+s1], $0x80, s15, s1, $0xb8;
	[tilespmem:$0x1EE80] =	vst v63  }
0xe0: {  	_ =	swait.ge [sflag:s12], $0x2800  }
0xe1: {  	[sflag:s12] =	ssyncset.done $0x0  }
0xe2: {  	s16 =	simm.s32 $0x2820;
	[sflag:s12] =	ssyncadd.s32 $0xFFFFD800  }
0xe3: {  	[spmem:s2] =	stream.indirect.scatter.add.f32 [tilespmem:s5], [sflag:$0x6], $0x80, s16, s1, $0xb8;
	[tilespmem:$0x1EE80] =	vst v63  }
0xe4: {  	_ =	swait.ge [sflag:s13], $0x2800  }
0xe5: {  	[sflag:s13] =	ssyncset.done $0x0  }
0xe6: {  	s14 =	simm.s32 $0x3C0;
	s15 =	simm.s32 $0x1F90;
	[sflag:s13] =	ssyncadd.s32 $0xFFFFD800  }
.LBB2_8:
0xe7: {  	[tilespmem:s5], [sflag:$0x3] =	stream.indirect.gather [hbm4b:s4+s1], $0x80, s15, s1, $0xb8;
	[tilespmem:$0x1EE80] =	vst v63  }
0xe8: {  	s15 =	smov.u32 s14  }
0xe9: {  	p0 =	sne.s32 s14, $0x1A40;
	s14 =	sadd.s32 $0x3C0, s14;
	_ =	swait.ge [sflag:s7], $0x2800  }
0xea: {  	s15 =	sshra.s32 s15, $0x2;
	[sflag:s7] =	ssyncset.done $0x0  }
0xeb: {  	s16 =	sadd.s32 $0x2780, s15;
	[sflag:s7] =	ssyncadd.s32 $0xFFFFD800  }
0xec: {  	[spmem:s2] =	stream.indirect.scatter.add.f32 [tilespmem:s28], [sflag:$0x4], $0x80, s16, s1, $0xb8;
	[tilespmem:$0x1EE80] =	vst v63  }
0xed: {  	_ =	swait.ge [sflag:s8], $0x2800  }
0xee: {  	[sflag:s8] =	ssyncset.done $0x0  }
0xef: {  	s16 =	sadd.s32 $0x1EF0, s15;
	[sflag:s8] =	ssyncadd.s32 $0xFFFFD800  }
0xf0: {  	[tilespmem:s28], [sflag:$0x1] =	stream.indirect.gather [hbm4b:s4+s1], $0x80, s16, s1, $0xb8;
	[tilespmem:$0x1EE80] =	vst v63  }
0xf1: {  	_ =	swait.ge [sflag:s9], $0x2800  }
0xf2: {  	[sflag:s9] =	ssyncset.done $0x0  }
0xf3: {  	s16 =	sadd.s32 $0x27D0, s15;
	[sflag:s9] =	ssyncadd.s32 $0xFFFFD800  }
0xf4: {  	[spmem:s2] =	stream.indirect.scatter.add.f32 [tilespmem:s0], [sflag:$0x5], $0x80, s16, s1, $0xb8;
	[tilespmem:$0x1EE80] =	vst v63  }
0xf5: {  	_ =	swait.ge [sflag:s11], $0x2800  }
0xf6: {  	[sflag:s11] =	ssyncset.done $0x0  }
0xf7: {  	s16 =	sadd.s32 $0x1F40, s15;
	[sflag:s11] =	ssyncadd.s32 $0xFFFFD800  }
0xf8: {  	[tilespmem:s0], [sflag:$0x2] =	stream.indirect.gather [hbm4b:s4+s1], $0x80, s16, s1, $0xb8;
	[tilespmem:$0x1EE80] =	vst v63  }
0xf9: {  	_ =	swait.ge [sflag:s12], $0x2800  }
0xfa: {  	[sflag:s12] =	ssyncset.done $0x0  }
.Ltmp3:
0xfb: {  	s16 =	sadd.s32 $0x2820, s15;
	[sflag:s12] =	ssyncadd.s32 $0xFFFFD800;
	(pc) =	sbr.rel @p0 .LBB2_8-.Ltmp3, $4  }
0xfc: {  	[spmem:s2] =	stream.indirect.scatter.add.f32 [tilespmem:s5], [sflag:$0x6], $0x80, s16, s1, $0xb8;
	[tilespmem:$0x1EE80] =	vst v63  }
0xfd: {  	_ =	swait.ge [sflag:s13], $0x2800  }
0xfe: {  	[sflag:s13] =	ssyncset.done $0x0  }
0xff: {  	s15 =	sadd.s32 $0x1F90, s15;
	[sflag:s13] =	ssyncadd.s32 $0xFFFFD800  }
0x100: {  	[tilespmem:s5], [sflag:$0x3] =	stream.indirect.gather [hbm4b:s4+s1], $0x80, s15, s1, $0xb8;
	[tilespmem:$0x1EE80] =	vst v63  }
0x101: {  	_ =	swait.ge [sflag:s7], $0x2800  }
0x102: {  	[sflag:s7] =	ssyncset.done $0x0  }
0x103: {  	s14 =	simm.s32 $0x2F00;
	[sflag:s7] =	ssyncadd.s32 $0xFFFFD800  }
0x104: {  	[spmem:s2] =	stream.indirect.scatter.add.f32 [tilespmem:s28], [sflag:$0x4], $0x80, s14, s1, $0xb8;
	[tilespmem:$0x1EE80] =	vst v63  }
0x105: {  	_ =	swait.ge [sflag:s8], $0x2800  }
0x106: {  	[sflag:s8] =	ssyncset.done $0x0  }
0x107: {  	s15 =	simm.s32 $0x2670;
	[sflag:s8] =	ssyncadd.s32 $0xFFFFD800  }
0x108: {  	[tilespmem:s28], [sflag:$0x1] =	stream.indirect.gather [hbm4b:s4+s1], $0x80, s15, s1, $0xb8;
	[tilespmem:$0x1EE80] =	vst v63  }
0x109: {  	_ =	swait.ge [sflag:s9], $0x2800  }
0x10a: {  	[sflag:s9] =	ssyncset.done $0x0  }
0x10b: {  	s16 =	simm.s32 $0x2F50;
	[sflag:s9] =	ssyncadd.s32 $0xFFFFD800  }
0x10c: {  	[spmem:s2] =	stream.indirect.scatter.add.f32 [tilespmem:s0], [sflag:$0x5], $0x80, s16, s1, $0xb8;
	[tilespmem:$0x1EE80] =	vst v63  }
0x10d: {  	_ =	swait.ge [sflag:s11], $0x2800  }
0x10e: {  	[sflag:s11] =	ssyncset.done $0x0  }
0x10f: {  	s15 =	simm.s32 $0x26C0;
	[sflag:s11] =	ssyncadd.s32 $0xFFFFD800  }
0x110: {  	[tilespmem:s0], [sflag:$0x2] =	stream.indirect.gather [hbm4b:s4+s1], $0x80, s15, s1, $0xb8;
	[tilespmem:$0x1EE80] =	vst v63  }
0x111: {  	_ =	swait.ge [sflag:s12], $0x2800  }
0x112: {  	[sflag:s12] =	ssyncset.done $0x0  }
0x113: {  	s16 =	simm.s32 $0x2FA0;
	[sflag:s12] =	ssyncadd.s32 $0xFFFFD800  }
0x114: {  	[spmem:s2] =	stream.indirect.scatter.add.f32 [tilespmem:s5], [sflag:$0x6], $0x80, s16, s1, $0xb8;
	[tilespmem:$0x1EE80] =	vst v63  }
0x115: {  	_ =	swait.ge [sflag:s7], $0x2800  }
0x116: {  	[sflag:s7] =	ssyncset.done $0x0  }
0x117: {  	s15 =	simm.s32 $0x2FF0;
	[sflag:s7] =	ssyncadd.s32 $0xFFFFD800  }
0x118: {  	[spmem:s2] =	stream.indirect.scatter.add.f32 [tilespmem:s28], [sflag:$0x4], $0x80, s15, s1, $0xb8;
	[tilespmem:$0x1EE80] =	vst v63  }
0x119: {  	_ =	swait.ge [sflag:s9], $0x2800  }
0x11a: {  	[sflag:s9] =	ssyncset.done $0x0  }
0x11b: {  	s16 =	simm.s32 $0x3040;
	[sflag:s9] =	ssyncadd.s32 $0xFFFFD800  }
0x11c: {  	[spmem:s2] =	stream.indirect.scatter.add.f32 [tilespmem:s0], [sflag:$0x5], $0x80, s16, s1, $0xb8;
	[tilespmem:$0x1EE80] =	vst v63  }
0x11d: {  	_ =	swait.ge [sflag:s13], $0x2800  }
0x11e: {  	[sflag:s13] =	ssyncset.done $0x0  }
0x11f: {  	[sflag:s13] =	ssyncadd.s32 $0xFFFFD800  }
0x120: {  	_ =	swait.ge [sflag:s8], $0x2800  }
0x121: {  	[sflag:s8] =	ssyncset.done $0x0  }
0x122: {  	[sflag:s8] =	ssyncadd.s32 $0xFFFFD800  }
0x123: {  	_ =	swait.ge [sflag:s11], $0x2800  }
0x124: {  	[sflag:s11] =	ssyncset.done $0x0  }
0x125: {  	s15 =	stileid.u32;
	[sflag:s11] =	ssyncadd.s32 $0xFFFFD800  }
0x126: {  	s14 =	sshll.u32 s15, $0x6;
	[bflag:$0x0] =	sbarrier.arrive $0xFFFF  }
0x127: {  	s15 =	sshrl.u32 s10, $0x3;
	s14 =	sor.u32 $0x1C07, s14;
	s16 =	rddreg [dreg:$0x7]  }
0x128: {  	[hbm:s16], [sflag:s14] =	dma.local [spmem:s15], $0x800  }
0x129: {  	_ =	swait.ge [sflag:s29], $0x800  }
0x12a: {  	[sflag:s29] =	ssyncset.done $0x0  }
0x12b: {  	[sflag:s29] =	ssyncadd.s32 $0xFFFFF800  }
0x12c: {  	[hbm:s17], [sflag:s14] =	dma.local [spmem:s22], $0x800  }
0x12d: {  	_ =	swait.ge [sflag:s29], $0x800  }
0x12e: {  	[sflag:s29] =	ssyncset.done $0x0  }
0x12f: {  	[sflag:s29] =	ssyncadd.s32 $0xFFFFF800  }
0x130: {  	[hbm:s18], [sflag:s14] =	dma.local [spmem:s23], $0x800  }
0x131: {  	_ =	swait.ge [sflag:s29], $0x800  }
0x132: {  	[sflag:s29] =	ssyncset.done $0x0  }
0x133: {  	[sflag:s29] =	ssyncadd.s32 $0xFFFFF800  }
0x134: {  	[hbm:s19], [sflag:s14] =	dma.local [spmem:s24], $0x800  }
0x135: {  	_ =	swait.ge [sflag:s29], $0x800  }
0x136: {  	[sflag:s29] =	ssyncset.done $0x0  }
0x137: {  	[sflag:s29] =	ssyncadd.s32 $0xFFFFF800  }
0x138: {  	[hbm:s20], [sflag:s14] =	dma.local [spmem:s25], $0x800  }
0x139: {  	_ =	swait.ge [sflag:s29], $0x800  }
0x13a: {  	s3 =	sadd.s32 $0x1, s3;
	s16 =	rddreg [dreg:$0x8]  }
0x13b: {  	p0 =	sne.s32 s3, s16  }
.Ltmp4:
0x13c: {  	_ = 	snop;
	(pc) =	sbr.rel @p0 .LBB2_1-.Ltmp4, $3  }
0x13d: {  	_ =	sdelay $0x1  }
0x13e: {  	[sflag:s29] =	ssyncset.done $0x0  }
0x13f: {  	[sflag:s29] =	ssyncadd.s32 $0xFFFFF800  }
0x140: {  	_ =	sfence.sel $0x180000  }
0x141: {  	[bflag:$0x0] =	sbarrier.arrive $0xFFFF  }
0x142: {  	_ =	strace $0x9000004D  }
0x143: {  	s0 =	stileid.u32;
	[bflag:$0x2] =	sbarrier.arrive $0xFFFF  }
0x144: {  	p0 =	sne.s32 s0, $0x0;
	s0 =	rddreg [dreg:$0x2]  }
0x145: {  	s0 =	sadd.s32 @!p0 $0x100000, s0  }
0x146: {  	[sflag:s0] =	ssyncadd.tile.s32 @!p0 $0x1;
	_ =	shalt  }
.Lfunc_end2:
_tile_overlayer_lowered:
.L_overlay_start_2:
0x147: {  	(tag) =	ssettag $0x2  }
0x148: {  	s0 =	rddreg [dreg:$0x0];
	s2 =	stileid.u32  }
0x149: {  	s1 =	rddreg [dreg:$0x1];
	p0 =	sne.s32 s2, $0x0  }
0x14a: {  	s3 =	rddreg [dreg:$0x2];
	[bflag:$0x3] =	sbarrier.arrive $0xFFFF;
	s2 =	simm.s32 @!p0 $0x1C07  }
0x14b: {  	[timem:s3], [sflag:s2] =	dma.local @!p0 [hbm:s0], s1  }
0x14c: {  	s0 =	simm.s32 @!p0 $0x7  }
0x14d: {  	_ =	swait.ge @!p0 [sflag:s0], s1  }
0x14e: {  	s1 =	ssub.s32 @!p0 $0x0, s1;
	[sflag:s0] =	ssyncset.done @!p0 $0x0  }
0x14f: {  	[sflag:s0] =	ssyncadd.s32 @!p0 s1  }
0x150: {  	[bflag:$0x3] =	sbarrier.arrive $0xFFFF  }
0x151: {  	_ =	shalt  }

// kernel: kernel.8.cloned.1.call-start
scs
__scs_entry_jumppad:
0x0: {  	(pc) =	sbr.rel $0x88, $3  }
0x1: {  	(tag) =	ssettag $0x0;
	lr =	simm.s32 $0x1  }
0x2: {  	[smem:$0x3F96] =	sst lr;
	_ =	strace $0xD0000000  }
0x3: {  	_ = 	snop  }
0x4: {  	_ = 	snop  }
0x5: {  	_ = 	snop  }
0x6: {  	_ = 	snop  }
0x7: {  	_ = 	snop  }
__scs_overlays_trampoline_lowered:
0x8: {  	[smem:$0x3FA5] =	sst s0  }
0x9: {  	[smem:$0x3FA6] =	sst s1  }
0xa: {  	[smem:$0x3FA7] =	sst s2  }
0xb: {  	[smem:$0x3FA8] =	sst s3  }
0xc: {  	[smem:$0x3FA9] =	sst s4  }
0xd: {  	[smem:$0x3FAA] =	sst s5  }
0xe: {  	[smem:$0x3FAB] =	sst s6  }
0xf: {  	[smem:$0x3FAC] =	sst s7  }
0x10: {  	[smem:$0x3FAD] =	sst s8  }
0x11: {  	[smem:$0x3FAE] =	sst s9;
	s0 =	simm.s32 @!p0 $0x0  }
0x12: {  	s1 =	sld [smem:$0x3F94];
	s0 =	simm.s32 @p0 $0x1  }
0x13: {  	[smem:$0x3FAF] =	sst s0;
	s0 =	simm.s32 @!p1 $0x0  }
0x14: {  	s2 =	sld [smem:$0x3F93];
	s0 =	simm.s32 @p1 $0x1  }
0x15: {  	[smem:$0x3FB0] =	sst s0;
	s0 =	simm.s32 @!p2 $0x0  }
0x16: {  	s3 =	sld [smem:$0x3FDB];
	s0 =	simm.s32 @p2 $0x1  }
0x17: {  	s4 =	simm.s32 $0x1BF5;
	[smem:$0x3FB2] =	sst s0  }
0x18: {  	s0 =	sld [smem:$0x3F95];
	_ =	swait.ge [sflag:s4], $0x0  }
0x19: {  	s7 =	sld [smem:$0x3F96]  }
0x1a: {  	s8 =	sadd.s32 $0xFFFFE003, lr  }
0x1b: {  	s9 =	sadd.s32 $0xFFFFFEF7, lr;
	s5 =	simm.s32 $0xFFFFFFFF;
	p2 =	slt.u32 s8, $0xFFFFF086  }
0x1c: {  	p1 =	slt.u32 s9, $0xF7A;
	s5 =	simm.s32 @!p2 $0x0  }
0x1d: {  	s5 =	simm.s32 @p1 $0x1;
	p0 =	seq.s32 s7, s2  }
0x1e: {  	s7 =	smul.u32 @!p0 $0xF7A, s2;
	p2 =	seq.s32 @!p0 s5, $0x0  }
0x1f: {  	s9 =	smul.u32 $0xF7A, s1;
	s8 =	simm.s32 @!p0 $0x1BF5;
	p2 =	por !p2, p0  }
0x20: {  	[sflag:s8] =	ssyncset.s32 @!p0 $0xFFFFF086;
	s6 =	sadd.s32 @!p0 s3, s7;
	s7 =	simm.s32 @!p0 $0x108  }
0x21: {  	s3 =	sadd.s32 s3, s9;
	s6 =	sadd.s32 @!p0 $0x88, s6;
	s7 =	simm.s32 @p2 $0x1082  }
0x22: {  	[simem:s7], [sflag:s8] =	dma.local @!p0 [hbm:s6], $0xF7A  }
0x23: {  	s9 =	sor.u32 $0xD0000000, s2;
	s6 =	simm.s32 $0x108;
	_ =	swait.ge @!p0 [sflag:s8], $0x0  }
0x24: {  	s3 =	sadd.s32 $0x88, s3;
	s6 =	simm.s32 @!p1 $0x1082;
	[sflag:s4] =	ssyncset.s32 $0xFFFFF086  }
0x25: {  	[simem:s6], [sflag:s4] =	dma.local [hbm:s3], $0xF7A  }
0x26: {  	[smem:$0x3F96] =	sst s1;
	(tag) =	ssettag s2;
	_ =	strace s9  }
0x27: {  	s1 =	sld [smem:$0x3FA6]  }
0x28: {  	s2 =	sld [smem:$0x3FA7]  }
0x29: {  	s4 =	sld [smem:$0x3FA9]  }
0x2a: {  	p0 =	seq.s32 s5, $0x0;
	s5 =	sld [smem:$0x3FAA]  }
0x2b: {  	s6 =	sld [smem:$0x3FAB]  }
0x2c: {  	s7 =	sld [smem:$0x3FAC]  }
0x2d: {  	s3 =	simm.s32 $0x108;
	s8 =	sld [smem:$0x3FAD]  }
0x2e: {  	s3 =	simm.s32 @!p0 $0x1082;
	s9 =	sld [smem:$0x3FAE]  }
0x2f: {  	lr =	sadd.s32 s0, s3;
	s0 =	sld [smem:$0x3FA5]  }
0x30: {  	s3 =	sld [smem:$0x3FA8]  }
0x31: {  	[smem:$0x3FB1] =	sst s10  }
0x32: {  	s10 =	sld [smem:$0x3FAF];
	_ =	sdelay $0x3  }
0x33: {  	p0 =	seq.s32 s10, $0x1;
	s10 =	sld [smem:$0x3FB1];
	_ =	sdelay $0x3  }
0x34: {  	[smem:$0x3FB1] =	sst s10  }
0x35: {  	s10 =	sld [smem:$0x3FB0];
	_ =	sdelay $0x3  }
0x36: {  	p1 =	seq.s32 s10, $0x1;
	s10 =	sld [smem:$0x3FB1];
	_ =	sdelay $0x3  }
0x37: {  	[smem:$0x3FB1] =	sst s10  }
0x38: {  	s10 =	sld [smem:$0x3FB2]  }
0x39: {  	_ = 	snop;
	(pc) =	sbr.ind lr, $3  }
0x3a: {  	_ = 	snop  }
0x3b: {  	_ = 	snop  }
0x3c: {  	p2 =	seq.s32 s10, $0x1;
	s10 =	sld [smem:$0x3FB1]  }
0x3d: {  	_ =	shalt  }
0x3e: {  	_ =	shalt  }
0x3f: {  	_ =	shalt  }
0x40: {  	_ =	shalt  }
0x41: {  	_ =	shalt  }
0x42: {  	_ =	shalt  }
0x43: {  	_ =	shalt  }
0x44: {  	_ =	shalt  }
0x45: {  	_ =	shalt  }
0x46: {  	_ =	shalt  }
0x47: {  	_ =	shalt  }
0x48: {  	_ =	shalt  }
0x49: {  	_ =	shalt  }
0x4a: {  	_ =	shalt  }
0x4b: {  	_ =	shalt  }
0x4c: {  	_ =	shalt  }
0x4d: {  	_ =	shalt  }
0x4e: {  	_ =	shalt  }
0x4f: {  	_ =	shalt  }
0x50: {  	_ =	shalt  }
0x51: {  	_ =	shalt  }
0x52: {  	_ =	shalt  }
0x53: {  	_ =	shalt  }
0x54: {  	_ =	shalt  }
0x55: {  	_ =	shalt  }
0x56: {  	_ =	shalt  }
0x57: {  	_ =	shalt  }
0x58: {  	_ =	shalt  }
0x59: {  	_ =	shalt  }
0x5a: {  	_ =	shalt  }
0x5b: {  	_ =	shalt  }
0x5c: {  	_ =	shalt  }
0x5d: {  	_ =	shalt  }
0x5e: {  	_ =	shalt  }
0x5f: {  	_ =	shalt  }
0x60: {  	_ =	shalt  }
0x61: {  	_ =	shalt  }
0x62: {  	_ =	shalt  }
0x63: {  	_ =	shalt  }
0x64: {  	_ =	shalt  }
0x65: {  	_ =	shalt  }
0x66: {  	_ =	shalt  }
0x67: {  	_ =	shalt  }
0x68: {  	_ =	shalt  }
0x69: {  	_ =	shalt  }
0x6a: {  	_ =	shalt  }
0x6b: {  	_ =	shalt  }
0x6c: {  	_ =	shalt  }
0x6d: {  	_ =	shalt  }
0x6e: {  	_ =	shalt  }
0x6f: {  	_ =	shalt  }
0x70: {  	_ =	shalt  }
0x71: {  	_ =	shalt  }
0x72: {  	_ =	shalt  }
0x73: {  	_ =	shalt  }
0x74: {  	_ =	shalt  }
0x75: {  	_ =	shalt  }
0x76: {  	_ =	shalt  }
0x77: {  	_ =	shalt  }
0x78: {  	_ =	shalt  }
0x79: {  	_ =	shalt  }
0x7a: {  	_ =	shalt  }
0x7b: {  	_ =	shalt  }
0x7c: {  	_ =	shalt  }
0x7d: {  	_ =	shalt  }
0x7e: {  	_ =	shalt  }
0x7f: {  	_ =	shalt  }
0x80: {  	_ =	shalt  }
0x81: {  	_ =	shalt  }
0x82: {  	_ =	shalt  }
0x83: {  	_ =	shalt  }
0x84: {  	_ =	shalt  }
0x85: {  	_ =	shalt  }
0x86: {  	_ =	shalt  }
0x87: {  	_ =	shalt  }
.Lfunc_end0:
.L_simem_size_0:
called_computation_lowered:
.L_overlay_start_0:
0x88: {  	s2 =	sld [smem:$0x3FD9]  }
0x89: {  	s3 =	sld [smem:$0x3FFE];
	_ =	sdelay $0x1  }
0x8a: {  	s1 =	srdreg.scid  }
0x8b: {  	s0 =	sand.u32 $0x1, s1  }
0x8c: {  	s16 =	sshll.u32 s0, $0xA;
	s2 =	sadd.s32 s3, s2  }
0x8d: {  	s2 =	sadd.s32 s2, s16  }
0x8e: {  	[smem:$0x3FBD] =	sst s2  }
0x8f: {  	_ = 	snop  }
0x90: {  	(tm) =	ssettm $0x1  }
0x91: {  	s17 =	sld [smem:$0x3FFB];
	_ =	sdelay $0x3  }
0x92: {  	_ =	strace s17  }
0x93: {  	s2 =	sld [smem:$0x3FFC];
	_ =	sdelay $0x3  }
0x94: {  	_ =	strace s2  }
0x95: {  	s2 =	sld [smem:$0x3FFD];
	_ =	sdelay $0x3  }
0x96: {  	_ =	strace s2  }
0x97: {  	_ =	strace $0x8FFFFFFF  }
0x98: {  	s18 =	sld [smem:$0x3FDB];
	_ =	sdelay $0x1  }
0x99: {  	s19 =	simm.s32 $_scs_section_size  }
0x9a: {  	s4 =	simm.s32 $_size__tile_overlayer_lowered;
	s5 =	simm.s32 $_tile_overlayer_lowered  }
0x9b: {  	s22 =	simm.s32 $0x1BFF;
	s21 =	sshll.u32 s5, $0x1;
	s2 =	sadd.s32 s19, s18  }
0x9c: {  	s6 =	simm.s32 $0x0;
	s20 =	sshll.u32 s4, $0x1;
	s4 =	sadd.s32 s21, s2  }
0x9d: {  	[timem:s6], [sflag:s22] =	dma.local [hbm:s4], s20  }
0x9e: {  	_ =	swait.ge [sflag:s22], s20  }
0x9f: {  	s3 =	ssub.s32 $0x0, s20;
	[sflag:s22] =	ssyncset.done $0x0  }
0xa0: {  	[sflag:s22] =	ssyncadd.s32 s3;
	_ =	sdelay $0x1  }
0xa1: {  	s23 =	simm.s32 $0x1B8B  }
0xa2: {  	_ =	swait.ge [sflag:s23], $0x1  }
0xa3: {  	[sflag:s23] =	ssyncset.done $0x0  }
0xa4: {  	s25 =	simm.s32 $0x1B8E;
	s24 =	sld [smem:$0x3FFE];
	[sflag:s23] =	ssyncadd.s32 $0xFFFFFFFF  }
0xa5: {  	s26 =	simm.s32 $execute0_lowered;
	[smem:$0x3FD2] =	sst s25  }
0xa6: {  	s4 =	sshll.u32 s26, $0x1;
	_ =	strace $0x80000046;
	[dreg:$0x1] =	wrdreg $0xFFFFFFFF  }
0xa7: {  	s28 =	simm.s32 $_size_execute0_lowered;
	s2 =	sadd.s32 s2, s4;
	[dreg:$0x0] =	wrdreg $0x0  }
0xa8: {  	s4 =	sshll.u32 s28, $0x1;
	[dreg:$0x2] =	wrdreg s2  }
0xa9: {  	[dreg:$0x3] =	wrdreg s4  }
0xaa: {  	[dreg:$0x4] =	wrdreg $0xC0  }
0xab: {  	_ =	task [dreg:s6], $0x5FFFF  }
0xac: {  	[dreg:$0x1] =	wrdreg $0xFFFFFFFF  }
0xad: {  	[dreg:$0x0] =	wrdreg $0x60  }
0xae: {  	[dreg:$0x2] =	wrdreg s24  }
0xaf: {  	[dreg:$0x3] =	wrdreg $0x2A800  }
0xb0: {  	[dreg:$0x4] =	wrdreg $0x9  }
0xb1: {  	_ =	task.clear_ibuf [dreg:s6], $0x5FFFF;
	_ =	strace $0x90000046  }
0xb2: {  	s29 =	simm.s32 $0x9;
	_ =	strace $0x80000048  }
0xb3: {  	_ =	swait.ge [sflag:s29], $0x1  }
0xb4: {  	[sflag:s29] =	ssyncadd.s32 $0xFFFFFFFF  }
0xb5: {  	_ =	strace $0x90000048  }
0xb6: {  	_ =	sfence  }
0xb7: {  	s30 =	sld [smem:$0x0];
	_ =	sdelay $0x2  }
0xb8: {  	s31 =	sshll.u32 s1, $0xD;
	s1 =	sshrl.u32 s1, $0x2  }
0xb9: {  	s3 =	sand.u32 $0x4000, s31;
	s1 =	sadd.s32 s1, s30  }
0xba: {  	s0 =	sor.u32 s3, s0;
	s1 =	sshll.u32 s1, $0x11  }
0xbb: {  	s0 =	sor.u32 s1, s0  }
0xbc: {  	s0 =	sadd.s32 $0x8F2B, s0  }
0xbd: {  	[sflag:s0] =	ssyncadd.remote.s32 $0x1  }
0xbe: {  	_ =	sfence.sel $0xFFFF  }
0xbf: {  	[dreg:$0x0] =	wrdreg $0xFFFFFFFF;
	(pc) =	sbr.abs _section_cstart, $3  }
0xc0: {  	[dreg:$0x1] =	wrdreg $0xFFFFFFFF  }
0xc1: {  	_ =	task.clear_ibuf [dreg:s6], $0x2FFFF;
	_ =	strace $0x9FFFFFFF  }
0xc2: {  	(tm) =	ssettm $0x7FFFFFFF  }
0xc3: {  	_ =	shalt  }
tec
execute0_lowered:
.L_overlay_start_1:
0x0: {  	(tag) =	ssettag $0x1  }
0x1: {  	s5 =	rddreg [dreg:$0x0]  }
0x2: {  	s0 =	srdreg.scid;
	s2 =	rddreg [dreg:$0x1]  }
0x3: {  	s3 =	simm.s32 $0x0;
	s10 =	simm.s32 $0x80;
	s11 =	simm.s32 $0x400  }
0x4: {  	s12 =	simm.s32 $0x50;
	s13 =	simm.s32 $0x2780;
	s14 =	simm.s32 $0xA0  }
0x5: {  	s15 =	simm.s32 $0x1;
	s16 =	simm.s32 $0x2;
	s17 =	simm.s32 $0x3  }
0x6: {  	s18 =	simm.s32 $0x2670;
	s19 =	simm.s32 $0x26C0;
	s22 =	simm.s32 $0x20  }
0x7: {  	s23 =	simm.s32 $0x10;
	s24 =	simm.s32 $0x0;
	s4 =	sand.u32 $0x1, s0  }
0x8: {  	s0 =	stileid.u32;
	[smem:$0x7FF] =	sst s3;
	s1 =	sshll.u32 s4, $0x4  }
0x9: {  	s7 =	sshll.u32 s0, $0x7;
	s30 =	smul.u32 $0x500, s0;
	s1 =	sor.u32 s0, s1  }
0xa: {  	s8 =	sshll.u32 s4, $0x7;
	s9 =	smul.u32 $0xA00, s0;
	s1 =	sshrl.u32 s1, $0x3  }
0xb: {  	s4 =	ssub.s32 $0x2, s4;
	s20 =	sshll.u32 s0, $0x6;
	s6 =	smul.u32 $0x13C00, s1  }
0xc: {  	s7 =	sand.u32 $0x380, s7;
	s31 =	sshrl.u32 s4, $0x1;
	s20 =	sor.u32 $0x1C04, s20  }
0xd: {  	s9 =	sshrl.u32 s9, $0x2;
	s1 =	rddreg [dreg:$0x2];
	s6 =	sor.u32 s7, s6  }
0xe: {  	_ =	strace $0x80000047;
	s7 =	sor.u32 s8, s30;
	s6 =	sadd.s32 $0x4F000, s6  }
0xf: {  	s8 =	ssub.s32 s4, s31;
	s4 =	sadd.s32 s9, s2;
	s6 =	sshrl.u32 s6, $0x3  }
0x10: {  	s9 =	simm.s32 $0x4;
	s7 =	sshrl.u32 s7, $0x3;
	s6 =	sadd.s32 s6, s5  }
0x11: {  	s21 =	sshrl.u32 s4, $0x3;
	s7 =	sadd.s32 s7, s5;
	s5 =	sadd.s32 $0x3000, s6  }
0x12: {  	v0 =	vimm.f32 $0.0e+00;
	v1 =	vimm.f32 $1.000000000e+00;
	s6 =	sadd.s32 $0x16C00, s7;
	s7 =	smax.u32 s8, $0x1;
	s8 =	simm.s32 $0x2800  }
.LBB2_1:
0x13: {  	[tilespmem:$0x2800] =	vst v0  }
0x14: {  	[tilespmem:$0x2810] =	vst v0  }
0x15: {  	[tilespmem:$0x2820] =	vst v0  }
0x16: {  	[tilespmem:$0x2830] =	vst v0  }
0x17: {  	[tilespmem:$0x2840] =	vst v0  }
0x18: {  	[tilespmem:$0x2850] =	vst v0  }
0x19: {  	[tilespmem:$0x2860] =	vst v0  }
0x1a: {  	[tilespmem:$0x2870] =	vst v0  }
0x1b: {  	[tilespmem:$0x2880] =	vst v0  }
0x1c: {  	[tilespmem:$0x2890] =	vst v0  }
0x1d: {  	[tilespmem:$0x28A0] =	vst v0  }
0x1e: {  	[tilespmem:$0x28B0] =	vst v0  }
0x1f: {  	[tilespmem:$0x28C0] =	vst v0  }
0x20: {  	[tilespmem:$0x28D0] =	vst v0  }
0x21: {  	[tilespmem:$0x28E0] =	vst v0  }
0x22: {  	[tilespmem:$0x28F0] =	vst v0  }
0x23: {  	[tilespmem:$0x2900] =	vst v0  }
0x24: {  	[tilespmem:$0x2910] =	vst v0  }
0x25: {  	[tilespmem:$0x2920] =	vst v0  }
0x26: {  	[tilespmem:$0x2930] =	vst v0  }
0x27: {  	[tilespmem:$0x2940] =	vst v0  }
0x28: {  	[tilespmem:$0x2950] =	vst v0  }
0x29: {  	[tilespmem:$0x2960] =	vst v0  }
0x2a: {  	[tilespmem:$0x2970] =	vst v0  }
0x2b: {  	[tilespmem:$0x2980] =	vst v0  }
0x2c: {  	[tilespmem:$0x2990] =	vst v0  }
0x2d: {  	[tilespmem:$0x29A0] =	vst v0  }
0x2e: {  	[tilespmem:$0x29B0] =	vst v0  }
0x2f: {  	[tilespmem:$0x29C0] =	vst v0  }
0x30: {  	[tilespmem:$0x29D0] =	vst v0  }
0x31: {  	[tilespmem:$0x29E0] =	vst v0  }
0x32: {  	[tilespmem:$0x29F0] =	vst v0  }
0x33: {  	[tilespmem:$0x2A00] =	vst v0  }
0x34: {  	[tilespmem:$0x2A10] =	vst v0  }
0x35: {  	[tilespmem:$0x2A20] =	vst v0  }
0x36: {  	[tilespmem:$0x2A30] =	vst v0  }
0x37: {  	[tilespmem:$0x2A40] =	vst v0  }
0x38: {  	[tilespmem:$0x2A50] =	vst v0  }
0x39: {  	[tilespmem:$0x2A60] =	vst v0  }
0x3a: {  	[tilespmem:$0x2A70] =	vst v0  }
0x3b: {  	[tilespmem:$0x2780] =	vst v1  }
0x3c: {  	[tilespmem:$0x2790] =	vst v1  }
0x3d: {  	[tilespmem:$0x27A0] =	vst v1  }
0x3e: {  	[tilespmem:$0x27B0] =	vst v1  }
0x3f: {  	[tilespmem:$0x27C0] =	vst v1  }
0x40: {  	[spmem:s4] =	stream.linear.scatter [tilespmem:s8], [sflag:$0x4], $0x280, $0x38;
	[tilespmem:$0x2D00] =	vst v63  }
0x41: {  	_ =	swait.ge [sflag:s9], $0x280  }
0x42: {  	[sflag:s9] =	ssyncset.done $0x0  }
0x43: {  	[sflag:s9] =	ssyncadd.s32 $0xFFFFFD80  }
0x44: {  	[bflag:$0x0] =	sbarrier.arrive $0xFFFF  }
0x45: {  	[tilespmem:s3], [sflag:$0x4] =	stream.strided.gather [hbm4b:s5+s10], $0x2780, s11, s10, $0x38;
	[tilespmem:$0x2D00] =	vst v63  }
0x46: {  	_ =	swait.ge [sflag:s9], $0x2780  }
0x47: {  	[sflag:s9] =	ssyncset.done $0x0  }
0x48: {  	[sflag:s9] =	ssyncadd.s32 $0xFFFFD880  }
0x49: {  	[spmem:s2] =	stream.indirect.scatter.add.f32 [tilespmem:s13], [sflag:$0x1], $0x1, s3, s12, $0xb8;
	[tilespmem:$0x2D00] =	vst v63  }
0x4a: {  	_ = 	snop  }
0x4b: {  	[spmem:s2] =	stream.indirect.scatter.add.f32 [tilespmem:s13], [sflag:$0x2], $0x1, s12, s12, $0xb8;
	[tilespmem:$0x2D00] =	vst v63  }
0x4c: {  	_ = 	snop  }
0x4d: {  	[spmem:s2] =	stream.indirect.scatter.add.f32 [tilespmem:s13], [sflag:$0x3], $0x1, s14, s12, $0xb8;
	[tilespmem:$0x2D00] =	vst v63  }
0x4e: {  	_ =	swait.ge [sflag:s15], $0x50  }
0x4f: {  	[sflag:s15] =	ssyncset.done $0x0  }
0x50: {  	s25 =	simm.s32 $0xF0;
	[sflag:s15] =	ssyncadd.s32 $0xFFFFFFB0  }
0x51: {  	[spmem:s2] =	stream.indirect.scatter.add.f32 [tilespmem:s13], [sflag:$0x1], $0x1, s25, s12, $0xb8;
	[tilespmem:$0x2D00] =	vst v63  }
0x52: {  	_ =	swait.ge [sflag:s16], $0x50  }
0x53: {  	[sflag:s16] =	ssyncset.done $0x0  }
0x54: {  	s31 =	simm.s32 $0x140;
	[sflag:s16] =	ssyncadd.s32 $0xFFFFFFB0  }
0x55: {  	[spmem:s2] =	stream.indirect.scatter.add.f32 [tilespmem:s13], [sflag:$0x2], $0x1, s31, s12, $0xb8;
	[tilespmem:$0x2D00] =	vst v63  }
0x56: {  	_ =	swait.ge [sflag:s17], $0x50  }
0x57: {  	[sflag:s17] =	ssyncset.done $0x0  }
0x58: {  	s26 =	simm.s32 $0x190;
	s25 =	simm.s32 $0xFFFF6DC0;
	[sflag:s17] =	ssyncadd.s32 $0xFFFFFFB0  }
.LBB2_2:
0x59: {  	[spmem:s2] =	stream.indirect.scatter.add.f32 [tilespmem:s13], [sflag:$0x3], $0x1, s26, s12, $0xb8;
	[tilespmem:$0x2D00] =	vst v63  }
0x5a: {  	s26 =	smov.u32 s25  }
0x5b: {  	p0 =	sne.s32 s25, $0xFFFFFC40;
	s25 =	sadd.s32 $0x3C0, s25;
	_ =	swait.ge [sflag:s15], $0x50  }
0x5c: {  	s26 =	sshra.s32 s26, $0x2;
	[sflag:s15] =	ssyncset.done $0x0  }
0x5d: {  	s28 =	sadd.s32 $0x2670, s26;
	[sflag:s15] =	ssyncadd.s32 $0xFFFFFFB0  }
0x5e: {  	[spmem:s2] =	stream.indirect.scatter.add.f32 [tilespmem:s13], [sflag:$0x1], $0x1, s28, s12, $0xb8;
	[tilespmem:$0x2D00] =	vst v63  }
0x5f: {  	_ =	swait.ge [sflag:s16], $0x50  }
0x60: {  	[sflag:s16] =	ssyncset.done $0x0  }
.Ltmp0:
0x61: {  	s28 =	sadd.s32 $0x26C0, s26;
	[sflag:s16] =	ssyncadd.s32 $0xFFFFFFB0;
	(pc) =	sbr.rel @p0 .LBB2_2-.Ltmp0, $4  }
0x62: {  	[spmem:s2] =	stream.indirect.scatter.add.f32 [tilespmem:s13], [sflag:$0x2], $0x1, s28, s12, $0xb8;
	[tilespmem:$0x2D00] =	vst v63  }
0x63: {  	_ =	swait.ge [sflag:s17], $0x50  }
0x64: {  	[sflag:s17] =	ssyncset.done $0x0  }
0x65: {  	s26 =	sadd.s32 $0x2710, s26;
	[sflag:s17] =	ssyncadd.s32 $0xFFFFFFB0  }
0x66: {  	[spmem:s2] =	stream.indirect.scatter.add.f32 [tilespmem:s13], [sflag:$0x3], $0x1, s26, s12, $0xb8;
	[tilespmem:$0x2D00] =	vst v63  }
0x67: {  	_ =	swait.ge [sflag:s15], $0x50  }
0x68: {  	[sflag:s15] =	ssyncset.done $0x0  }
0x69: {  	[sflag:s15] =	ssyncadd.s32 $0xFFFFFFB0  }
0x6a: {  	[spmem:s2] =	stream.indirect.scatter.add.f32 [tilespmem:s13], [sflag:$0x1], $0x1, s18, s12, $0xb8;
	[tilespmem:$0x2D00] =	vst v63  }
0x6b: {  	_ =	swait.ge [sflag:s16], $0x50  }
0x6c: {  	[sflag:s16] =	ssyncset.done $0x0  }
0x6d: {  	[sflag:s16] =	ssyncadd.s32 $0xFFFFFFB0  }
0x6e: {  	[spmem:s2] =	stream.indirect.scatter.add.f32 [tilespmem:s13], [sflag:$0x2], $0x1, s19, s12, $0xb8;
	[tilespmem:$0x2D00] =	vst v63  }
0x6f: {  	_ =	swait.ge [sflag:s17], $0x50  }
0x70: {  	[sflag:s17] =	ssyncset.done $0x0  }
0x71: {  	[sflag:s17] =	ssyncadd.s32 $0xFFFFFFB0  }
0x72: {  	_ =	swait.ge [sflag:s15], $0x50  }
0x73: {  	[sflag:s15] =	ssyncset.done $0x0  }
0x74: {  	[sflag:s15] =	ssyncadd.s32 $0xFFFFFFB0  }
0x75: {  	_ =	swait.ge [sflag:s16], $0x50  }
0x76: {  	s24 =	sadd.s32 $0x1, s24;
	[sflag:s16] =	ssyncset.done $0x0  }
0x77: {  	p0 =	sne.s32 s24, s7;
	[sflag:s16] =	ssyncadd.s32 $0xFFFFFFB0  }
.Ltmp1:
0x78: {  	[bflag:$0x0] =	sbarrier.arrive $0xFFFF;
	(pc) =	sbr.rel @p0 .LBB2_1-.Ltmp1, $4  }
0x79: {  	[hbm:s6@s22], [sflag:s20] =	dma.strided [spmem:s21@s23], $0x50, s15, $0x10   }
0x7a: {  	_ =	swait.ge [sflag:s9], $0x50  }
0x7b: {  	[sflag:s9] =	ssyncset.done $0x0  }
0x7c: {  	[sflag:s9] =	ssyncadd.s32 $0xFFFFFFB0  }
0x7d: {  	_ =	sfence.sel $0x180000  }
0x7e: {  	[bflag:$0x0] =	sbarrier.arrive $0xFFFF  }
0x7f: {  	p0 =	sne.s32 s0, $0x0;
	_ =	strace $0x90000047  }
0x80: {  	s0 =	sadd.s32 @!p0 $0x100000, s1;
	[bflag:$0x2] =	sbarrier.arrive $0xFFFF  }
0x81: {  	[sflag:s0] =	ssyncadd.tile.s32 @!p0 $0x1;
	_ =	shalt  }
.Lfunc_end2:
_tile_overlayer_lowered:
.L_overlay_start_2:
0x82: {  	(tag) =	ssettag $0x2  }
0x83: {  	s0 =	rddreg [dreg:$0x0];
	s2 =	stileid.u32  }
0x84: {  	s1 =	rddreg [dreg:$0x1];
	p0 =	sne.s32 s2, $0x0  }
0x85: {  	s3 =	rddreg [dreg:$0x2];
	[bflag:$0x3] =	sbarrier.arrive $0xFFFF;
	s2 =	simm.s32 @!p0 $0x1C04  }
0x86: {  	[timem:s3], [sflag:s2] =	dma.local @!p0 [hbm:s0], s1  }
0x87: {  	s0 =	simm.s32 @!p0 $0x4  }
0x88: {  	_ =	swait.ge @!p0 [sflag:s0], s1  }
0x89: {  	s1 =	ssub.s32 @!p0 $0x0, s1;
	[sflag:s0] =	ssyncset.done @!p0 $0x0  }
0x8a: {  	[sflag:s0] =	ssyncadd.s32 @!p0 s1  }
0x8b: {  	[bflag:$0x3] =	sbarrier.arrive $0xFFFF  }
0x8c: {  	_ =	shalt  }

</sc_bundles>
